<compile_context>
chip_gen: v7x
topology: tpu7x:2x2x1
jax: 0.10.2.dev20260603
libtpu: 0.0.44.dev20260713+nightly
codegen_flags: <defaults>
</compile_context>

<pallas_src>
import functools

import jax
import jax.numpy as jnp
from jax import lax
from jax.experimental import pallas as pl
from jax.experimental.pallas import tpu as pltpu
from jax.experimental.pallas import tpu_sc as plsc

N = 10000
E = 320000
NC = 2
NS = 16
NW = NC * NS
EPT = E // NW
CH = 100
NCH = EPT // CH
NP = N
RPT = NP // NS
ZR = 125


def _mesh():
    return plsc.VectorSubcoreMesh(core_axis_name="c", subcore_axis_name="s")


def _fill(ref, nrow, ncol, val):
    v = jnp.full((16,), val, jnp.float32)

    def body(i, carry):
        r = i // (ncol // 16)
        c = i % (ncol // 16)
        ref[r, pl.ds(c * 16, 16)] = v
        return carry

    lax.fori_loop(0, nrow * (ncol // 16), body, 0)


@functools.partial(
    pl.kernel,
    out_type=(
        jax.ShapeDtypeStruct((NC, NP, 16), jnp.float32),
        jax.ShapeDtypeStruct((NC, NP, 16), jnp.float32),
    ),
    mesh=_mesh(),
    compiler_params=pltpu.CompilerParams(use_tc_tiling_on_sc=False),
    scratch_types=[
        pltpu.VMEM((NCH, CH), jnp.int32),
        pltpu.VMEM((NCH, CH), jnp.int32),
        pltpu.VMEM((CH, 16), jnp.float32),
        pltpu.VMEM((ZR, 16), jnp.float32),
        pltpu.VMEM_SHARED((NP, 16), jnp.float32),
        pltpu.VMEM_SHARED((NP, 16), jnp.float32),
        pltpu.SemaphoreType.DMA,
        pltpu.SemaphoreType.DMA,
    ],
)
def _sc_degrees(src_hbm, dst_hbm, do_hbm, di_hbm, isall, idall, ones_v,
                z_v, do_sh, di_sh, semA, semB):
    cid = lax.axis_index("c")
    sid = lax.axis_index("s")
    w = cid * NS + sid

    pltpu.sync_copy(src_hbm.at[w], isall)
    pltpu.sync_copy(dst_hbm.at[w], idall)
    _fill(ones_v, CH, 16, 1.0)
    _fill(z_v, ZR, 16, 0.0)

    def zb(i, carry):
        r0 = sid * RPT + i * ZR
        pltpu.sync_copy(z_v, do_sh.at[pl.ds(r0, ZR)])
        pltpu.sync_copy(z_v, di_sh.at[pl.ds(r0, ZR)])
        return carry

    lax.fori_loop(0, RPT // ZR, zb, 0)
    plsc.subcore_barrier()

    def body(i, carry):
        pltpu.async_copy(ones_v, do_sh.at[isall.at[i]], semA, add=True)
        pltpu.async_copy(ones_v, di_sh.at[idall.at[i]], semB, add=True)

        @pl.when(i > 2)
        def _():
            pltpu.make_async_copy(ones_v, do_sh.at[isall.at[i - 3]],
                                  semA).wait()
            pltpu.make_async_copy(ones_v, di_sh.at[idall.at[i - 3]],
                                  semB).wait()

        return carry

    lax.fori_loop(0, NCH, body, 0)
    for _k in range(3):
        pltpu.make_async_copy(ones_v, do_sh.at[isall.at[NCH - 1]],
                              semA).wait()
        pltpu.make_async_copy(ones_v, di_sh.at[idall.at[NCH - 1]],
                              semB).wait()
    plsc.subcore_barrier()

    r0 = sid * RPT
    pltpu.sync_copy(do_sh.at[pl.ds(r0, RPT)], do_hbm.at[cid, pl.ds(r0, RPT)])
    pltpu.sync_copy(di_sh.at[pl.ds(r0, RPT)], di_hbm.at[cid, pl.ds(r0, RPT)])


def _make_sc_agg(D, NBUF, C):
    NCHk = EPT // C
    assert EPT % C == 0 and NCHk % NBUF == 0

    @functools.partial(
        pl.kernel,
        out_type=jax.ShapeDtypeStruct((NC, NP, D), jnp.float32),
        mesh=_mesh(),
        compiler_params=pltpu.CompilerParams(use_tc_tiling_on_sc=False),
        scratch_types=[
            pltpu.VMEM((NCHk, C), jnp.int32),
            pltpu.VMEM((NCHk, C), jnp.int32),
            [pltpu.VMEM((C, D), jnp.float32)] * NBUF,
            [pltpu.SemaphoreType.DMA] * NBUF,
            [pltpu.SemaphoreType.DMA] * NBUF,
            pltpu.VMEM_SHARED((NP, D), jnp.float32),
        ],
    )
    def _sc_agg(y_hbm, src_hbm, dst_hbm, out_hbm, isall, idall, rows,
                semg, sems, agg_sh):
        cid = lax.axis_index("c")
        sid = lax.axis_index("s")
        w = cid * NS + sid

        pltpu.sync_copy(src_hbm.at[w], isall)
        pltpu.sync_copy(dst_hbm.at[w], idall)

        _fill(rows[0], C, D, 0.0)

        def zb(i, carry):
            pltpu.sync_copy(rows[0], agg_sh.at[pl.ds(sid * RPT + i * C, C)])
            return carry

        lax.fori_loop(0, RPT // C, zb, 0)
        if RPT % C:
            pltpu.sync_copy(rows[0].at[pl.ds(0, RPT % C)],
                            agg_sh.at[pl.ds(sid * RPT + (RPT // C) * C,
                                            RPT % C)])
        plsc.subcore_barrier()

        for b in range(NBUF):
            pltpu.async_copy(y_hbm.at[isall.at[b]], rows[b], semg[b])

        def body(g, carry):
            base = g * NBUF
            for b in range(NBUF):
                cc = base + b
                pltpu.make_async_copy(y_hbm.at[isall.at[cc]], rows[b],
                                      semg[b]).wait()
                pltpu.async_copy(rows[b], agg_sh.at[idall.at[cc]], sems[b],
                                 add=True)
                pb = (b - 1) % NBUF
                pcc = cc - 1

                def _drain_refill():
                    pltpu.make_async_copy(rows[pb], agg_sh.at[idall.at[pcc]],
                                          sems[pb]).wait()

                    @pl.when(pcc + NBUF < NCHk)
                    def _():
                        pltpu.async_copy(y_hbm.at[isall.at[pcc + NBUF]],
                                         rows[pb], semg[pb])

                if b == 0:
                    pl.when(g > 0)(_drain_refill)
                else:
                    _drain_refill()

            return carry

        lax.fori_loop(0, NCHk // NBUF, body, 0)
        pltpu.make_async_copy(rows[NBUF - 1], agg_sh.at[idall.at[NCHk - 1]],
                              sems[NBUF - 1]).wait()
        plsc.subcore_barrier()

        r0 = sid * RPT
        pltpu.sync_copy(agg_sh.at[pl.ds(r0, RPT)],
                        out_hbm.at[cid, pl.ds(r0, RPT)])

    return _sc_agg


_sc_agg128 = _make_sc_agg(128, 4, 50)
_sc_agg64 = _make_sc_agg(64, 8, 50)


def _tc_prep_body(do_ref, di_ref, x_ref, norm_ref, y_ref):
    deg_o = do_ref[0] + do_ref[1]
    deg_i = di_ref[0] + di_ref[1]
    ns = lax.rsqrt(jnp.maximum(deg_o, 1.0))
    nd = lax.rsqrt(jnp.maximum(deg_i, 1.0))
    norm_ref[...] = jnp.concatenate([ns, nd], axis=1)
    y_ref[...] = x_ref[...] * ns[:N, 0:1]


def _tc_prep(do_p, di_p, x):
    return pl.pallas_call(
        _tc_prep_body,
        out_shape=(
            jax.ShapeDtypeStruct((NP, 32), jnp.float32),
            jax.ShapeDtypeStruct((N, 128), jnp.float32),
        ),
    )(do_p, di_p, x)


def _tc_layer1_body(p_ref, norm_ref, w1_ref, b1_ref, w2_ref, y2_ref):
    agg = (p_ref[0] + p_ref[1]) * norm_ref[:, 16:17]
    h = jnp.maximum(
        jnp.dot(agg, w1_ref[...], preferred_element_type=jnp.float32)
        + b1_ref[...], 0.0)
    y2_ref[...] = jnp.dot(h, w2_ref[...],
                          preferred_element_type=jnp.float32) * norm_ref[:, 0:1]


def _tc_layer1(part1, norm, W1, b1, W2):
    blk = 1000
    return pl.pallas_call(
        _tc_layer1_body,
        grid=(N // blk,),
        in_specs=[
            pl.BlockSpec((2, blk, 128), lambda i: (0, i, 0)),
            pl.BlockSpec((blk, 32), lambda i: (i, 0)),
            pl.BlockSpec((128, 128), lambda i: (0, 0)),
            pl.BlockSpec((1, 128), lambda i: (0, 0)),
            pl.BlockSpec((128, 64), lambda i: (0, 0)),
        ],
        out_specs=pl.BlockSpec((blk, 64), lambda i: (i, 0)),
        out_shape=jax.ShapeDtypeStruct((N, 64), jnp.float32),
    )(part1, norm, W1, b1, W2)


def _tc_out_body(p_ref, norm_ref, b2_ref, out_ref):
    out_ref[...] = ((p_ref[0] + p_ref[1]) * norm_ref[:, 16:17]
                    + b2_ref[...])


def _tc_out(part2, norm, b2):
    blk = 1000
    return pl.pallas_call(
        _tc_out_body,
        grid=(N // blk,),
        in_specs=[
            pl.BlockSpec((2, blk, 64), lambda i: (0, i, 0)),
            pl.BlockSpec((blk, 32), lambda i: (i, 0)),
            pl.BlockSpec((1, 64), lambda i: (0, 0)),
        ],
        out_specs=pl.BlockSpec((blk, 64), lambda i: (i, 0)),
        out_shape=jax.ShapeDtypeStruct((N, 64), jnp.float32),
    )(part2, norm, b2)


def kernel(x, edge_index, W1, b1, W2, b2):
    src = edge_index[0].reshape(NW, NCH, CH)
    dst = edge_index[1].reshape(NW, NCH, CH)
    src50 = edge_index[0].reshape(NW, EPT // 50, 50)
    dst50 = edge_index[1].reshape(NW, EPT // 50, 50)
    do_p, di_p = _sc_degrees(src, dst)
    norm, y1 = _tc_prep(do_p, di_p, x)
    part1 = _sc_agg128(y1, src50, dst50)
    y2 = _tc_layer1(part1, norm, W1, b1.reshape(1, -1), W2)
    part2 = _sc_agg64(y2, src50, dst50)
    return _tc_out(part2, norm, b2.reshape(1, -1))

# --- scband reference (transcript-rebuilt; emitter-appended) ---
"""Pipeline reference for scband-gcn-31576599560549 (READ-ONLY COPY).

The authoritative reference and input builder live on the scoring server;
editing this copy changes nothing except your own understanding.
"""

import jax, jax.numpy as jnp
import numpy as np

N = 10000
E = 320000
D_IN = 128
D_HID = 128
D_OUT = 64


def setup_inputs(seed: int = 0) -> dict:
    key = jax.random.key(seed)
    k1, k2, k3, k4, k5, k6 = jax.random.split(key, 6)
    x = jax.random.normal(k1, (N, D_IN), dtype=jnp.float32)
    edge_index = jax.random.randint(k2, (2, E), 0, N, dtype=jnp.int32)
    # GraphConv layer 0: in_feats -> n_hidden (glorot init)
    s1 = float(np.sqrt(6.0 / (D_IN + D_HID)))
    W1 = jax.random.uniform(k3, (D_IN, D_HID), dtype=jnp.float32, minval=-s1, maxval=s1)
    b1 = jnp.zeros((D_HID,), dtype=jnp.float32)
    # GraphConv layer 1: n_hidden -> n_classes
    s2 = float(np.sqrt(6.0 / (D_HID + D_OUT)))
    W2 = jax.random.uniform(k4, (D_HID, D_OUT), dtype=jnp.float32, minval=-s2, maxval=s2)
    b2 = jnp.zeros((D_OUT,), dtype=jnp.float32)
    return {"x": x, "edge_index": edge_index, "W1": W1, "b1": b1, "W2": W2, "b2": b2}


def reference(x, edge_index, W1, b1, W2, b2):
    # Faithful JAX port of a 2-layer GCN built from dgl.nn.GraphConv(norm='both'):
    #   h' = D_in^{-1/2} * A^T * (D_out^{-1/2} * h) @ W + b
    # degrees clamped to min 1, as in DGL. Dropout p=0.0 -> identity.
    src = edge_index[0]
    dst = edge_index[1]
    ones = jnp.ones((E,), dtype=jnp.float32)
    deg_out = jnp.zeros((N,), dtype=jnp.float32).at[src].add(ones)
    deg_in = jnp.zeros((N,), dtype=jnp.float32).at[dst].add(ones)
    norm_src = jnp.power(jnp.clip(deg_out, 1.0), -0.5)
    norm_dst = jnp.power(jnp.clip(deg_in, 1.0), -0.5)

    def graph_conv(h, W, b):
        h = h * norm_src[:, None]
        msgs = jnp.take(h, src, axis=0)
        agg = jax.ops.segment_sum(msgs, dst, num_segments=N)
        agg = agg * norm_dst[:, None]
        return agg @ W + b

    h = graph_conv(x, W1, b1)
    h = jax.nn.relu(h)  # activation between layers; dropout(0.0) is identity
    out = graph_conv(h, W2, b2)
    return out

if __name__ == "__main__":
    import jax
    _d = setup_inputs()
    print(jax.jit(kernel)(*tuple(_d.values())))

</pallas_src>

<mosaic_0001>
#map = affine_map<(d0, d1) -> (0, 0, 0)>
module attributes {stable_mosaic.version = 14 : i64} {
  func.func @_sc_degrees(%arg0: i32, %arg1: i32, %arg2: memref<32x100x100xi32, #tpu.memory_space<hbm>>, %arg3: memref<32x100x100xi32, #tpu.memory_space<hbm>>, %arg4: memref<2x10000x16xf32, #tpu.memory_space<hbm>>, %arg5: memref<2x10000x16xf32, #tpu.memory_space<hbm>>, %arg6: memref<100x100xi32, #tpu.memory_space<vmem>>, %arg7: memref<100x100xi32, #tpu.memory_space<vmem>>, %arg8: memref<100x16xf32, #tpu.memory_space<vmem>>, %arg9: memref<125x16xf32, #tpu.memory_space<vmem>>, %arg10: memref<10000x16xf32, #tpu.memory_space<vmem_shared>>, %arg11: memref<10000x16xf32, #tpu.memory_space<vmem_shared>>, %arg12: memref<!tpu.dma_semaphore, #tpu.memory_space<semaphore_mem>>, %arg13: memref<!tpu.dma_semaphore, #tpu.memory_space<semaphore_mem>>) attributes {dimension_semantics = [#tpu.dimension_semantics<core_parallel>, #tpu.dimension_semantics<subcore_parallel>], iteration_bounds = array<i64: 2, 16>, scalar_prefetch = 0 : i64, scratch_operands = 8 : i64, tpu.core_type = #tpu.core_type<sc_vector_subcore>, window_params = [{transform_indices = #map}, {transform_indices = #map}, {transform_indices = #map}, {transform_indices = #map}]} {
    %mul3A = arith.constant 16 : i32
    %mul3A_0 = arith.muli %arg0, %mul3A : i32
    %add3A = arith.addi %mul3A_0, %arg1 : i32
    "tpu.region"() ({
      %run_scoped3A = tpu.sem_alloc : memref<!tpu.dma_semaphore, #tpu.memory_space<semaphore_mem>>
      %dma_start3A = arith.constant 0 : i32
      %dma_start3A_71 = arith.constant 0 : i32
      %dma_start3A_72 = tpu.memref_slice %arg2[%add3A, %dma_start3A, %dma_start3A_71] : memref<32x100x100xi32, #tpu.memory_space<hbm>> -> memref<1x100x100xi32, #tpu.memory_space<hbm>>
      %dma_start3A_73 = tpu.memref_squeeze %dma_start3A_72 : memref<1x100x100xi32, #tpu.memory_space<hbm>> -> memref<100x100xi32, #tpu.memory_space<hbm>>
      %dma_start3A_74 = arith.constant 0 : i32
      %dma_start3A_75 = arith.constant 0 : i32
      %dma_start3A_76 = tpu.memref_slice %arg2[%add3A, %dma_start3A_74, %dma_start3A_75] : memref<32x100x100xi32, #tpu.memory_space<hbm>> -> memref<1x100x100xi32, #tpu.memory_space<hbm>>
      %dma_start3A_77 = tpu.memref_squeeze %dma_start3A_76 : memref<1x100x100xi32, #tpu.memory_space<hbm>> -> memref<100x100xi32, #tpu.memory_space<hbm>>
      tpu.enqueue_dma source(%dma_start3A_77 : memref<100x100xi32, #tpu.memory_space<hbm>>) target(%arg6 : memref<100x100xi32, #tpu.memory_space<vmem>>) target_semaphore(%run_scoped3A : memref<!tpu.dma_semaphore, #tpu.memory_space<semaphore_mem>>)
      %dma_wait3A_78 = arith.constant 0 : i32
      %dma_wait3A_79 = arith.constant 0 : i32
      %dma_wait3A_80 = tpu.memref_slice %arg2[%add3A, %dma_wait3A_78, %dma_wait3A_79] : memref<32x100x100xi32, #tpu.memory_space<hbm>> -> memref<1x100x100xi32, #tpu.memory_space<hbm>>
      %dma_wait3A_81 = tpu.memref_squeeze %dma_wait3A_80 : memref<1x100x100xi32, #tpu.memory_space<hbm>> -> memref<100x100xi32, #tpu.memory_space<hbm>>
      %dma_wait3A_82 = arith.constant 0 : i32
      %dma_wait3A_83 = arith.constant 0 : i32
      %dma_wait3A_84 = tpu.memref_slice %arg2[%add3A, %dma_wait3A_82, %dma_wait3A_83] : memref<32x100x100xi32, #tpu.memory_space<hbm>> -> memref<1x100x100xi32, #tpu.memory_space<hbm>>
      %dma_wait3A_85 = tpu.memref_squeeze %dma_wait3A_84 : memref<1x100x100xi32, #tpu.memory_space<hbm>> -> memref<100x100xi32, #tpu.memory_space<hbm>>
      tpu.wait_dma2 semaphore(%run_scoped3A : memref<!tpu.dma_semaphore, #tpu.memory_space<semaphore_mem>>) src(%dma_wait3A_85 : memref<100x100xi32, #tpu.memory_space<hbm>>) dst(%arg6 : memref<100x100xi32, #tpu.memory_space<vmem>>)
      tpu.yield
    }) : () -> ()
    "tpu.region"() ({
      %run_scoped3A = tpu.sem_alloc : memref<!tpu.dma_semaphore, #tpu.memory_space<semaphore_mem>>
      %dma_start3A = arith.constant 0 : i32
      %dma_start3A_71 = arith.constant 0 : i32
      %dma_start3A_72 = tpu.memref_slice %arg3[%add3A, %dma_start3A, %dma_start3A_71] : memref<32x100x100xi32, #tpu.memory_space<hbm>> -> memref<1x100x100xi32, #tpu.memory_space<hbm>>
      %dma_start3A_73 = tpu.memref_squeeze %dma_start3A_72 : memref<1x100x100xi32, #tpu.memory_space<hbm>> -> memref<100x100xi32, #tpu.memory_space<hbm>>
      %dma_start3A_74 = arith.constant 0 : i32
      %dma_start3A_75 = arith.constant 0 : i32
      %dma_start3A_76 = tpu.memref_slice %arg3[%add3A, %dma_start3A_74, %dma_start3A_75] : memref<32x100x100xi32, #tpu.memory_space<hbm>> -> memref<1x100x100xi32, #tpu.memory_space<hbm>>
      %dma_start3A_77 = tpu.memref_squeeze %dma_start3A_76 : memref<1x100x100xi32, #tpu.memory_space<hbm>> -> memref<100x100xi32, #tpu.memory_space<hbm>>
      tpu.enqueue_dma source(%dma_start3A_77 : memref<100x100xi32, #tpu.memory_space<hbm>>) target(%arg7 : memref<100x100xi32, #tpu.memory_space<vmem>>) target_semaphore(%run_scoped3A : memref<!tpu.dma_semaphore, #tpu.memory_space<semaphore_mem>>)
      %dma_wait3A_78 = arith.constant 0 : i32
      %dma_wait3A_79 = arith.constant 0 : i32
      %dma_wait3A_80 = tpu.memref_slice %arg3[%add3A, %dma_wait3A_78, %dma_wait3A_79] : memref<32x100x100xi32, #tpu.memory_space<hbm>> -> memref<1x100x100xi32, #tpu.memory_space<hbm>>
      %dma_wait3A_81 = tpu.memref_squeeze %dma_wait3A_80 : memref<1x100x100xi32, #tpu.memory_space<hbm>> -> memref<100x100xi32, #tpu.memory_space<hbm>>
      %dma_wait3A_82 = arith.constant 0 : i32
      %dma_wait3A_83 = arith.constant 0 : i32
      %dma_wait3A_84 = tpu.memref_slice %arg3[%add3A, %dma_wait3A_82, %dma_wait3A_83] : memref<32x100x100xi32, #tpu.memory_space<hbm>> -> memref<1x100x100xi32, #tpu.memory_space<hbm>>
      %dma_wait3A_85 = tpu.memref_squeeze %dma_wait3A_84 : memref<1x100x100xi32, #tpu.memory_space<hbm>> -> memref<100x100xi32, #tpu.memory_space<hbm>>
      tpu.wait_dma2 semaphore(%run_scoped3A : memref<!tpu.dma_semaphore, #tpu.memory_space<semaphore_mem>>) src(%dma_wait3A_85 : memref<100x100xi32, #tpu.memory_space<hbm>>) dst(%arg7 : memref<100x100xi32, #tpu.memory_space<vmem>>)
      tpu.yield
    }) : () -> ()
    %broadcast_in_dim3A = arith.constant 1.000000e+00 : f32
    %broadcast_in_dim3A_1 = vector.broadcast %broadcast_in_dim3A : f32 to vector<16xf32>
    %scan3A = arith.constant 0 : i32
    %scan3A_2 = arith.constant 0 : i32
    %scan3A_3 = arith.constant 100 : i32
    %scan3A_4 = arith.addi %scan3A_2, %scan3A_3 : i32
    %scan3A_5 = arith.constant 1 : i32
    scf.for %scan3A_71 = %scan3A_2 to %scan3A_4 step %scan3A_5  : i32 {
      %jit3A = arith.constant 1 : i32
      %div3A = arith.divsi %scan3A_71, %jit3A : i32
      %sign3A = arith.constant 0 : i32
      %sign3A_72 = arith.cmpi sgt, %scan3A_71, %sign3A : i32
      %sign3A_73 = arith.extui %sign3A_72 : i1 to i32
      %sign3A_74 = arith.constant 0 : i32
      %sign3A_75 = arith.cmpi slt, %scan3A_71, %sign3A_74 : i32
      %sign3A_76 = arith.extui %sign3A_75 : i1 to i32
      %sign3A_77 = arith.subi %sign3A_73, %sign3A_76 : i32
      %sign3A_78 = arith.constant 0 : i32
      %sign3A_79 = arith.cmpi sgt, %jit3A, %sign3A_78 : i32
      %sign3A_80 = arith.extui %sign3A_79 : i1 to i32
      %sign3A_81 = arith.constant 0 : i32
      %sign3A_82 = arith.cmpi slt, %jit3A, %sign3A_81 : i32
      %sign3A_83 = arith.extui %sign3A_82 : i1 to i32
      %sign3A_84 = arith.subi %sign3A_80, %sign3A_83 : i32
      %ne3A = arith.cmpi ne, %sign3A_77, %sign3A_84 : i32
      %rem3A = arith.remsi %scan3A_71, %jit3A : i32
      %ne3A_85 = arith.constant 0 : i32
      %ne3A_86 = arith.cmpi ne, %rem3A, %ne3A_85 : i32
      %and3A = arith.andi %ne3A, %ne3A_86 : i1
      %sub3A = arith.constant 1 : i32
      %sub3A_87 = arith.subi %div3A, %sub3A : i32
      %select_n3A = arith.select %and3A, %sub3A_87, %div3A : i32
      %jit3A_88 = arith.constant 1 : i32
      %eq3A = arith.constant 0 : i32
      %eq3A_89 = arith.cmpi eq, %jit3A_88, %eq3A : i32
      %jit3A_90 = arith.constant 1 : i32
      %select_n3A_91 = arith.select %eq3A_89, %jit3A_90, %jit3A_88 : i32
      %rem3A_92 = arith.remsi %scan3A_71, %select_n3A_91 : i32
      %ne3A_93 = arith.constant 0 : i32
      %ne3A_94 = arith.cmpi ne, %rem3A_92, %ne3A_93 : i32
      %lt3A = arith.constant 0 : i32
      %lt3A_95 = arith.cmpi slt, %rem3A_92, %lt3A : i32
      %lt3A_96 = arith.constant 0 : i32
      %lt3A_97 = arith.cmpi slt, %select_n3A_91, %lt3A_96 : i32
      %ne3A_98 = arith.xori %lt3A_95, %lt3A_97 : i1
      %and3A_99 = arith.andi %ne3A_98, %ne3A_94 : i1
      %add3A_100 = arith.addi %rem3A_92, %select_n3A_91 : i32
      %select_n3A_101 = arith.select %and3A_99, %add3A_100, %rem3A_92 : i32
      %mul3A_102 = arith.constant 16 : i32
      %mul3A_103 = arith.muli %select_n3A_101, %mul3A_102 : i32
      %swap3A = arith.index_cast %select_n3A : i32 to index
      %swap3A_104 = arith.index_cast %mul3A_103 : i32 to index
      %swap3A_105 = tpu.vector_load %arg8[%swap3A, %swap3A_104] {strides = array<i32>} : memref<100x16xf32, #tpu.memory_space<vmem>>, vector<1x16xf32>,
      %swap3A_106 = vector.shape_cast %swap3A_105 : vector<1x16xf32> to vector<16xf32>
      %swap3A_107 = vector.shape_cast %broadcast_in_dim3A_1 : vector<16xf32> to vector<1x16xf32>
      tpu.vector_store %arg8[%swap3A, %swap3A_104], %swap3A_107 {strides = array<i32>} : memref<100x16xf32, #tpu.memory_space<vmem>>, vector<1x16xf32>,
    }
    %scan3A_6 = arith.constant 100 : i32
    %broadcast_in_dim3A_7 = arith.constant 0.000000e+00 : f32
    %broadcast_in_dim3A_8 = vector.broadcast %broadcast_in_dim3A_7 : f32 to vector<16xf32>
    %scan3A_9 = arith.constant 0 : i32
    %scan3A_10 = arith.constant 0 : i32
    %scan3A_11 = arith.constant 125 : i32
    %scan3A_12 = arith.addi %scan3A_10, %scan3A_11 : i32
    %scan3A_13 = arith.constant 1 : i32
    scf.for %scan3A_71 = %scan3A_10 to %scan3A_12 step %scan3A_13  : i32 {
      %jit3A = arith.constant 1 : i32
      %div3A = arith.divsi %scan3A_71, %jit3A : i32
      %sign3A = arith.constant 0 : i32
      %sign3A_72 = arith.cmpi sgt, %scan3A_71, %sign3A : i32
      %sign3A_73 = arith.extui %sign3A_72 : i1 to i32
      %sign3A_74 = arith.constant 0 : i32
      %sign3A_75 = arith.cmpi slt, %scan3A_71, %sign3A_74 : i32
      %sign3A_76 = arith.extui %sign3A_75 : i1 to i32
      %sign3A_77 = arith.subi %sign3A_73, %sign3A_76 : i32
      %sign3A_78 = arith.constant 0 : i32
      %sign3A_79 = arith.cmpi sgt, %jit3A, %sign3A_78 : i32
      %sign3A_80 = arith.extui %sign3A_79 : i1 to i32
      %sign3A_81 = arith.constant 0 : i32
      %sign3A_82 = arith.cmpi slt, %jit3A, %sign3A_81 : i32
      %sign3A_83 = arith.extui %sign3A_82 : i1 to i32
      %sign3A_84 = arith.subi %sign3A_80, %sign3A_83 : i32
      %ne3A = arith.cmpi ne, %sign3A_77, %sign3A_84 : i32
      %rem3A = arith.remsi %scan3A_71, %jit3A : i32
      %ne3A_85 = arith.constant 0 : i32
      %ne3A_86 = arith.cmpi ne, %rem3A, %ne3A_85 : i32
      %and3A = arith.andi %ne3A, %ne3A_86 : i1
      %sub3A = arith.constant 1 : i32
      %sub3A_87 = arith.subi %div3A, %sub3A : i32
      %select_n3A = arith.select %and3A, %sub3A_87, %div3A : i32
      %jit3A_88 = arith.constant 1 : i32
      %eq3A = arith.constant 0 : i32
      %eq3A_89 = arith.cmpi eq, %jit3A_88, %eq3A : i32
      %jit3A_90 = arith.constant 1 : i32
      %select_n3A_91 = arith.select %eq3A_89, %jit3A_90, %jit3A_88 : i32
      %rem3A_92 = arith.remsi %scan3A_71, %select_n3A_91 : i32
      %ne3A_93 = arith.constant 0 : i32
      %ne3A_94 = arith.cmpi ne, %rem3A_92, %ne3A_93 : i32
      %lt3A = arith.constant 0 : i32
      %lt3A_95 = arith.cmpi slt, %rem3A_92, %lt3A : i32
      %lt3A_96 = arith.constant 0 : i32
      %lt3A_97 = arith.cmpi slt, %select_n3A_91, %lt3A_96 : i32
      %ne3A_98 = arith.xori %lt3A_95, %lt3A_97 : i1
      %and3A_99 = arith.andi %ne3A_98, %ne3A_94 : i1
      %add3A_100 = arith.addi %rem3A_92, %select_n3A_91 : i32
      %select_n3A_101 = arith.select %and3A_99, %add3A_100, %rem3A_92 : i32
      %mul3A_102 = arith.constant 16 : i32
      %mul3A_103 = arith.muli %select_n3A_101, %mul3A_102 : i32
      %swap3A = arith.index_cast %select_n3A : i32 to index
      %swap3A_104 = arith.index_cast %mul3A_103 : i32 to index
      %swap3A_105 = tpu.vector_load %arg9[%swap3A, %swap3A_104] {strides = array<i32>} : memref<125x16xf32, #tpu.memory_space<vmem>>, vector<1x16xf32>,
      %swap3A_106 = vector.shape_cast %swap3A_105 : vector<1x16xf32> to vector<16xf32>
      %swap3A_107 = vector.shape_cast %broadcast_in_dim3A_8 : vector<16xf32> to vector<1x16xf32>
      tpu.vector_store %arg9[%swap3A, %swap3A_104], %swap3A_107 {strides = array<i32>} : memref<125x16xf32, #tpu.memory_space<vmem>>, vector<1x16xf32>,
    }
    %scan3A_14 = arith.constant 125 : i32
    %scan3A_15 = arith.constant 0 : i32
    %scan3A_16 = arith.constant 0 : i32
    %scan3A_17 = arith.constant 5 : i32
    %scan3A_18 = arith.addi %scan3A_16, %scan3A_17 : i32
    %scan3A_19 = arith.constant 1 : i32
    scf.for %scan3A_71 = %scan3A_16 to %scan3A_18 step %scan3A_19  : i32 {
      %mul3A_72 = arith.constant 625 : i32
      %mul3A_73 = arith.muli %arg1, %mul3A_72 : i32
      %mul3A_74 = arith.constant 125 : i32
      %mul3A_75 = arith.muli %scan3A_71, %mul3A_74 : i32
      %add3A_76 = arith.addi %mul3A_73, %mul3A_75 : i32
      "tpu.region"() ({
        %run_scoped3A = tpu.sem_alloc : memref<!tpu.dma_semaphore, #tpu.memory_space<semaphore_mem>>
        %dma_start3A = arith.constant 0 : i32
        %dma_start3A_77 = tpu.memref_slice %arg10[%add3A_76, %dma_start3A] : memref<10000x16xf32, #tpu.memory_space<vmem_shared>> -> memref<125x16xf32, #tpu.memory_space<vmem_shared>>
        %dma_start3A_78 = arith.constant 0 : i32
        %dma_start3A_79 = tpu.memref_slice %arg10[%add3A_76, %dma_start3A_78] : memref<10000x16xf32, #tpu.memory_space<vmem_shared>> -> memref<125x16xf32, #tpu.memory_space<vmem_shared>>
        tpu.enqueue_dma source(%arg9 : memref<125x16xf32, #tpu.memory_space<vmem>>) target(%dma_start3A_79 : memref<125x16xf32, #tpu.memory_space<vmem_shared>>) target_semaphore(%run_scoped3A : memref<!tpu.dma_semaphore, #tpu.memory_space<semaphore_mem>>)
        %dma_wait3A_80 = arith.constant 0 : i32
        %dma_wait3A_81 = tpu.memref_slice %arg10[%add3A_76, %dma_wait3A_80] : memref<10000x16xf32, #tpu.memory_space<vmem_shared>> -> memref<125x16xf32, #tpu.memory_space<vmem_shared>>
        %dma_wait3A_82 = arith.constant 0 : i32
        %dma_wait3A_83 = tpu.memref_slice %arg10[%add3A_76, %dma_wait3A_82] : memref<10000x16xf32, #tpu.memory_space<vmem_shared>> -> memref<125x16xf32, #tpu.memory_space<vmem_shared>>
        tpu.wait_dma2 semaphore(%run_scoped3A : memref<!tpu.dma_semaphore, #tpu.memory_space<semaphore_mem>>) src(%arg9 : memref<125x16xf32, #tpu.memory_space<vmem>>) dst(%dma_wait3A_83 : memref<125x16xf32, #tpu.memory_space<vmem_shared>>)
        tpu.yield
      }) : () -> ()
      "tpu.region"() ({
        %run_scoped3A = tpu.sem_alloc : memref<!tpu.dma_semaphore, #tpu.memory_space<semaphore_mem>>
        %dma_start3A = arith.constant 0 : i32
        %dma_start3A_77 = tpu.memref_slice %arg11[%add3A_76, %dma_start3A] : memref<10000x16xf32, #tpu.memory_space<vmem_shared>> -> memref<125x16xf32, #tpu.memory_space<vmem_shared>>
        %dma_start3A_78 = arith.constant 0 : i32
        %dma_start3A_79 = tpu.memref_slice %arg11[%add3A_76, %dma_start3A_78] : memref<10000x16xf32, #tpu.memory_space<vmem_shared>> -> memref<125x16xf32, #tpu.memory_space<vmem_shared>>
        tpu.enqueue_dma source(%arg9 : memref<125x16xf32, #tpu.memory_space<vmem>>) target(%dma_start3A_79 : memref<125x16xf32, #tpu.memory_space<vmem_shared>>) target_semaphore(%run_scoped3A : memref<!tpu.dma_semaphore, #tpu.memory_space<semaphore_mem>>)
        %dma_wait3A_80 = arith.constant 0 : i32
        %dma_wait3A_81 = tpu.memref_slice %arg11[%add3A_76, %dma_wait3A_80] : memref<10000x16xf32, #tpu.memory_space<vmem_shared>> -> memref<125x16xf32, #tpu.memory_space<vmem_shared>>
        %dma_wait3A_82 = arith.constant 0 : i32
        %dma_wait3A_83 = tpu.memref_slice %arg11[%add3A_76, %dma_wait3A_82] : memref<10000x16xf32, #tpu.memory_space<vmem_shared>> -> memref<125x16xf32, #tpu.memory_space<vmem_shared>>
        tpu.wait_dma2 semaphore(%run_scoped3A : memref<!tpu.dma_semaphore, #tpu.memory_space<semaphore_mem>>) src(%arg9 : memref<125x16xf32, #tpu.memory_space<vmem>>) dst(%dma_wait3A_83 : memref<125x16xf32, #tpu.memory_space<vmem_shared>>)
        tpu.yield
      }) : () -> ()
    }
    %scan3A_20 = arith.constant 5 : i32
    %barrier3A = arith.constant 0 : index
    tpu.barrier barrier_id(%barrier3A)
    %scan3A_21 = arith.constant 0 : i32
    %scan3A_22 = arith.constant 0 : i32
    %scan3A_23 = arith.constant 100 : i32
    %scan3A_24 = arith.addi %scan3A_22, %scan3A_23 : i32
    %scan3A_25 = arith.constant 1 : i32
    scf.for %scan3A_71 = %scan3A_22 to %scan3A_24 step %scan3A_25  : i32 {
      %dma_start3A = arith.constant 0 : i32
      %dma_start3A_72 = tpu.memref_slice %arg6[%scan3A_71, %dma_start3A] : memref<100x100xi32, #tpu.memory_space<vmem>> -> memref<1x100xi32, #tpu.memory_space<vmem>>
      %dma_start3A_73 = tpu.memref_squeeze %dma_start3A_72 : memref<1x100xi32, #tpu.memory_space<vmem>> -> memref<100xi32, #tpu.memory_space<vmem>>
      %dma_start3A_74 = arith.constant 0 : i32
      %dma_start3A_75 = arith.constant 0 : i32
      %dma_start3A_76 = tpu.memref_slice %arg10[%dma_start3A_74, %dma_start3A_75] : memref<10000x16xf32, #tpu.memory_space<vmem_shared>> -> memref<10000x16xf32, #tpu.memory_space<vmem_shared>>
      tpu.enqueue_indirect_dma source(%arg8 : memref<100x16xf32, #tpu.memory_space<vmem>>) target(%dma_start3A_76 : memref<10000x16xf32, #tpu.memory_space<vmem_shared>>) offsets(%dma_start3A_73 : memref<100xi32, #tpu.memory_space<vmem>>) semaphore(%arg12 : memref<!tpu.dma_semaphore, #tpu.memory_space<semaphore_mem>>) {add = true}
      %dma_start3A_77 = arith.constant 0 : i32
      %dma_start3A_78 = tpu.memref_slice %arg7[%scan3A_71, %dma_start3A_77] : memref<100x100xi32, #tpu.memory_space<vmem>> -> memref<1x100xi32, #tpu.memory_space<vmem>>
      %dma_start3A_79 = tpu.memref_squeeze %dma_start3A_78 : memref<1x100xi32, #tpu.memory_space<vmem>> -> memref<100xi32, #tpu.memory_space<vmem>>
      %dma_start3A_80 = arith.constant 0 : i32
      %dma_start3A_81 = arith.constant 0 : i32
      %dma_start3A_82 = tpu.memref_slice %arg11[%dma_start3A_80, %dma_start3A_81] : memref<10000x16xf32, #tpu.memory_space<vmem_shared>> -> memref<10000x16xf32, #tpu.memory_space<vmem_shared>>
      tpu.enqueue_indirect_dma source(%arg8 : memref<100x16xf32, #tpu.memory_space<vmem>>) target(%dma_start3A_82 : memref<10000x16xf32, #tpu.memory_space<vmem_shared>>) offsets(%dma_start3A_79 : memref<100xi32, #tpu.memory_space<vmem>>) semaphore(%arg13 : memref<!tpu.dma_semaphore, #tpu.memory_space<semaphore_mem>>) {add = true}
      %gt3A = arith.constant 2 : i32
      %gt3A_83 = arith.cmpi sgt, %scan3A_71, %gt3A : i32
      %convert_element_type3A = arith.extui %gt3A_83 : i1 to i32
      %cond3A = arith.constant 0 : i32
      %cond3A_84 = arith.cmpi ne, %convert_element_type3A, %cond3A : i32
      scf.if %cond3A_84 {
        %sub3A = arith.constant 3 : i32
        %sub3A_85 = arith.subi %scan3A_71, %sub3A : i32
        %dma_wait3A_86 = arith.constant 0 : i32
        %dma_wait3A_87 = tpu.memref_slice %arg6[%sub3A_85, %dma_wait3A_86] : memref<100x100xi32, #tpu.memory_space<vmem>> -> memref<1x100xi32, #tpu.memory_space<vmem>>
        %dma_wait3A_88 = tpu.memref_squeeze %dma_wait3A_87 : memref<1x100xi32, #tpu.memory_space<vmem>> -> memref<100xi32, #tpu.memory_space<vmem>>
        %dma_wait3A_89 = arith.constant 0 : i32
        %dma_wait3A_90 = arith.constant 0 : i32
        %dma_wait3A_91 = tpu.memref_slice %arg10[%dma_wait3A_89, %dma_wait3A_90] : memref<10000x16xf32, #tpu.memory_space<vmem_shared>> -> memref<10000x16xf32, #tpu.memory_space<vmem_shared>>
        tpu.wait_indirect_dma semaphore(%arg12 : memref<!tpu.dma_semaphore, #tpu.memory_space<semaphore_mem>>) src(%arg8 : memref<100x16xf32, #tpu.memory_space<vmem>>) dst(%dma_wait3A_91 : memref<10000x16xf32, #tpu.memory_space<vmem_shared>>)
        %sub3A_92 = arith.constant 3 : i32
        %sub3A_93 = arith.subi %scan3A_71, %sub3A_92 : i32
        %dma_wait3A_94 = arith.constant 0 : i32
        %dma_wait3A_95 = tpu.memref_slice %arg7[%sub3A_93, %dma_wait3A_94] : memref<100x100xi32, #tpu.memory_space<vmem>> -> memref<1x100xi32, #tpu.memory_space<vmem>>
        %dma_wait3A_96 = tpu.memref_squeeze %dma_wait3A_95 : memref<1x100xi32, #tpu.memory_space<vmem>> -> memref<100xi32, #tpu.memory_space<vmem>>
        %dma_wait3A_97 = arith.constant 0 : i32
        %dma_wait3A_98 = arith.constant 0 : i32
        %dma_wait3A_99 = tpu.memref_slice %arg11[%dma_wait3A_97, %dma_wait3A_98] : memref<10000x16xf32, #tpu.memory_space<vmem_shared>> -> memref<10000x16xf32, #tpu.memory_space<vmem_shared>>
        tpu.wait_indirect_dma semaphore(%arg13 : memref<!tpu.dma_semaphore, #tpu.memory_space<semaphore_mem>>) src(%arg8 : memref<100x16xf32, #tpu.memory_space<vmem>>) dst(%dma_wait3A_99 : memref<10000x16xf32, #tpu.memory_space<vmem_shared>>)
      } else {
      }
    }
    %scan3A_26 = arith.constant 100 : i32
    %dma_wait3A = arith.constant 99 : i32
    %dma_wait3A_27 = arith.constant 0 : i32
    %dma_wait3A_28 = tpu.memref_slice %arg6[%dma_wait3A, %dma_wait3A_27] : memref<100x100xi32, #tpu.memory_space<vmem>> -> memref<1x100xi32, #tpu.memory_space<vmem>>
    %dma_wait3A_29 = tpu.memref_squeeze %dma_wait3A_28 : memref<1x100xi32, #tpu.memory_space<vmem>> -> memref<100xi32, #tpu.memory_space<vmem>>
    %dma_wait3A_30 = arith.constant 0 : i32
    %dma_wait3A_31 = arith.constant 0 : i32
    %dma_wait3A_32 = tpu.memref_slice %arg10[%dma_wait3A_30, %dma_wait3A_31] : memref<10000x16xf32, #tpu.memory_space<vmem_shared>> -> memref<10000x16xf32, #tpu.memory_space<vmem_shared>>
    tpu.wait_indirect_dma semaphore(%arg12 : memref<!tpu.dma_semaphore, #tpu.memory_space<semaphore_mem>>) src(%arg8 : memref<100x16xf32, #tpu.memory_space<vmem>>) dst(%dma_wait3A_32 : memref<10000x16xf32, #tpu.memory_space<vmem_shared>>)
    %dma_wait3A_33 = arith.constant 99 : i32
    %dma_wait3A_34 = arith.constant 0 : i32
    %dma_wait3A_35 = tpu.memref_slice %arg7[%dma_wait3A_33, %dma_wait3A_34] : memref<100x100xi32, #tpu.memory_space<vmem>> -> memref<1x100xi32, #tpu.memory_space<vmem>>
    %dma_wait3A_36 = tpu.memref_squeeze %dma_wait3A_35 : memref<1x100xi32, #tpu.memory_space<vmem>> -> memref<100xi32, #tpu.memory_space<vmem>>
    %dma_wait3A_37 = arith.constant 0 : i32
    %dma_wait3A_38 = arith.constant 0 : i32
    %dma_wait3A_39 = tpu.memref_slice %arg11[%dma_wait3A_37, %dma_wait3A_38] : memref<10000x16xf32, #tpu.memory_space<vmem_shared>> -> memref<10000x16xf32, #tpu.memory_space<vmem_shared>>
    tpu.wait_indirect_dma semaphore(%arg13 : memref<!tpu.dma_semaphore, #tpu.memory_space<semaphore_mem>>) src(%arg8 : memref<100x16xf32, #tpu.memory_space<vmem>>) dst(%dma_wait3A_39 : memref<10000x16xf32, #tpu.memory_space<vmem_shared>>)
    %dma_wait3A_40 = arith.constant 99 : i32
    %dma_wait3A_41 = arith.constant 0 : i32
    %dma_wait3A_42 = tpu.memref_slice %arg6[%dma_wait3A_40, %dma_wait3A_41] : memref<100x100xi32, #tpu.memory_space<vmem>> -> memref<1x100xi32, #tpu.memory_space<vmem>>
    %dma_wait3A_43 = tpu.memref_squeeze %dma_wait3A_42 : memref<1x100xi32, #tpu.memory_space<vmem>> -> memref<100xi32, #tpu.memory_space<vmem>>
    %dma_wait3A_44 = arith.constant 0 : i32
    %dma_wait3A_45 = arith.constant 0 : i32
    %dma_wait3A_46 = tpu.memref_slice %arg10[%dma_wait3A_44, %dma_wait3A_45] : memref<10000x16xf32, #tpu.memory_space<vmem_shared>> -> memref<10000x16xf32, #tpu.memory_space<vmem_shared>>
    tpu.wait_indirect_dma semaphore(%arg12 : memref<!tpu.dma_semaphore, #tpu.memory_space<semaphore_mem>>) src(%arg8 : memref<100x16xf32, #tpu.memory_space<vmem>>) dst(%dma_wait3A_46 : memref<10000x16xf32, #tpu.memory_space<vmem_shared>>)
    %dma_wait3A_47 = arith.constant 99 : i32
    %dma_wait3A_48 = arith.constant 0 : i32
    %dma_wait3A_49 = tpu.memref_slice %arg7[%dma_wait3A_47, %dma_wait3A_48] : memref<100x100xi32, #tpu.memory_space<vmem>> -> memref<1x100xi32, #tpu.memory_space<vmem>>
    %dma_wait3A_50 = tpu.memref_squeeze %dma_wait3A_49 : memref<1x100xi32, #tpu.memory_space<vmem>> -> memref<100xi32, #tpu.memory_space<vmem>>
    %dma_wait3A_51 = arith.constant 0 : i32
    %dma_wait3A_52 = arith.constant 0 : i32
    %dma_wait3A_53 = tpu.memref_slice %arg11[%dma_wait3A_51, %dma_wait3A_52] : memref<10000x16xf32, #tpu.memory_space<vmem_shared>> -> memref<10000x16xf32, #tpu.memory_space<vmem_shared>>
    tpu.wait_indirect_dma semaphore(%arg13 : memref<!tpu.dma_semaphore, #tpu.memory_space<semaphore_mem>>) src(%arg8 : memref<100x16xf32, #tpu.memory_space<vmem>>) dst(%dma_wait3A_53 : memref<10000x16xf32, #tpu.memory_space<vmem_shared>>)
    %dma_wait3A_54 = arith.constant 99 : i32
    %dma_wait3A_55 = arith.constant 0 : i32
    %dma_wait3A_56 = tpu.memref_slice %arg6[%dma_wait3A_54, %dma_wait3A_55] : memref<100x100xi32, #tpu.memory_space<vmem>> -> memref<1x100xi32, #tpu.memory_space<vmem>>
    %dma_wait3A_57 = tpu.memref_squeeze %dma_wait3A_56 : memref<1x100xi32, #tpu.memory_space<vmem>> -> memref<100xi32, #tpu.memory_space<vmem>>
    %dma_wait3A_58 = arith.constant 0 : i32
    %dma_wait3A_59 = arith.constant 0 : i32
    %dma_wait3A_60 = tpu.memref_slice %arg10[%dma_wait3A_58, %dma_wait3A_59] : memref<10000x16xf32, #tpu.memory_space<vmem_shared>> -> memref<10000x16xf32, #tpu.memory_space<vmem_shared>>
    tpu.wait_indirect_dma semaphore(%arg12 : memref<!tpu.dma_semaphore, #tpu.memory_space<semaphore_mem>>) src(%arg8 : memref<100x16xf32, #tpu.memory_space<vmem>>) dst(%dma_wait3A_60 : memref<10000x16xf32, #tpu.memory_space<vmem_shared>>)
    %dma_wait3A_61 = arith.constant 99 : i32
    %dma_wait3A_62 = arith.constant 0 : i32
    %dma_wait3A_63 = tpu.memref_slice %arg7[%dma_wait3A_61, %dma_wait3A_62] : memref<100x100xi32, #tpu.memory_space<vmem>> -> memref<1x100xi32, #tpu.memory_space<vmem>>
    %dma_wait3A_64 = tpu.memref_squeeze %dma_wait3A_63 : memref<1x100xi32, #tpu.memory_space<vmem>> -> memref<100xi32, #tpu.memory_space<vmem>>
    %dma_wait3A_65 = arith.constant 0 : i32
    %dma_wait3A_66 = arith.constant 0 : i32
    %dma_wait3A_67 = tpu.memref_slice %arg11[%dma_wait3A_65, %dma_wait3A_66] : memref<10000x16xf32, #tpu.memory_space<vmem_shared>> -> memref<10000x16xf32, #tpu.memory_space<vmem_shared>>
    tpu.wait_indirect_dma semaphore(%arg13 : memref<!tpu.dma_semaphore, #tpu.memory_space<semaphore_mem>>) src(%arg8 : memref<100x16xf32, #tpu.memory_space<vmem>>) dst(%dma_wait3A_67 : memref<10000x16xf32, #tpu.memory_space<vmem_shared>>)
    %barrier3A_68 = arith.constant 0 : index
    tpu.barrier barrier_id(%barrier3A_68)
    %mul3A_69 = arith.constant 625 : i32
    %mul3A_70 = arith.muli %arg1, %mul3A_69 : i32
    "tpu.region"() ({
      %run_scoped3A = tpu.sem_alloc : memref<!tpu.dma_semaphore, #tpu.memory_space<semaphore_mem>>
      %dma_start3A = arith.constant 0 : i32
      %dma_start3A_71 = tpu.memref_slice %arg4[%arg0, %mul3A_70, %dma_start3A] : memref<2x10000x16xf32, #tpu.memory_space<hbm>> -> memref<1x625x16xf32, #tpu.memory_space<hbm>>
      %dma_start3A_72 = tpu.memref_squeeze %dma_start3A_71 : memref<1x625x16xf32, #tpu.memory_space<hbm>> -> memref<625x16xf32, #tpu.memory_space<hbm>>
      %dma_start3A_73 = arith.constant 0 : i32
      %dma_start3A_74 = tpu.memref_slice %arg10[%mul3A_70, %dma_start3A_73] : memref<10000x16xf32, #tpu.memory_space<vmem_shared>> -> memref<625x16xf32, #tpu.memory_space<vmem_shared>>
      tpu.enqueue_dma source(%dma_start3A_74 : memref<625x16xf32, #tpu.memory_space<vmem_shared>>) target(%dma_start3A_72 : memref<625x16xf32, #tpu.memory_space<hbm>>) target_semaphore(%run_scoped3A : memref<!tpu.dma_semaphore, #tpu.memory_space<semaphore_mem>>)
      %dma_wait3A_75 = arith.constant 0 : i32
      %dma_wait3A_76 = tpu.memref_slice %arg4[%arg0, %mul3A_70, %dma_wait3A_75] : memref<2x10000x16xf32, #tpu.memory_space<hbm>> -> memref<1x625x16xf32, #tpu.memory_space<hbm>>
      %dma_wait3A_77 = tpu.memref_squeeze %dma_wait3A_76 : memref<1x625x16xf32, #tpu.memory_space<hbm>> -> memref<625x16xf32, #tpu.memory_space<hbm>>
      %dma_wait3A_78 = arith.constant 0 : i32
      %dma_wait3A_79 = tpu.memref_slice %arg10[%mul3A_70, %dma_wait3A_78] : memref<10000x16xf32, #tpu.memory_space<vmem_shared>> -> memref<625x16xf32, #tpu.memory_space<vmem_shared>>
      tpu.wait_dma2 semaphore(%run_scoped3A : memref<!tpu.dma_semaphore, #tpu.memory_space<semaphore_mem>>) src(%dma_wait3A_79 : memref<625x16xf32, #tpu.memory_space<vmem_shared>>) dst(%dma_wait3A_77 : memref<625x16xf32, #tpu.memory_space<hbm>>)
      tpu.yield
    }) : () -> ()
    "tpu.region"() ({
      %run_scoped3A = tpu.sem_alloc : memref<!tpu.dma_semaphore, #tpu.memory_space<semaphore_mem>>
      %dma_start3A = arith.constant 0 : i32
      %dma_start3A_71 = tpu.memref_slice %arg5[%arg0, %mul3A_70, %dma_start3A] : memref<2x10000x16xf32, #tpu.memory_space<hbm>> -> memref<1x625x16xf32, #tpu.memory_space<hbm>>
      %dma_start3A_72 = tpu.memref_squeeze %dma_start3A_71 : memref<1x625x16xf32, #tpu.memory_space<hbm>> -> memref<625x16xf32, #tpu.memory_space<hbm>>
      %dma_start3A_73 = arith.constant 0 : i32
      %dma_start3A_74 = tpu.memref_slice %arg11[%mul3A_70, %dma_start3A_73] : memref<10000x16xf32, #tpu.memory_space<vmem_shared>> -> memref<625x16xf32, #tpu.memory_space<vmem_shared>>
      tpu.enqueue_dma source(%dma_start3A_74 : memref<625x16xf32, #tpu.memory_space<vmem_shared>>) target(%dma_start3A_72 : memref<625x16xf32, #tpu.memory_space<hbm>>) target_semaphore(%run_scoped3A : memref<!tpu.dma_semaphore, #tpu.memory_space<semaphore_mem>>)
      %dma_wait3A_75 = arith.constant 0 : i32
      %dma_wait3A_76 = tpu.memref_slice %arg5[%arg0, %mul3A_70, %dma_wait3A_75] : memref<2x10000x16xf32, #tpu.memory_space<hbm>> -> memref<1x625x16xf32, #tpu.memory_space<hbm>>
      %dma_wait3A_77 = tpu.memref_squeeze %dma_wait3A_76 : memref<1x625x16xf32, #tpu.memory_space<hbm>> -> memref<625x16xf32, #tpu.memory_space<hbm>>
      %dma_wait3A_78 = arith.constant 0 : i32
      %dma_wait3A_79 = tpu.memref_slice %arg11[%mul3A_70, %dma_wait3A_78] : memref<10000x16xf32, #tpu.memory_space<vmem_shared>> -> memref<625x16xf32, #tpu.memory_space<vmem_shared>>
      tpu.wait_dma2 semaphore(%run_scoped3A : memref<!tpu.dma_semaphore, #tpu.memory_space<semaphore_mem>>) src(%dma_wait3A_79 : memref<625x16xf32, #tpu.memory_space<vmem_shared>>) dst(%dma_wait3A_77 : memref<625x16xf32, #tpu.memory_space<hbm>>)
      tpu.yield
    }) : () -> ()
    return
  }
}

#map = affine_map<(d0, d1) -> (0, 0)>
#map1 = affine_map<(d0, d1) -> (0, 0, 0)>
module attributes {stable_mosaic.version = 14 : i64} {
  func.func @_sc_agg(%arg0: i32, %arg1: i32, %arg2: memref<10000x64xf32, #tpu.memory_space<hbm>>, %arg3: memref<32x200x50xi32, #tpu.memory_space<hbm>>, %arg4: memref<32x200x50xi32, #tpu.memory_space<hbm>>, %arg5: memref<2x10000x64xf32, #tpu.memory_space<hbm>>, %arg6: memref<200x50xi32, #tpu.memory_space<vmem>>, %arg7: memref<200x50xi32, #tpu.memory_space<vmem>>, %arg8: memref<50x64xf32, #tpu.memory_space<vmem>>, %arg9: memref<50x64xf32, #tpu.memory_space<vmem>>, %arg10: memref<50x64xf32, #tpu.memory_space<vmem>>, %arg11: memref<50x64xf32, #tpu.memory_space<vmem>>, %arg12: memref<50x64xf32, #tpu.memory_space<vmem>>, %arg13: memref<50x64xf32, #tpu.memory_space<vmem>>, %arg14: memref<50x64xf32, #tpu.memory_space<vmem>>, %arg15: memref<50x64xf32, #tpu.memory_space<vmem>>, %arg16: memref<!tpu.dma_semaphore, #tpu.memory_space<semaphore_mem>>, %arg17: memref<!tpu.dma_semaphore, #tpu.memory_space<semaphore_mem>>, %arg18: memref<!tpu.dma_semaphore, #tpu.memory_space<semaphore_mem>>, %arg19: memref<!tpu.dma_semaphore, #tpu.memory_space<semaphore_mem>>, %arg20: memref<!tpu.dma_semaphore, #tpu.memory_space<semaphore_mem>>, %arg21: memref<!tpu.dma_semaphore, #tpu.memory_space<semaphore_mem>>, %arg22: memref<!tpu.dma_semaphore, #tpu.memory_space<semaphore_mem>>, %arg23: memref<!tpu.dma_semaphore, #tpu.memory_space<semaphore_mem>>, %arg24: memref<!tpu.dma_semaphore, #tpu.memory_space<semaphore_mem>>, %arg25: memref<!tpu.dma_semaphore, #tpu.memory_space<semaphore_mem>>, %arg26: memref<!tpu.dma_semaphore, #tpu.memory_space<semaphore_mem>>, %arg27: memref<!tpu.dma_semaphore, #tpu.memory_space<semaphore_mem>>, %arg28: memref<!tpu.dma_semaphore, #tpu.memory_space<semaphore_mem>>, %arg29: memref<!tpu.dma_semaphore, #tpu.memory_space<semaphore_mem>>, %arg30: memref<!tpu.dma_semaphore, #tpu.memory_space<semaphore_mem>>, %arg31: memref<!tpu.dma_semaphore, #tpu.memory_space<semaphore_mem>>, %arg32: memref<10000x64xf32, #tpu.memory_space<vmem_shared>>) attributes {dimension_semantics = [#tpu.dimension_semantics<core_parallel>, #tpu.dimension_semantics<subcore_parallel>], iteration_bounds = array<i64: 2, 16>, scalar_prefetch = 0 : i64, scratch_operands = 27 : i64, tpu.core_type = #tpu.core_type<sc_vector_subcore>, window_params = [{transform_indices = #map}, {transform_indices = #map1}, {transform_indices = #map1}, {transform_indices = #map1}]} {
    %mul3A = arith.constant 16 : i32
    %mul3A_0 = arith.muli %arg0, %mul3A : i32
    %add3A = arith.addi %mul3A_0, %arg1 : i32
    "tpu.region"() ({
      %run_scoped3A = tpu.sem_alloc : memref<!tpu.dma_semaphore, #tpu.memory_space<semaphore_mem>>
      %dma_start3A_87 = arith.constant 0 : i32
      %dma_start3A_88 = arith.constant 0 : i32
      %dma_start3A_89 = tpu.memref_slice %arg3[%add3A, %dma_start3A_87, %dma_start3A_88] : memref<32x200x50xi32, #tpu.memory_space<hbm>> -> memref<1x200x50xi32, #tpu.memory_space<hbm>>
      %dma_start3A_90 = tpu.memref_squeeze %dma_start3A_89 : memref<1x200x50xi32, #tpu.memory_space<hbm>> -> memref<200x50xi32, #tpu.memory_space<hbm>>
      %dma_start3A_91 = arith.constant 0 : i32
      %dma_start3A_92 = arith.constant 0 : i32
      %dma_start3A_93 = tpu.memref_slice %arg3[%add3A, %dma_start3A_91, %dma_start3A_92] : memref<32x200x50xi32, #tpu.memory_space<hbm>> -> memref<1x200x50xi32, #tpu.memory_space<hbm>>
      %dma_start3A_94 = tpu.memref_squeeze %dma_start3A_93 : memref<1x200x50xi32, #tpu.memory_space<hbm>> -> memref<200x50xi32, #tpu.memory_space<hbm>>
      tpu.enqueue_dma source(%dma_start3A_94 : memref<200x50xi32, #tpu.memory_space<hbm>>) target(%arg6 : memref<200x50xi32, #tpu.memory_space<vmem>>) target_semaphore(%run_scoped3A : memref<!tpu.dma_semaphore, #tpu.memory_space<semaphore_mem>>)
      %dma_wait3A_95 = arith.constant 0 : i32
      %dma_wait3A_96 = arith.constant 0 : i32
      %dma_wait3A_97 = tpu.memref_slice %arg3[%add3A, %dma_wait3A_95, %dma_wait3A_96] : memref<32x200x50xi32, #tpu.memory_space<hbm>> -> memref<1x200x50xi32, #tpu.memory_space<hbm>>
      %dma_wait3A_98 = tpu.memref_squeeze %dma_wait3A_97 : memref<1x200x50xi32, #tpu.memory_space<hbm>> -> memref<200x50xi32, #tpu.memory_space<hbm>>
      %dma_wait3A_99 = arith.constant 0 : i32
      %dma_wait3A_100 = arith.constant 0 : i32
      %dma_wait3A_101 = tpu.memref_slice %arg3[%add3A, %dma_wait3A_99, %dma_wait3A_100] : memref<32x200x50xi32, #tpu.memory_space<hbm>> -> memref<1x200x50xi32, #tpu.memory_space<hbm>>
      %dma_wait3A_102 = tpu.memref_squeeze %dma_wait3A_101 : memref<1x200x50xi32, #tpu.memory_space<hbm>> -> memref<200x50xi32, #tpu.memory_space<hbm>>
      tpu.wait_dma2 semaphore(%run_scoped3A : memref<!tpu.dma_semaphore, #tpu.memory_space<semaphore_mem>>) src(%dma_wait3A_102 : memref<200x50xi32, #tpu.memory_space<hbm>>) dst(%arg6 : memref<200x50xi32, #tpu.memory_space<vmem>>)
      tpu.yield
    }) : () -> ()
    "tpu.region"() ({
      %run_scoped3A = tpu.sem_alloc : memref<!tpu.dma_semaphore, #tpu.memory_space<semaphore_mem>>
      %dma_start3A_87 = arith.constant 0 : i32
      %dma_start3A_88 = arith.constant 0 : i32
      %dma_start3A_89 = tpu.memref_slice %arg4[%add3A, %dma_start3A_87, %dma_start3A_88] : memref<32x200x50xi32, #tpu.memory_space<hbm>> -> memref<1x200x50xi32, #tpu.memory_space<hbm>>
      %dma_start3A_90 = tpu.memref_squeeze %dma_start3A_89 : memref<1x200x50xi32, #tpu.memory_space<hbm>> -> memref<200x50xi32, #tpu.memory_space<hbm>>
      %dma_start3A_91 = arith.constant 0 : i32
      %dma_start3A_92 = arith.constant 0 : i32
      %dma_start3A_93 = tpu.memref_slice %arg4[%add3A, %dma_start3A_91, %dma_start3A_92] : memref<32x200x50xi32, #tpu.memory_space<hbm>> -> memref<1x200x50xi32, #tpu.memory_space<hbm>>
      %dma_start3A_94 = tpu.memref_squeeze %dma_start3A_93 : memref<1x200x50xi32, #tpu.memory_space<hbm>> -> memref<200x50xi32, #tpu.memory_space<hbm>>
      tpu.enqueue_dma source(%dma_start3A_94 : memref<200x50xi32, #tpu.memory_space<hbm>>) target(%arg7 : memref<200x50xi32, #tpu.memory_space<vmem>>) target_semaphore(%run_scoped3A : memref<!tpu.dma_semaphore, #tpu.memory_space<semaphore_mem>>)
      %dma_wait3A_95 = arith.constant 0 : i32
      %dma_wait3A_96 = arith.constant 0 : i32
      %dma_wait3A_97 = tpu.memref_slice %arg4[%add3A, %dma_wait3A_95, %dma_wait3A_96] : memref<32x200x50xi32, #tpu.memory_space<hbm>> -> memref<1x200x50xi32, #tpu.memory_space<hbm>>
      %dma_wait3A_98 = tpu.memref_squeeze %dma_wait3A_97 : memref<1x200x50xi32, #tpu.memory_space<hbm>> -> memref<200x50xi32, #tpu.memory_space<hbm>>
      %dma_wait3A_99 = arith.constant 0 : i32
      %dma_wait3A_100 = arith.constant 0 : i32
      %dma_wait3A_101 = tpu.memref_slice %arg4[%add3A, %dma_wait3A_99, %dma_wait3A_100] : memref<32x200x50xi32, #tpu.memory_space<hbm>> -> memref<1x200x50xi32, #tpu.memory_space<hbm>>
      %dma_wait3A_102 = tpu.memref_squeeze %dma_wait3A_101 : memref<1x200x50xi32, #tpu.memory_space<hbm>> -> memref<200x50xi32, #tpu.memory_space<hbm>>
      tpu.wait_dma2 semaphore(%run_scoped3A : memref<!tpu.dma_semaphore, #tpu.memory_space<semaphore_mem>>) src(%dma_wait3A_102 : memref<200x50xi32, #tpu.memory_space<hbm>>) dst(%arg7 : memref<200x50xi32, #tpu.memory_space<vmem>>)
      tpu.yield
    }) : () -> ()
    %broadcast_in_dim3A = arith.constant 0.000000e+00 : f32
    %broadcast_in_dim3A_1 = vector.broadcast %broadcast_in_dim3A : f32 to vector<16xf32>
    %scan3A = arith.constant 0 : i32
    %scan3A_2 = arith.constant 0 : i32
    %scan3A_3 = arith.constant 200 : i32
    %scan3A_4 = arith.addi %scan3A_2, %scan3A_3 : i32
    %scan3A_5 = arith.constant 1 : i32
    scf.for %scan3A_87 = %scan3A_2 to %scan3A_4 step %scan3A_5  : i32 {
      %jit3A = arith.constant 4 : i32
      %div3A = arith.divsi %scan3A_87, %jit3A : i32
      %sign3A = arith.constant 0 : i32
      %sign3A_88 = arith.cmpi sgt, %scan3A_87, %sign3A : i32
      %sign3A_89 = arith.extui %sign3A_88 : i1 to i32
      %sign3A_90 = arith.constant 0 : i32
      %sign3A_91 = arith.cmpi slt, %scan3A_87, %sign3A_90 : i32
      %sign3A_92 = arith.extui %sign3A_91 : i1 to i32
      %sign3A_93 = arith.subi %sign3A_89, %sign3A_92 : i32
      %sign3A_94 = arith.constant 0 : i32
      %sign3A_95 = arith.cmpi sgt, %jit3A, %sign3A_94 : i32
      %sign3A_96 = arith.extui %sign3A_95 : i1 to i32
      %sign3A_97 = arith.constant 0 : i32
      %sign3A_98 = arith.cmpi slt, %jit3A, %sign3A_97 : i32
      %sign3A_99 = arith.extui %sign3A_98 : i1 to i32
      %sign3A_100 = arith.subi %sign3A_96, %sign3A_99 : i32
      %ne3A = arith.cmpi ne, %sign3A_93, %sign3A_100 : i32
      %rem3A = arith.remsi %scan3A_87, %jit3A : i32
      %ne3A_101 = arith.constant 0 : i32
      %ne3A_102 = arith.cmpi ne, %rem3A, %ne3A_101 : i32
      %and3A = arith.andi %ne3A, %ne3A_102 : i1
      %sub3A = arith.constant 1 : i32
      %sub3A_103 = arith.subi %div3A, %sub3A : i32
      %select_n3A = arith.select %and3A, %sub3A_103, %div3A : i32
      %jit3A_104 = arith.constant 4 : i32
      %eq3A = arith.constant 0 : i32
      %eq3A_105 = arith.cmpi eq, %jit3A_104, %eq3A : i32
      %jit3A_106 = arith.constant 1 : i32
      %select_n3A_107 = arith.select %eq3A_105, %jit3A_106, %jit3A_104 : i32
      %rem3A_108 = arith.remsi %scan3A_87, %select_n3A_107 : i32
      %ne3A_109 = arith.constant 0 : i32
      %ne3A_110 = arith.cmpi ne, %rem3A_108, %ne3A_109 : i32
      %lt3A = arith.constant 0 : i32
      %lt3A_111 = arith.cmpi slt, %rem3A_108, %lt3A : i32
      %lt3A_112 = arith.constant 0 : i32
      %lt3A_113 = arith.cmpi slt, %select_n3A_107, %lt3A_112 : i32
      %ne3A_114 = arith.xori %lt3A_111, %lt3A_113 : i1
      %and3A_115 = arith.andi %ne3A_114, %ne3A_110 : i1
      %add3A_116 = arith.addi %rem3A_108, %select_n3A_107 : i32
      %select_n3A_117 = arith.select %and3A_115, %add3A_116, %rem3A_108 : i32
      %mul3A_118 = arith.constant 16 : i32
      %mul3A_119 = arith.muli %select_n3A_117, %mul3A_118 : i32
      %swap3A = arith.index_cast %select_n3A : i32 to index
      %swap3A_120 = arith.index_cast %mul3A_119 : i32 to index
      %swap3A_121 = tpu.vector_load %arg8[%swap3A, %swap3A_120] {strides = array<i32>} : memref<50x64xf32, #tpu.memory_space<vmem>>, vector<1x16xf32>,
      %swap3A_122 = vector.shape_cast %swap3A_121 : vector<1x16xf32> to vector<16xf32>
      %swap3A_123 = vector.shape_cast %broadcast_in_dim3A_1 : vector<16xf32> to vector<1x16xf32>
      tpu.vector_store %arg8[%swap3A, %swap3A_120], %swap3A_123 {strides = array<i32>} : memref<50x64xf32, #tpu.memory_space<vmem>>, vector<1x16xf32>,
    }
    %scan3A_6 = arith.constant 200 : i32
    %scan3A_7 = arith.constant 0 : i32
    %scan3A_8 = arith.constant 0 : i32
    %scan3A_9 = arith.constant 12 : i32
    %scan3A_10 = arith.addi %scan3A_8, %scan3A_9 : i32
    %scan3A_11 = arith.constant 1 : i32
    scf.for %scan3A_87 = %scan3A_8 to %scan3A_10 step %scan3A_11  : i32 {
      %mul3A_88 = arith.constant 625 : i32
      %mul3A_89 = arith.muli %arg1, %mul3A_88 : i32
      %mul3A_90 = arith.constant 50 : i32
      %mul3A_91 = arith.muli %scan3A_87, %mul3A_90 : i32
      %add3A_92 = arith.addi %mul3A_89, %mul3A_91 : i32
      "tpu.region"() ({
        %run_scoped3A = tpu.sem_alloc : memref<!tpu.dma_semaphore, #tpu.memory_space<semaphore_mem>>
        %dma_start3A_93 = arith.constant 0 : i32
        %dma_start3A_94 = tpu.memref_slice %arg32[%add3A_92, %dma_start3A_93] : memref<10000x64xf32, #tpu.memory_space<vmem_shared>> -> memref<50x64xf32, #tpu.memory_space<vmem_shared>>
        %dma_start3A_95 = arith.constant 0 : i32
        %dma_start3A_96 = tpu.memref_slice %arg32[%add3A_92, %dma_start3A_95] : memref<10000x64xf32, #tpu.memory_space<vmem_shared>> -> memref<50x64xf32, #tpu.memory_space<vmem_shared>>
        tpu.enqueue_dma source(%arg8 : memref<50x64xf32, #tpu.memory_space<vmem>>) target(%dma_start3A_96 : memref<50x64xf32, #tpu.memory_space<vmem_shared>>) target_semaphore(%run_scoped3A : memref<!tpu.dma_semaphore, #tpu.memory_space<semaphore_mem>>)
        %dma_wait3A_97 = arith.constant 0 : i32
        %dma_wait3A_98 = tpu.memref_slice %arg32[%add3A_92, %dma_wait3A_97] : memref<10000x64xf32, #tpu.memory_space<vmem_shared>> -> memref<50x64xf32, #tpu.memory_space<vmem_shared>>
        %dma_wait3A_99 = arith.constant 0 : i32
        %dma_wait3A_100 = tpu.memref_slice %arg32[%add3A_92, %dma_wait3A_99] : memref<10000x64xf32, #tpu.memory_space<vmem_shared>> -> memref<50x64xf32, #tpu.memory_space<vmem_shared>>
        tpu.wait_dma2 semaphore(%run_scoped3A : memref<!tpu.dma_semaphore, #tpu.memory_space<semaphore_mem>>) src(%arg8 : memref<50x64xf32, #tpu.memory_space<vmem>>) dst(%dma_wait3A_100 : memref<50x64xf32, #tpu.memory_space<vmem_shared>>)
        tpu.yield
      }) : () -> ()
    }
    %scan3A_12 = arith.constant 12 : i32
    %mul3A_13 = arith.constant 625 : i32
    %mul3A_14 = arith.muli %arg1, %mul3A_13 : i32
    %add3A_15 = arith.constant 600 : i32
    %add3A_16 = arith.addi %mul3A_14, %add3A_15 : i32
    "tpu.region"() ({
      %run_scoped3A = tpu.sem_alloc : memref<!tpu.dma_semaphore, #tpu.memory_space<semaphore_mem>>
      %dma_start3A_87 = arith.constant 0 : i32
      %dma_start3A_88 = arith.constant 0 : i32
      %dma_start3A_89 = tpu.memref_slice %arg8[%dma_start3A_87, %dma_start3A_88] : memref<50x64xf32, #tpu.memory_space<vmem>> -> memref<25x64xf32, #tpu.memory_space<vmem>>
      %dma_start3A_90 = arith.constant 0 : i32
      %dma_start3A_91 = tpu.memref_slice %arg32[%add3A_16, %dma_start3A_90] : memref<10000x64xf32, #tpu.memory_space<vmem_shared>> -> memref<25x64xf32, #tpu.memory_space<vmem_shared>>
      %dma_start3A_92 = arith.constant 0 : i32
      %dma_start3A_93 = tpu.memref_slice %arg32[%add3A_16, %dma_start3A_92] : memref<10000x64xf32, #tpu.memory_space<vmem_shared>> -> memref<25x64xf32, #tpu.memory_space<vmem_shared>>
      %dma_start3A_94 = arith.constant 0 : i32
      %dma_start3A_95 = arith.constant 0 : i32
      %dma_start3A_96 = tpu.memref_slice %arg8[%dma_start3A_94, %dma_start3A_95] : memref<50x64xf32, #tpu.memory_space<vmem>> -> memref<25x64xf32, #tpu.memory_space<vmem>>
      tpu.enqueue_dma source(%dma_start3A_96 : memref<25x64xf32, #tpu.memory_space<vmem>>) target(%dma_start3A_93 : memref<25x64xf32, #tpu.memory_space<vmem_shared>>) target_semaphore(%run_scoped3A : memref<!tpu.dma_semaphore, #tpu.memory_space<semaphore_mem>>)
      %dma_wait3A_97 = arith.constant 0 : i32
      %dma_wait3A_98 = arith.constant 0 : i32
      %dma_wait3A_99 = tpu.memref_slice %arg8[%dma_wait3A_97, %dma_wait3A_98] : memref<50x64xf32, #tpu.memory_space<vmem>> -> memref<25x64xf32, #tpu.memory_space<vmem>>
      %dma_wait3A_100 = arith.constant 0 : i32
      %dma_wait3A_101 = tpu.memref_slice %arg32[%add3A_16, %dma_wait3A_100] : memref<10000x64xf32, #tpu.memory_space<vmem_shared>> -> memref<25x64xf32, #tpu.memory_space<vmem_shared>>
      %dma_wait3A_102 = arith.constant 0 : i32
      %dma_wait3A_103 = tpu.memref_slice %arg32[%add3A_16, %dma_wait3A_102] : memref<10000x64xf32, #tpu.memory_space<vmem_shared>> -> memref<25x64xf32, #tpu.memory_space<vmem_shared>>
      %dma_wait3A_104 = arith.constant 0 : i32
      %dma_wait3A_105 = arith.constant 0 : i32
      %dma_wait3A_106 = tpu.memref_slice %arg8[%dma_wait3A_104, %dma_wait3A_105] : memref<50x64xf32, #tpu.memory_space<vmem>> -> memref<25x64xf32, #tpu.memory_space<vmem>>
      tpu.wait_dma2 semaphore(%run_scoped3A : memref<!tpu.dma_semaphore, #tpu.memory_space<semaphore_mem>>) src(%dma_wait3A_106 : memref<25x64xf32, #tpu.memory_space<vmem>>) dst(%dma_wait3A_103 : memref<25x64xf32, #tpu.memory_space<vmem_shared>>)
      tpu.yield
    }) : () -> ()
    %barrier3A = arith.constant 0 : index
    tpu.barrier barrier_id(%barrier3A)
    %dma_start3A = arith.constant 0 : i32
    %dma_start3A_17 = arith.constant 0 : i32
    %dma_start3A_18 = tpu.memref_slice %arg6[%dma_start3A, %dma_start3A_17] : memref<200x50xi32, #tpu.memory_space<vmem>> -> memref<1x50xi32, #tpu.memory_space<vmem>>
    %dma_start3A_19 = tpu.memref_squeeze %dma_start3A_18 : memref<1x50xi32, #tpu.memory_space<vmem>> -> memref<50xi32, #tpu.memory_space<vmem>>
    %dma_start3A_20 = arith.constant 0 : i32
    %dma_start3A_21 = arith.constant 0 : i32
    %dma_start3A_22 = tpu.memref_slice %arg2[%dma_start3A_20, %dma_start3A_21] : memref<10000x64xf32, #tpu.memory_space<hbm>> -> memref<10000x64xf32, #tpu.memory_space<hbm>>
    tpu.enqueue_indirect_dma source(%dma_start3A_22 : memref<10000x64xf32, #tpu.memory_space<hbm>>) target(%arg8 : memref<50x64xf32, #tpu.memory_space<vmem>>) offsets(%dma_start3A_19 : memref<50xi32, #tpu.memory_space<vmem>>) semaphore(%arg16 : memref<!tpu.dma_semaphore, #tpu.memory_space<semaphore_mem>>)
    %dma_start3A_23 = arith.constant 1 : i32
    %dma_start3A_24 = arith.constant 0 : i32
    %dma_start3A_25 = tpu.memref_slice %arg6[%dma_start3A_23, %dma_start3A_24] : memref<200x50xi32, #tpu.memory_space<vmem>> -> memref<1x50xi32, #tpu.memory_space<vmem>>
    %dma_start3A_26 = tpu.memref_squeeze %dma_start3A_25 : memref<1x50xi32, #tpu.memory_space<vmem>> -> memref<50xi32, #tpu.memory_space<vmem>>
    %dma_start3A_27 = arith.constant 0 : i32
    %dma_start3A_28 = arith.constant 0 : i32
    %dma_start3A_29 = tpu.memref_slice %arg2[%dma_start3A_27, %dma_start3A_28] : memref<10000x64xf32, #tpu.memory_space<hbm>> -> memref<10000x64xf32, #tpu.memory_space<hbm>>
    tpu.enqueue_indirect_dma source(%dma_start3A_29 : memref<10000x64xf32, #tpu.memory_space<hbm>>) target(%arg9 : memref<50x64xf32, #tpu.memory_space<vmem>>) offsets(%dma_start3A_26 : memref<50xi32, #tpu.memory_space<vmem>>) semaphore(%arg17 : memref<!tpu.dma_semaphore, #tpu.memory_space<semaphore_mem>>)
    %dma_start3A_30 = arith.constant 2 : i32
    %dma_start3A_31 = arith.constant 0 : i32
    %dma_start3A_32 = tpu.memref_slice %arg6[%dma_start3A_30, %dma_start3A_31] : memref<200x50xi32, #tpu.memory_space<vmem>> -> memref<1x50xi32, #tpu.memory_space<vmem>>
    %dma_start3A_33 = tpu.memref_squeeze %dma_start3A_32 : memref<1x50xi32, #tpu.memory_space<vmem>> -> memref<50xi32, #tpu.memory_space<vmem>>
    %dma_start3A_34 = arith.constant 0 : i32
    %dma_start3A_35 = arith.constant 0 : i32
    %dma_start3A_36 = tpu.memref_slice %arg2[%dma_start3A_34, %dma_start3A_35] : memref<10000x64xf32, #tpu.memory_space<hbm>> -> memref<10000x64xf32, #tpu.memory_space<hbm>>
    tpu.enqueue_indirect_dma source(%dma_start3A_36 : memref<10000x64xf32, #tpu.memory_space<hbm>>) target(%arg10 : memref<50x64xf32, #tpu.memory_space<vmem>>) offsets(%dma_start3A_33 : memref<50xi32, #tpu.memory_space<vmem>>) semaphore(%arg18 : memref<!tpu.dma_semaphore, #tpu.memory_space<semaphore_mem>>)
    %dma_start3A_37 = arith.constant 3 : i32
    %dma_start3A_38 = arith.constant 0 : i32
    %dma_start3A_39 = tpu.memref_slice %arg6[%dma_start3A_37, %dma_start3A_38] : memref<200x50xi32, #tpu.memory_space<vmem>> -> memref<1x50xi32, #tpu.memory_space<vmem>>
    %dma_start3A_40 = tpu.memref_squeeze %dma_start3A_39 : memref<1x50xi32, #tpu.memory_space<vmem>> -> memref<50xi32, #tpu.memory_space<vmem>>
    %dma_start3A_41 = arith.constant 0 : i32
    %dma_start3A_42 = arith.constant 0 : i32
    %dma_start3A_43 = tpu.memref_slice %arg2[%dma_start3A_41, %dma_start3A_42] : memref<10000x64xf32, #tpu.memory_space<hbm>> -> memref<10000x64xf32, #tpu.memory_space<hbm>>
    tpu.enqueue_indirect_dma source(%dma_start3A_43 : memref<10000x64xf32, #tpu.memory_space<hbm>>) target(%arg11 : memref<50x64xf32, #tpu.memory_space<vmem>>) offsets(%dma_start3A_40 : memref<50xi32, #tpu.memory_space<vmem>>) semaphore(%arg19 : memref<!tpu.dma_semaphore, #tpu.memory_space<semaphore_mem>>)
    %dma_start3A_44 = arith.constant 4 : i32
    %dma_start3A_45 = arith.constant 0 : i32
    %dma_start3A_46 = tpu.memref_slice %arg6[%dma_start3A_44, %dma_start3A_45] : memref<200x50xi32, #tpu.memory_space<vmem>> -> memref<1x50xi32, #tpu.memory_space<vmem>>
    %dma_start3A_47 = tpu.memref_squeeze %dma_start3A_46 : memref<1x50xi32, #tpu.memory_space<vmem>> -> memref<50xi32, #tpu.memory_space<vmem>>
    %dma_start3A_48 = arith.constant 0 : i32
    %dma_start3A_49 = arith.constant 0 : i32
    %dma_start3A_50 = tpu.memref_slice %arg2[%dma_start3A_48, %dma_start3A_49] : memref<10000x64xf32, #tpu.memory_space<hbm>> -> memref<10000x64xf32, #tpu.memory_space<hbm>>
    tpu.enqueue_indirect_dma source(%dma_start3A_50 : memref<10000x64xf32, #tpu.memory_space<hbm>>) target(%arg12 : memref<50x64xf32, #tpu.memory_space<vmem>>) offsets(%dma_start3A_47 : memref<50xi32, #tpu.memory_space<vmem>>) semaphore(%arg20 : memref<!tpu.dma_semaphore, #tpu.memory_space<semaphore_mem>>)
    %dma_start3A_51 = arith.constant 5 : i32
    %dma_start3A_52 = arith.constant 0 : i32
    %dma_start3A_53 = tpu.memref_slice %arg6[%dma_start3A_51, %dma_start3A_52] : memref<200x50xi32, #tpu.memory_space<vmem>> -> memref<1x50xi32, #tpu.memory_space<vmem>>
    %dma_start3A_54 = tpu.memref_squeeze %dma_start3A_53 : memref<1x50xi32, #tpu.memory_space<vmem>> -> memref<50xi32, #tpu.memory_space<vmem>>
    %dma_start3A_55 = arith.constant 0 : i32
    %dma_start3A_56 = arith.constant 0 : i32
    %dma_start3A_57 = tpu.memref_slice %arg2[%dma_start3A_55, %dma_start3A_56] : memref<10000x64xf32, #tpu.memory_space<hbm>> -> memref<10000x64xf32, #tpu.memory_space<hbm>>
    tpu.enqueue_indirect_dma source(%dma_start3A_57 : memref<10000x64xf32, #tpu.memory_space<hbm>>) target(%arg13 : memref<50x64xf32, #tpu.memory_space<vmem>>) offsets(%dma_start3A_54 : memref<50xi32, #tpu.memory_space<vmem>>) semaphore(%arg21 : memref<!tpu.dma_semaphore, #tpu.memory_space<semaphore_mem>>)
    %dma_start3A_58 = arith.constant 6 : i32
    %dma_start3A_59 = arith.constant 0 : i32
    %dma_start3A_60 = tpu.memref_slice %arg6[%dma_start3A_58, %dma_start3A_59] : memref<200x50xi32, #tpu.memory_space<vmem>> -> memref<1x50xi32, #tpu.memory_space<vmem>>
    %dma_start3A_61 = tpu.memref_squeeze %dma_start3A_60 : memref<1x50xi32, #tpu.memory_space<vmem>> -> memref<50xi32, #tpu.memory_space<vmem>>
    %dma_start3A_62 = arith.constant 0 : i32
    %dma_start3A_63 = arith.constant 0 : i32
    %dma_start3A_64 = tpu.memref_slice %arg2[%dma_start3A_62, %dma_start3A_63] : memref<10000x64xf32, #tpu.memory_space<hbm>> -> memref<10000x64xf32, #tpu.memory_space<hbm>>
    tpu.enqueue_indirect_dma source(%dma_start3A_64 : memref<10000x64xf32, #tpu.memory_space<hbm>>) target(%arg14 : memref<50x64xf32, #tpu.memory_space<vmem>>) offsets(%dma_start3A_61 : memref<50xi32, #tpu.memory_space<vmem>>) semaphore(%arg22 : memref<!tpu.dma_semaphore, #tpu.memory_space<semaphore_mem>>)
    %dma_start3A_65 = arith.constant 7 : i32
    %dma_start3A_66 = arith.constant 0 : i32
    %dma_start3A_67 = tpu.memref_slice %arg6[%dma_start3A_65, %dma_start3A_66] : memref<200x50xi32, #tpu.memory_space<vmem>> -> memref<1x50xi32, #tpu.memory_space<vmem>>
    %dma_start3A_68 = tpu.memref_squeeze %dma_start3A_67 : memref<1x50xi32, #tpu.memory_space<vmem>> -> memref<50xi32, #tpu.memory_space<vmem>>
    %dma_start3A_69 = arith.constant 0 : i32
    %dma_start3A_70 = arith.constant 0 : i32
    %dma_start3A_71 = tpu.memref_slice %arg2[%dma_start3A_69, %dma_start3A_70] : memref<10000x64xf32, #tpu.memory_space<hbm>> -> memref<10000x64xf32, #tpu.memory_space<hbm>>
    tpu.enqueue_indirect_dma source(%dma_start3A_71 : memref<10000x64xf32, #tpu.memory_space<hbm>>) target(%arg15 : memref<50x64xf32, #tpu.memory_space<vmem>>) offsets(%dma_start3A_68 : memref<50xi32, #tpu.memory_space<vmem>>) semaphore(%arg23 : memref<!tpu.dma_semaphore, #tpu.memory_space<semaphore_mem>>)
    %scan3A_72 = arith.constant 0 : i32
    %scan3A_73 = arith.constant 0 : i32
    %scan3A_74 = arith.constant 25 : i32
    %scan3A_75 = arith.addi %scan3A_73, %scan3A_74 : i32
    %scan3A_76 = arith.constant 1 : i32
    scf.for %scan3A_87 = %scan3A_73 to %scan3A_75 step %scan3A_76  : i32 {
      %mul3A_88 = arith.constant 8 : i32
      %mul3A_89 = arith.muli %scan3A_87, %mul3A_88 : i32
      %add3A_90 = arith.constant 0 : i32
      %add3A_91 = arith.addi %mul3A_89, %add3A_90 : i32
      %dma_wait3A_92 = arith.constant 0 : i32
      %dma_wait3A_93 = tpu.memref_slice %arg6[%add3A_91, %dma_wait3A_92] : memref<200x50xi32, #tpu.memory_space<vmem>> -> memref<1x50xi32, #tpu.memory_space<vmem>>
      %dma_wait3A_94 = tpu.memref_squeeze %dma_wait3A_93 : memref<1x50xi32, #tpu.memory_space<vmem>> -> memref<50xi32, #tpu.memory_space<vmem>>
      %dma_wait3A_95 = arith.constant 0 : i32
      %dma_wait3A_96 = arith.constant 0 : i32
      %dma_wait3A_97 = tpu.memref_slice %arg2[%dma_wait3A_95, %dma_wait3A_96] : memref<10000x64xf32, #tpu.memory_space<hbm>> -> memref<10000x64xf32, #tpu.memory_space<hbm>>
      tpu.wait_indirect_dma semaphore(%arg16 : memref<!tpu.dma_semaphore, #tpu.memory_space<semaphore_mem>>) src(%dma_wait3A_97 : memref<10000x64xf32, #tpu.memory_space<hbm>>) dst(%arg8 : memref<50x64xf32, #tpu.memory_space<vmem>>)
      %dma_start3A_98 = arith.constant 0 : i32
      %dma_start3A_99 = tpu.memref_slice %arg7[%add3A_91, %dma_start3A_98] : memref<200x50xi32, #tpu.memory_space<vmem>> -> memref<1x50xi32, #tpu.memory_space<vmem>>
      %dma_start3A_100 = tpu.memref_squeeze %dma_start3A_99 : memref<1x50xi32, #tpu.memory_space<vmem>> -> memref<50xi32, #tpu.memory_space<vmem>>
      %dma_start3A_101 = arith.constant 0 : i32
      %dma_start3A_102 = arith.constant 0 : i32
      %dma_start3A_103 = tpu.memref_slice %arg32[%dma_start3A_101, %dma_start3A_102] : memref<10000x64xf32, #tpu.memory_space<vmem_shared>> -> memref<10000x64xf32, #tpu.memory_space<vmem_shared>>
      tpu.enqueue_indirect_dma source(%arg8 : memref<50x64xf32, #tpu.memory_space<vmem>>) target(%dma_start3A_103 : memref<10000x64xf32, #tpu.memory_space<vmem_shared>>) offsets(%dma_start3A_100 : memref<50xi32, #tpu.memory_space<vmem>>) semaphore(%arg24 : memref<!tpu.dma_semaphore, #tpu.memory_space<semaphore_mem>>) {add = true}
      %sub3A = arith.constant 1 : i32
      %sub3A_104 = arith.subi %add3A_91, %sub3A : i32
      %gt3A = arith.constant 0 : i32
      %gt3A_105 = arith.cmpi sgt, %scan3A_87, %gt3A : i32
      %convert_element_type3A = arith.extui %gt3A_105 : i1 to i32
      %cond3A = arith.constant 0 : i32
      %cond3A_106 = arith.cmpi ne, %convert_element_type3A, %cond3A : i32
      scf.if %cond3A_106 {
        %dma_wait3A_309 = arith.constant 0 : i32
        %dma_wait3A_310 = tpu.memref_slice %arg7[%sub3A_104, %dma_wait3A_309] : memref<200x50xi32, #tpu.memory_space<vmem>> -> memref<1x50xi32, #tpu.memory_space<vmem>>
        %dma_wait3A_311 = tpu.memref_squeeze %dma_wait3A_310 : memref<1x50xi32, #tpu.memory_space<vmem>> -> memref<50xi32, #tpu.memory_space<vmem>>
        %dma_wait3A_312 = arith.constant 0 : i32
        %dma_wait3A_313 = arith.constant 0 : i32
        %dma_wait3A_314 = tpu.memref_slice %arg32[%dma_wait3A_312, %dma_wait3A_313] : memref<10000x64xf32, #tpu.memory_space<vmem_shared>> -> memref<10000x64xf32, #tpu.memory_space<vmem_shared>>
        tpu.wait_indirect_dma semaphore(%arg31 : memref<!tpu.dma_semaphore, #tpu.memory_space<semaphore_mem>>) src(%arg15 : memref<50x64xf32, #tpu.memory_space<vmem>>) dst(%dma_wait3A_314 : memref<10000x64xf32, #tpu.memory_space<vmem_shared>>)
        %add3A_315 = arith.constant 8 : i32
        %add3A_316 = arith.addi %sub3A_104, %add3A_315 : i32
        %lt3A_317 = arith.constant 200 : i32
        %lt3A_318 = arith.cmpi slt, %add3A_316, %lt3A_317 : i32
        %convert_element_type3A_319 = arith.extui %lt3A_318 : i1 to i32
        %cond3A_320 = arith.constant 0 : i32
        %cond3A_321 = arith.cmpi ne, %convert_element_type3A_319, %cond3A_320 : i32
        scf.if %cond3A_321 {
          %add3A_322 = arith.constant 8 : i32
          %add3A_323 = arith.addi %sub3A_104, %add3A_322 : i32
          %dma_start3A_324 = arith.constant 0 : i32
          %dma_start3A_325 = tpu.memref_slice %arg6[%add3A_323, %dma_start3A_324] : memref<200x50xi32, #tpu.memory_space<vmem>> -> memref<1x50xi32, #tpu.memory_space<vmem>>
          %dma_start3A_326 = tpu.memref_squeeze %dma_start3A_325 : memref<1x50xi32, #tpu.memory_space<vmem>> -> memref<50xi32, #tpu.memory_space<vmem>>
          %dma_start3A_327 = arith.constant 0 : i32
          %dma_start3A_328 = arith.constant 0 : i32
          %dma_start3A_329 = tpu.memref_slice %arg2[%dma_start3A_327, %dma_start3A_328] : memref<10000x64xf32, #tpu.memory_space<hbm>> -> memref<10000x64xf32, #tpu.memory_space<hbm>>
          tpu.enqueue_indirect_dma source(%dma_start3A_329 : memref<10000x64xf32, #tpu.memory_space<hbm>>) target(%arg15 : memref<50x64xf32, #tpu.memory_space<vmem>>) offsets(%dma_start3A_326 : memref<50xi32, #tpu.memory_space<vmem>>) semaphore(%arg23 : memref<!tpu.dma_semaphore, #tpu.memory_space<semaphore_mem>>)
        } else {
        }
      } else {
      }
      %add3A_107 = arith.constant 1 : i32
      %add3A_108 = arith.addi %mul3A_89, %add3A_107 : i32
      %dma_wait3A_109 = arith.constant 0 : i32
      %dma_wait3A_110 = tpu.memref_slice %arg6[%add3A_108, %dma_wait3A_109] : memref<200x50xi32, #tpu.memory_space<vmem>> -> memref<1x50xi32, #tpu.memory_space<vmem>>
      %dma_wait3A_111 = tpu.memref_squeeze %dma_wait3A_110 : memref<1x50xi32, #tpu.memory_space<vmem>> -> memref<50xi32, #tpu.memory_space<vmem>>
      %dma_wait3A_112 = arith.constant 0 : i32
      %dma_wait3A_113 = arith.constant 0 : i32
      %dma_wait3A_114 = tpu.memref_slice %arg2[%dma_wait3A_112, %dma_wait3A_113] : memref<10000x64xf32, #tpu.memory_space<hbm>> -> memref<10000x64xf32, #tpu.memory_space<hbm>>
      tpu.wait_indirect_dma semaphore(%arg17 : memref<!tpu.dma_semaphore, #tpu.memory_space<semaphore_mem>>) src(%dma_wait3A_114 : memref<10000x64xf32, #tpu.memory_space<hbm>>) dst(%arg9 : memref<50x64xf32, #tpu.memory_space<vmem>>)
      %dma_start3A_115 = arith.constant 0 : i32
      %dma_start3A_116 = tpu.memref_slice %arg7[%add3A_108, %dma_start3A_115] : memref<200x50xi32, #tpu.memory_space<vmem>> -> memref<1x50xi32, #tpu.memory_space<vmem>>
      %dma_start3A_117 = tpu.memref_squeeze %dma_start3A_116 : memref<1x50xi32, #tpu.memory_space<vmem>> -> memref<50xi32, #tpu.memory_space<vmem>>
      %dma_start3A_118 = arith.constant 0 : i32
      %dma_start3A_119 = arith.constant 0 : i32
      %dma_start3A_120 = tpu.memref_slice %arg32[%dma_start3A_118, %dma_start3A_119] : memref<10000x64xf32, #tpu.memory_space<vmem_shared>> -> memref<10000x64xf32, #tpu.memory_space<vmem_shared>>
      tpu.enqueue_indirect_dma source(%arg9 : memref<50x64xf32, #tpu.memory_space<vmem>>) target(%dma_start3A_120 : memref<10000x64xf32, #tpu.memory_space<vmem_shared>>) offsets(%dma_start3A_117 : memref<50xi32, #tpu.memory_space<vmem>>) semaphore(%arg25 : memref<!tpu.dma_semaphore, #tpu.memory_space<semaphore_mem>>) {add = true}
      %sub3A_121 = arith.constant 1 : i32
      %sub3A_122 = arith.subi %add3A_108, %sub3A_121 : i32
      %dma_wait3A_123 = arith.constant 0 : i32
      %dma_wait3A_124 = tpu.memref_slice %arg7[%sub3A_122, %dma_wait3A_123] : memref<200x50xi32, #tpu.memory_space<vmem>> -> memref<1x50xi32, #tpu.memory_space<vmem>>
      %dma_wait3A_125 = tpu.memref_squeeze %dma_wait3A_124 : memref<1x50xi32, #tpu.memory_space<vmem>> -> memref<50xi32, #tpu.memory_space<vmem>>
      %dma_wait3A_126 = arith.constant 0 : i32
      %dma_wait3A_127 = arith.constant 0 : i32
      %dma_wait3A_128 = tpu.memref_slice %arg32[%dma_wait3A_126, %dma_wait3A_127] : memref<10000x64xf32, #tpu.memory_space<vmem_shared>> -> memref<10000x64xf32, #tpu.memory_space<vmem_shared>>
      tpu.wait_indirect_dma semaphore(%arg24 : memref<!tpu.dma_semaphore, #tpu.memory_space<semaphore_mem>>) src(%arg8 : memref<50x64xf32, #tpu.memory_space<vmem>>) dst(%dma_wait3A_128 : memref<10000x64xf32, #tpu.memory_space<vmem_shared>>)
      %add3A_129 = arith.constant 8 : i32
      %add3A_130 = arith.addi %sub3A_122, %add3A_129 : i32
      %lt3A = arith.constant 200 : i32
      %lt3A_131 = arith.cmpi slt, %add3A_130, %lt3A : i32
      %convert_element_type3A_132 = arith.extui %lt3A_131 : i1 to i32
      %cond3A_133 = arith.constant 0 : i32
      %cond3A_134 = arith.cmpi ne, %convert_element_type3A_132, %cond3A_133 : i32
      scf.if %cond3A_134 {
        %add3A_309 = arith.constant 8 : i32
        %add3A_310 = arith.addi %sub3A_122, %add3A_309 : i32
        %dma_start3A_311 = arith.constant 0 : i32
        %dma_start3A_312 = tpu.memref_slice %arg6[%add3A_310, %dma_start3A_311] : memref<200x50xi32, #tpu.memory_space<vmem>> -> memref<1x50xi32, #tpu.memory_space<vmem>>
        %dma_start3A_313 = tpu.memref_squeeze %dma_start3A_312 : memref<1x50xi32, #tpu.memory_space<vmem>> -> memref<50xi32, #tpu.memory_space<vmem>>
        %dma_start3A_314 = arith.constant 0 : i32
        %dma_start3A_315 = arith.constant 0 : i32
        %dma_start3A_316 = tpu.memref_slice %arg2[%dma_start3A_314, %dma_start3A_315] : memref<10000x64xf32, #tpu.memory_space<hbm>> -> memref<10000x64xf32, #tpu.memory_space<hbm>>
        tpu.enqueue_indirect_dma source(%dma_start3A_316 : memref<10000x64xf32, #tpu.memory_space<hbm>>) target(%arg8 : memref<50x64xf32, #tpu.memory_space<vmem>>) offsets(%dma_start3A_313 : memref<50xi32, #tpu.memory_space<vmem>>) semaphore(%arg16 : memref<!tpu.dma_semaphore, #tpu.memory_space<semaphore_mem>>)
      } else {
      }
      %add3A_135 = arith.constant 2 : i32
      %add3A_136 = arith.addi %mul3A_89, %add3A_135 : i32
      %dma_wait3A_137 = arith.constant 0 : i32
      %dma_wait3A_138 = tpu.memref_slice %arg6[%add3A_136, %dma_wait3A_137] : memref<200x50xi32, #tpu.memory_space<vmem>> -> memref<1x50xi32, #tpu.memory_space<vmem>>
      %dma_wait3A_139 = tpu.memref_squeeze %dma_wait3A_138 : memref<1x50xi32, #tpu.memory_space<vmem>> -> memref<50xi32, #tpu.memory_space<vmem>>
      %dma_wait3A_140 = arith.constant 0 : i32
      %dma_wait3A_141 = arith.constant 0 : i32
      %dma_wait3A_142 = tpu.memref_slice %arg2[%dma_wait3A_140, %dma_wait3A_141] : memref<10000x64xf32, #tpu.memory_space<hbm>> -> memref<10000x64xf32, #tpu.memory_space<hbm>>
      tpu.wait_indirect_dma semaphore(%arg18 : memref<!tpu.dma_semaphore, #tpu.memory_space<semaphore_mem>>) src(%dma_wait3A_142 : memref<10000x64xf32, #tpu.memory_space<hbm>>) dst(%arg10 : memref<50x64xf32, #tpu.memory_space<vmem>>)
      %dma_start3A_143 = arith.constant 0 : i32
      %dma_start3A_144 = tpu.memref_slice %arg7[%add3A_136, %dma_start3A_143] : memref<200x50xi32, #tpu.memory_space<vmem>> -> memref<1x50xi32, #tpu.memory_space<vmem>>
      %dma_start3A_145 = tpu.memref_squeeze %dma_start3A_144 : memref<1x50xi32, #tpu.memory_space<vmem>> -> memref<50xi32, #tpu.memory_space<vmem>>
      %dma_start3A_146 = arith.constant 0 : i32
      %dma_start3A_147 = arith.constant 0 : i32
      %dma_start3A_148 = tpu.memref_slice %arg32[%dma_start3A_146, %dma_start3A_147] : memref<10000x64xf32, #tpu.memory_space<vmem_shared>> -> memref<10000x64xf32, #tpu.memory_space<vmem_shared>>
      tpu.enqueue_indirect_dma source(%arg10 : memref<50x64xf32, #tpu.memory_space<vmem>>) target(%dma_start3A_148 : memref<10000x64xf32, #tpu.memory_space<vmem_shared>>) offsets(%dma_start3A_145 : memref<50xi32, #tpu.memory_space<vmem>>) semaphore(%arg26 : memref<!tpu.dma_semaphore, #tpu.memory_space<semaphore_mem>>) {add = true}
      %sub3A_149 = arith.constant 1 : i32
      %sub3A_150 = arith.subi %add3A_136, %sub3A_149 : i32
      %dma_wait3A_151 = arith.constant 0 : i32
      %dma_wait3A_152 = tpu.memref_slice %arg7[%sub3A_150, %dma_wait3A_151] : memref<200x50xi32, #tpu.memory_space<vmem>> -> memref<1x50xi32, #tpu.memory_space<vmem>>
      %dma_wait3A_153 = tpu.memref_squeeze %dma_wait3A_152 : memref<1x50xi32, #tpu.memory_space<vmem>> -> memref<50xi32, #tpu.memory_space<vmem>>
      %dma_wait3A_154 = arith.constant 0 : i32
      %dma_wait3A_155 = arith.constant 0 : i32
      %dma_wait3A_156 = tpu.memref_slice %arg32[%dma_wait3A_154, %dma_wait3A_155] : memref<10000x64xf32, #tpu.memory_space<vmem_shared>> -> memref<10000x64xf32, #tpu.memory_space<vmem_shared>>
      tpu.wait_indirect_dma semaphore(%arg25 : memref<!tpu.dma_semaphore, #tpu.memory_space<semaphore_mem>>) src(%arg9 : memref<50x64xf32, #tpu.memory_space<vmem>>) dst(%dma_wait3A_156 : memref<10000x64xf32, #tpu.memory_space<vmem_shared>>)
      %add3A_157 = arith.constant 8 : i32
      %add3A_158 = arith.addi %sub3A_150, %add3A_157 : i32
      %lt3A_159 = arith.constant 200 : i32
      %lt3A_160 = arith.cmpi slt, %add3A_158, %lt3A_159 : i32
      %convert_element_type3A_161 = arith.extui %lt3A_160 : i1 to i32
      %cond3A_162 = arith.constant 0 : i32
      %cond3A_163 = arith.cmpi ne, %convert_element_type3A_161, %cond3A_162 : i32
      scf.if %cond3A_163 {
        %add3A_309 = arith.constant 8 : i32
        %add3A_310 = arith.addi %sub3A_150, %add3A_309 : i32
        %dma_start3A_311 = arith.constant 0 : i32
        %dma_start3A_312 = tpu.memref_slice %arg6[%add3A_310, %dma_start3A_311] : memref<200x50xi32, #tpu.memory_space<vmem>> -> memref<1x50xi32, #tpu.memory_space<vmem>>
        %dma_start3A_313 = tpu.memref_squeeze %dma_start3A_312 : memref<1x50xi32, #tpu.memory_space<vmem>> -> memref<50xi32, #tpu.memory_space<vmem>>
        %dma_start3A_314 = arith.constant 0 : i32
        %dma_start3A_315 = arith.constant 0 : i32
        %dma_start3A_316 = tpu.memref_slice %arg2[%dma_start3A_314, %dma_start3A_315] : memref<10000x64xf32, #tpu.memory_space<hbm>> -> memref<10000x64xf32, #tpu.memory_space<hbm>>
        tpu.enqueue_indirect_dma source(%dma_start3A_316 : memref<10000x64xf32, #tpu.memory_space<hbm>>) target(%arg9 : memref<50x64xf32, #tpu.memory_space<vmem>>) offsets(%dma_start3A_313 : memref<50xi32, #tpu.memory_space<vmem>>) semaphore(%arg17 : memref<!tpu.dma_semaphore, #tpu.memory_space<semaphore_mem>>)
      } else {
      }
      %add3A_164 = arith.constant 3 : i32
      %add3A_165 = arith.addi %mul3A_89, %add3A_164 : i32
      %dma_wait3A_166 = arith.constant 0 : i32
      %dma_wait3A_167 = tpu.memref_slice %arg6[%add3A_165, %dma_wait3A_166] : memref<200x50xi32, #tpu.memory_space<vmem>> -> memref<1x50xi32, #tpu.memory_space<vmem>>
      %dma_wait3A_168 = tpu.memref_squeeze %dma_wait3A_167 : memref<1x50xi32, #tpu.memory_space<vmem>> -> memref<50xi32, #tpu.memory_space<vmem>>
      %dma_wait3A_169 = arith.constant 0 : i32
      %dma_wait3A_170 = arith.constant 0 : i32
      %dma_wait3A_171 = tpu.memref_slice %arg2[%dma_wait3A_169, %dma_wait3A_170] : memref<10000x64xf32, #tpu.memory_space<hbm>> -> memref<10000x64xf32, #tpu.memory_space<hbm>>
      tpu.wait_indirect_dma semaphore(%arg19 : memref<!tpu.dma_semaphore, #tpu.memory_space<semaphore_mem>>) src(%dma_wait3A_171 : memref<10000x64xf32, #tpu.memory_space<hbm>>) dst(%arg11 : memref<50x64xf32, #tpu.memory_space<vmem>>)
      %dma_start3A_172 = arith.constant 0 : i32
      %dma_start3A_173 = tpu.memref_slice %arg7[%add3A_165, %dma_start3A_172] : memref<200x50xi32, #tpu.memory_space<vmem>> -> memref<1x50xi32, #tpu.memory_space<vmem>>
      %dma_start3A_174 = tpu.memref_squeeze %dma_start3A_173 : memref<1x50xi32, #tpu.memory_space<vmem>> -> memref<50xi32, #tpu.memory_space<vmem>>
      %dma_start3A_175 = arith.constant 0 : i32
      %dma_start3A_176 = arith.constant 0 : i32
      %dma_start3A_177 = tpu.memref_slice %arg32[%dma_start3A_175, %dma_start3A_176] : memref<10000x64xf32, #tpu.memory_space<vmem_shared>> -> memref<10000x64xf32, #tpu.memory_space<vmem_shared>>
      tpu.enqueue_indirect_dma source(%arg11 : memref<50x64xf32, #tpu.memory_space<vmem>>) target(%dma_start3A_177 : memref<10000x64xf32, #tpu.memory_space<vmem_shared>>) offsets(%dma_start3A_174 : memref<50xi32, #tpu.memory_space<vmem>>) semaphore(%arg27 : memref<!tpu.dma_semaphore, #tpu.memory_space<semaphore_mem>>) {add = true}
      %sub3A_178 = arith.constant 1 : i32
      %sub3A_179 = arith.subi %add3A_165, %sub3A_178 : i32
      %dma_wait3A_180 = arith.constant 0 : i32
      %dma_wait3A_181 = tpu.memref_slice %arg7[%sub3A_179, %dma_wait3A_180] : memref<200x50xi32, #tpu.memory_space<vmem>> -> memref<1x50xi32, #tpu.memory_space<vmem>>
      %dma_wait3A_182 = tpu.memref_squeeze %dma_wait3A_181 : memref<1x50xi32, #tpu.memory_space<vmem>> -> memref<50xi32, #tpu.memory_space<vmem>>
      %dma_wait3A_183 = arith.constant 0 : i32
      %dma_wait3A_184 = arith.constant 0 : i32
      %dma_wait3A_185 = tpu.memref_slice %arg32[%dma_wait3A_183, %dma_wait3A_184] : memref<10000x64xf32, #tpu.memory_space<vmem_shared>> -> memref<10000x64xf32, #tpu.memory_space<vmem_shared>>
      tpu.wait_indirect_dma semaphore(%arg26 : memref<!tpu.dma_semaphore, #tpu.memory_space<semaphore_mem>>) src(%arg10 : memref<50x64xf32, #tpu.memory_space<vmem>>) dst(%dma_wait3A_185 : memref<10000x64xf32, #tpu.memory_space<vmem_shared>>)
      %add3A_186 = arith.constant 8 : i32
      %add3A_187 = arith.addi %sub3A_179, %add3A_186 : i32
      %lt3A_188 = arith.constant 200 : i32
      %lt3A_189 = arith.cmpi slt, %add3A_187, %lt3A_188 : i32
      %convert_element_type3A_190 = arith.extui %lt3A_189 : i1 to i32
      %cond3A_191 = arith.constant 0 : i32
      %cond3A_192 = arith.cmpi ne, %convert_element_type3A_190, %cond3A_191 : i32
      scf.if %cond3A_192 {
        %add3A_309 = arith.constant 8 : i32
        %add3A_310 = arith.addi %sub3A_179, %add3A_309 : i32
        %dma_start3A_311 = arith.constant 0 : i32
        %dma_start3A_312 = tpu.memref_slice %arg6[%add3A_310, %dma_start3A_311] : memref<200x50xi32, #tpu.memory_space<vmem>> -> memref<1x50xi32, #tpu.memory_space<vmem>>
        %dma_start3A_313 = tpu.memref_squeeze %dma_start3A_312 : memref<1x50xi32, #tpu.memory_space<vmem>> -> memref<50xi32, #tpu.memory_space<vmem>>
        %dma_start3A_314 = arith.constant 0 : i32
        %dma_start3A_315 = arith.constant 0 : i32
        %dma_start3A_316 = tpu.memref_slice %arg2[%dma_start3A_314, %dma_start3A_315] : memref<10000x64xf32, #tpu.memory_space<hbm>> -> memref<10000x64xf32, #tpu.memory_space<hbm>>
        tpu.enqueue_indirect_dma source(%dma_start3A_316 : memref<10000x64xf32, #tpu.memory_space<hbm>>) target(%arg10 : memref<50x64xf32, #tpu.memory_space<vmem>>) offsets(%dma_start3A_313 : memref<50xi32, #tpu.memory_space<vmem>>) semaphore(%arg18 : memref<!tpu.dma_semaphore, #tpu.memory_space<semaphore_mem>>)
      } else {
      }
      %add3A_193 = arith.constant 4 : i32
      %add3A_194 = arith.addi %mul3A_89, %add3A_193 : i32
      %dma_wait3A_195 = arith.constant 0 : i32
      %dma_wait3A_196 = tpu.memref_slice %arg6[%add3A_194, %dma_wait3A_195] : memref<200x50xi32, #tpu.memory_space<vmem>> -> memref<1x50xi32, #tpu.memory_space<vmem>>
      %dma_wait3A_197 = tpu.memref_squeeze %dma_wait3A_196 : memref<1x50xi32, #tpu.memory_space<vmem>> -> memref<50xi32, #tpu.memory_space<vmem>>
      %dma_wait3A_198 = arith.constant 0 : i32
      %dma_wait3A_199 = arith.constant 0 : i32
      %dma_wait3A_200 = tpu.memref_slice %arg2[%dma_wait3A_198, %dma_wait3A_199] : memref<10000x64xf32, #tpu.memory_space<hbm>> -> memref<10000x64xf32, #tpu.memory_space<hbm>>
      tpu.wait_indirect_dma semaphore(%arg20 : memref<!tpu.dma_semaphore, #tpu.memory_space<semaphore_mem>>) src(%dma_wait3A_200 : memref<10000x64xf32, #tpu.memory_space<hbm>>) dst(%arg12 : memref<50x64xf32, #tpu.memory_space<vmem>>)
      %dma_start3A_201 = arith.constant 0 : i32
      %dma_start3A_202 = tpu.memref_slice %arg7[%add3A_194, %dma_start3A_201] : memref<200x50xi32, #tpu.memory_space<vmem>> -> memref<1x50xi32, #tpu.memory_space<vmem>>
      %dma_start3A_203 = tpu.memref_squeeze %dma_start3A_202 : memref<1x50xi32, #tpu.memory_space<vmem>> -> memref<50xi32, #tpu.memory_space<vmem>>
      %dma_start3A_204 = arith.constant 0 : i32
      %dma_start3A_205 = arith.constant 0 : i32
      %dma_start3A_206 = tpu.memref_slice %arg32[%dma_start3A_204, %dma_start3A_205] : memref<10000x64xf32, #tpu.memory_space<vmem_shared>> -> memref<10000x64xf32, #tpu.memory_space<vmem_shared>>
      tpu.enqueue_indirect_dma source(%arg12 : memref<50x64xf32, #tpu.memory_space<vmem>>) target(%dma_start3A_206 : memref<10000x64xf32, #tpu.memory_space<vmem_shared>>) offsets(%dma_start3A_203 : memref<50xi32, #tpu.memory_space<vmem>>) semaphore(%arg28 : memref<!tpu.dma_semaphore, #tpu.memory_space<semaphore_mem>>) {add = true}
      %sub3A_207 = arith.constant 1 : i32
      %sub3A_208 = arith.subi %add3A_194, %sub3A_207 : i32
      %dma_wait3A_209 = arith.constant 0 : i32
      %dma_wait3A_210 = tpu.memref_slice %arg7[%sub3A_208, %dma_wait3A_209] : memref<200x50xi32, #tpu.memory_space<vmem>> -> memref<1x50xi32, #tpu.memory_space<vmem>>
      %dma_wait3A_211 = tpu.memref_squeeze %dma_wait3A_210 : memref<1x50xi32, #tpu.memory_space<vmem>> -> memref<50xi32, #tpu.memory_space<vmem>>
      %dma_wait3A_212 = arith.constant 0 : i32
      %dma_wait3A_213 = arith.constant 0 : i32
      %dma_wait3A_214 = tpu.memref_slice %arg32[%dma_wait3A_212, %dma_wait3A_213] : memref<10000x64xf32, #tpu.memory_space<vmem_shared>> -> memref<10000x64xf32, #tpu.memory_space<vmem_shared>>
      tpu.wait_indirect_dma semaphore(%arg27 : memref<!tpu.dma_semaphore, #tpu.memory_space<semaphore_mem>>) src(%arg11 : memref<50x64xf32, #tpu.memory_space<vmem>>) dst(%dma_wait3A_214 : memref<10000x64xf32, #tpu.memory_space<vmem_shared>>)
      %add3A_215 = arith.constant 8 : i32
      %add3A_216 = arith.addi %sub3A_208, %add3A_215 : i32
      %lt3A_217 = arith.constant 200 : i32
      %lt3A_218 = arith.cmpi slt, %add3A_216, %lt3A_217 : i32
      %convert_element_type3A_219 = arith.extui %lt3A_218 : i1 to i32
      %cond3A_220 = arith.constant 0 : i32
      %cond3A_221 = arith.cmpi ne, %convert_element_type3A_219, %cond3A_220 : i32
      scf.if %cond3A_221 {
        %add3A_309 = arith.constant 8 : i32
        %add3A_310 = arith.addi %sub3A_208, %add3A_309 : i32
        %dma_start3A_311 = arith.constant 0 : i32
        %dma_start3A_312 = tpu.memref_slice %arg6[%add3A_310, %dma_start3A_311] : memref<200x50xi32, #tpu.memory_space<vmem>> -> memref<1x50xi32, #tpu.memory_space<vmem>>
        %dma_start3A_313 = tpu.memref_squeeze %dma_start3A_312 : memref<1x50xi32, #tpu.memory_space<vmem>> -> memref<50xi32, #tpu.memory_space<vmem>>
        %dma_start3A_314 = arith.constant 0 : i32
        %dma_start3A_315 = arith.constant 0 : i32
        %dma_start3A_316 = tpu.memref_slice %arg2[%dma_start3A_314, %dma_start3A_315] : memref<10000x64xf32, #tpu.memory_space<hbm>> -> memref<10000x64xf32, #tpu.memory_space<hbm>>
        tpu.enqueue_indirect_dma source(%dma_start3A_316 : memref<10000x64xf32, #tpu.memory_space<hbm>>) target(%arg11 : memref<50x64xf32, #tpu.memory_space<vmem>>) offsets(%dma_start3A_313 : memref<50xi32, #tpu.memory_space<vmem>>) semaphore(%arg19 : memref<!tpu.dma_semaphore, #tpu.memory_space<semaphore_mem>>)
      } else {
      }
      %add3A_222 = arith.constant 5 : i32
      %add3A_223 = arith.addi %mul3A_89, %add3A_222 : i32
      %dma_wait3A_224 = arith.constant 0 : i32
      %dma_wait3A_225 = tpu.memref_slice %arg6[%add3A_223, %dma_wait3A_224] : memref<200x50xi32, #tpu.memory_space<vmem>> -> memref<1x50xi32, #tpu.memory_space<vmem>>
      %dma_wait3A_226 = tpu.memref_squeeze %dma_wait3A_225 : memref<1x50xi32, #tpu.memory_space<vmem>> -> memref<50xi32, #tpu.memory_space<vmem>>
      %dma_wait3A_227 = arith.constant 0 : i32
      %dma_wait3A_228 = arith.constant 0 : i32
      %dma_wait3A_229 = tpu.memref_slice %arg2[%dma_wait3A_227, %dma_wait3A_228] : memref<10000x64xf32, #tpu.memory_space<hbm>> -> memref<10000x64xf32, #tpu.memory_space<hbm>>
      tpu.wait_indirect_dma semaphore(%arg21 : memref<!tpu.dma_semaphore, #tpu.memory_space<semaphore_mem>>) src(%dma_wait3A_229 : memref<10000x64xf32, #tpu.memory_space<hbm>>) dst(%arg13 : memref<50x64xf32, #tpu.memory_space<vmem>>)
      %dma_start3A_230 = arith.constant 0 : i32
      %dma_start3A_231 = tpu.memref_slice %arg7[%add3A_223, %dma_start3A_230] : memref<200x50xi32, #tpu.memory_space<vmem>> -> memref<1x50xi32, #tpu.memory_space<vmem>>
      %dma_start3A_232 = tpu.memref_squeeze %dma_start3A_231 : memref<1x50xi32, #tpu.memory_space<vmem>> -> memref<50xi32, #tpu.memory_space<vmem>>
      %dma_start3A_233 = arith.constant 0 : i32
      %dma_start3A_234 = arith.constant 0 : i32
      %dma_start3A_235 = tpu.memref_slice %arg32[%dma_start3A_233, %dma_start3A_234] : memref<10000x64xf32, #tpu.memory_space<vmem_shared>> -> memref<10000x64xf32, #tpu.memory_space<vmem_shared>>
      tpu.enqueue_indirect_dma source(%arg13 : memref<50x64xf32, #tpu.memory_space<vmem>>) target(%dma_start3A_235 : memref<10000x64xf32, #tpu.memory_space<vmem_shared>>) offsets(%dma_start3A_232 : memref<50xi32, #tpu.memory_space<vmem>>) semaphore(%arg29 : memref<!tpu.dma_semaphore, #tpu.memory_space<semaphore_mem>>) {add = true}
      %sub3A_236 = arith.constant 1 : i32
      %sub3A_237 = arith.subi %add3A_223, %sub3A_236 : i32
      %dma_wait3A_238 = arith.constant 0 : i32
      %dma_wait3A_239 = tpu.memref_slice %arg7[%sub3A_237, %dma_wait3A_238] : memref<200x50xi32, #tpu.memory_space<vmem>> -> memref<1x50xi32, #tpu.memory_space<vmem>>
      %dma_wait3A_240 = tpu.memref_squeeze %dma_wait3A_239 : memref<1x50xi32, #tpu.memory_space<vmem>> -> memref<50xi32, #tpu.memory_space<vmem>>
      %dma_wait3A_241 = arith.constant 0 : i32
      %dma_wait3A_242 = arith.constant 0 : i32
      %dma_wait3A_243 = tpu.memref_slice %arg32[%dma_wait3A_241, %dma_wait3A_242] : memref<10000x64xf32, #tpu.memory_space<vmem_shared>> -> memref<10000x64xf32, #tpu.memory_space<vmem_shared>>
      tpu.wait_indirect_dma semaphore(%arg28 : memref<!tpu.dma_semaphore, #tpu.memory_space<semaphore_mem>>) src(%arg12 : memref<50x64xf32, #tpu.memory_space<vmem>>) dst(%dma_wait3A_243 : memref<10000x64xf32, #tpu.memory_space<vmem_shared>>)
      %add3A_244 = arith.constant 8 : i32
      %add3A_245 = arith.addi %sub3A_237, %add3A_244 : i32
      %lt3A_246 = arith.constant 200 : i32
      %lt3A_247 = arith.cmpi slt, %add3A_245, %lt3A_246 : i32
      %convert_element_type3A_248 = arith.extui %lt3A_247 : i1 to i32
      %cond3A_249 = arith.constant 0 : i32
      %cond3A_250 = arith.cmpi ne, %convert_element_type3A_248, %cond3A_249 : i32
      scf.if %cond3A_250 {
        %add3A_309 = arith.constant 8 : i32
        %add3A_310 = arith.addi %sub3A_237, %add3A_309 : i32
        %dma_start3A_311 = arith.constant 0 : i32
        %dma_start3A_312 = tpu.memref_slice %arg6[%add3A_310, %dma_start3A_311] : memref<200x50xi32, #tpu.memory_space<vmem>> -> memref<1x50xi32, #tpu.memory_space<vmem>>
        %dma_start3A_313 = tpu.memref_squeeze %dma_start3A_312 : memref<1x50xi32, #tpu.memory_space<vmem>> -> memref<50xi32, #tpu.memory_space<vmem>>
        %dma_start3A_314 = arith.constant 0 : i32
        %dma_start3A_315 = arith.constant 0 : i32
        %dma_start3A_316 = tpu.memref_slice %arg2[%dma_start3A_314, %dma_start3A_315] : memref<10000x64xf32, #tpu.memory_space<hbm>> -> memref<10000x64xf32, #tpu.memory_space<hbm>>
        tpu.enqueue_indirect_dma source(%dma_start3A_316 : memref<10000x64xf32, #tpu.memory_space<hbm>>) target(%arg12 : memref<50x64xf32, #tpu.memory_space<vmem>>) offsets(%dma_start3A_313 : memref<50xi32, #tpu.memory_space<vmem>>) semaphore(%arg20 : memref<!tpu.dma_semaphore, #tpu.memory_space<semaphore_mem>>)
      } else {
      }
      %add3A_251 = arith.constant 6 : i32
      %add3A_252 = arith.addi %mul3A_89, %add3A_251 : i32
      %dma_wait3A_253 = arith.constant 0 : i32
      %dma_wait3A_254 = tpu.memref_slice %arg6[%add3A_252, %dma_wait3A_253] : memref<200x50xi32, #tpu.memory_space<vmem>> -> memref<1x50xi32, #tpu.memory_space<vmem>>
      %dma_wait3A_255 = tpu.memref_squeeze %dma_wait3A_254 : memref<1x50xi32, #tpu.memory_space<vmem>> -> memref<50xi32, #tpu.memory_space<vmem>>
      %dma_wait3A_256 = arith.constant 0 : i32
      %dma_wait3A_257 = arith.constant 0 : i32
      %dma_wait3A_258 = tpu.memref_slice %arg2[%dma_wait3A_256, %dma_wait3A_257] : memref<10000x64xf32, #tpu.memory_space<hbm>> -> memref<10000x64xf32, #tpu.memory_space<hbm>>
      tpu.wait_indirect_dma semaphore(%arg22 : memref<!tpu.dma_semaphore, #tpu.memory_space<semaphore_mem>>) src(%dma_wait3A_258 : memref<10000x64xf32, #tpu.memory_space<hbm>>) dst(%arg14 : memref<50x64xf32, #tpu.memory_space<vmem>>)
      %dma_start3A_259 = arith.constant 0 : i32
      %dma_start3A_260 = tpu.memref_slice %arg7[%add3A_252, %dma_start3A_259] : memref<200x50xi32, #tpu.memory_space<vmem>> -> memref<1x50xi32, #tpu.memory_space<vmem>>
      %dma_start3A_261 = tpu.memref_squeeze %dma_start3A_260 : memref<1x50xi32, #tpu.memory_space<vmem>> -> memref<50xi32, #tpu.memory_space<vmem>>
      %dma_start3A_262 = arith.constant 0 : i32
      %dma_start3A_263 = arith.constant 0 : i32
      %dma_start3A_264 = tpu.memref_slice %arg32[%dma_start3A_262, %dma_start3A_263] : memref<10000x64xf32, #tpu.memory_space<vmem_shared>> -> memref<10000x64xf32, #tpu.memory_space<vmem_shared>>
      tpu.enqueue_indirect_dma source(%arg14 : memref<50x64xf32, #tpu.memory_space<vmem>>) target(%dma_start3A_264 : memref<10000x64xf32, #tpu.memory_space<vmem_shared>>) offsets(%dma_start3A_261 : memref<50xi32, #tpu.memory_space<vmem>>) semaphore(%arg30 : memref<!tpu.dma_semaphore, #tpu.memory_space<semaphore_mem>>) {add = true}
      %sub3A_265 = arith.constant 1 : i32
      %sub3A_266 = arith.subi %add3A_252, %sub3A_265 : i32
      %dma_wait3A_267 = arith.constant 0 : i32
      %dma_wait3A_268 = tpu.memref_slice %arg7[%sub3A_266, %dma_wait3A_267] : memref<200x50xi32, #tpu.memory_space<vmem>> -> memref<1x50xi32, #tpu.memory_space<vmem>>
      %dma_wait3A_269 = tpu.memref_squeeze %dma_wait3A_268 : memref<1x50xi32, #tpu.memory_space<vmem>> -> memref<50xi32, #tpu.memory_space<vmem>>
      %dma_wait3A_270 = arith.constant 0 : i32
      %dma_wait3A_271 = arith.constant 0 : i32
      %dma_wait3A_272 = tpu.memref_slice %arg32[%dma_wait3A_270, %dma_wait3A_271] : memref<10000x64xf32, #tpu.memory_space<vmem_shared>> -> memref<10000x64xf32, #tpu.memory_space<vmem_shared>>
      tpu.wait_indirect_dma semaphore(%arg29 : memref<!tpu.dma_semaphore, #tpu.memory_space<semaphore_mem>>) src(%arg13 : memref<50x64xf32, #tpu.memory_space<vmem>>) dst(%dma_wait3A_272 : memref<10000x64xf32, #tpu.memory_space<vmem_shared>>)
      %add3A_273 = arith.constant 8 : i32
      %add3A_274 = arith.addi %sub3A_266, %add3A_273 : i32
      %lt3A_275 = arith.constant 200 : i32
      %lt3A_276 = arith.cmpi slt, %add3A_274, %lt3A_275 : i32
      %convert_element_type3A_277 = arith.extui %lt3A_276 : i1 to i32
      %cond3A_278 = arith.constant 0 : i32
      %cond3A_279 = arith.cmpi ne, %convert_element_type3A_277, %cond3A_278 : i32
      scf.if %cond3A_279 {
        %add3A_309 = arith.constant 8 : i32
        %add3A_310 = arith.addi %sub3A_266, %add3A_309 : i32
        %dma_start3A_311 = arith.constant 0 : i32
        %dma_start3A_312 = tpu.memref_slice %arg6[%add3A_310, %dma_start3A_311] : memref<200x50xi32, #tpu.memory_space<vmem>> -> memref<1x50xi32, #tpu.memory_space<vmem>>
        %dma_start3A_313 = tpu.memref_squeeze %dma_start3A_312 : memref<1x50xi32, #tpu.memory_space<vmem>> -> memref<50xi32, #tpu.memory_space<vmem>>
        %dma_start3A_314 = arith.constant 0 : i32
        %dma_start3A_315 = arith.constant 0 : i32
        %dma_start3A_316 = tpu.memref_slice %arg2[%dma_start3A_314, %dma_start3A_315] : memref<10000x64xf32, #tpu.memory_space<hbm>> -> memref<10000x64xf32, #tpu.memory_space<hbm>>
        tpu.enqueue_indirect_dma source(%dma_start3A_316 : memref<10000x64xf32, #tpu.memory_space<hbm>>) target(%arg13 : memref<50x64xf32, #tpu.memory_space<vmem>>) offsets(%dma_start3A_313 : memref<50xi32, #tpu.memory_space<vmem>>) semaphore(%arg21 : memref<!tpu.dma_semaphore, #tpu.memory_space<semaphore_mem>>)
      } else {
      }
      %add3A_280 = arith.constant 7 : i32
      %add3A_281 = arith.addi %mul3A_89, %add3A_280 : i32
      %dma_wait3A_282 = arith.constant 0 : i32
      %dma_wait3A_283 = tpu.memref_slice %arg6[%add3A_281, %dma_wait3A_282] : memref<200x50xi32, #tpu.memory_space<vmem>> -> memref<1x50xi32, #tpu.memory_space<vmem>>
      %dma_wait3A_284 = tpu.memref_squeeze %dma_wait3A_283 : memref<1x50xi32, #tpu.memory_space<vmem>> -> memref<50xi32, #tpu.memory_space<vmem>>
      %dma_wait3A_285 = arith.constant 0 : i32
      %dma_wait3A_286 = arith.constant 0 : i32
      %dma_wait3A_287 = tpu.memref_slice %arg2[%dma_wait3A_285, %dma_wait3A_286] : memref<10000x64xf32, #tpu.memory_space<hbm>> -> memref<10000x64xf32, #tpu.memory_space<hbm>>
      tpu.wait_indirect_dma semaphore(%arg23 : memref<!tpu.dma_semaphore, #tpu.memory_space<semaphore_mem>>) src(%dma_wait3A_287 : memref<10000x64xf32, #tpu.memory_space<hbm>>) dst(%arg15 : memref<50x64xf32, #tpu.memory_space<vmem>>)
      %dma_start3A_288 = arith.constant 0 : i32
      %dma_start3A_289 = tpu.memref_slice %arg7[%add3A_281, %dma_start3A_288] : memref<200x50xi32, #tpu.memory_space<vmem>> -> memref<1x50xi32, #tpu.memory_space<vmem>>
      %dma_start3A_290 = tpu.memref_squeeze %dma_start3A_289 : memref<1x50xi32, #tpu.memory_space<vmem>> -> memref<50xi32, #tpu.memory_space<vmem>>
      %dma_start3A_291 = arith.constant 0 : i32
      %dma_start3A_292 = arith.constant 0 : i32
      %dma_start3A_293 = tpu.memref_slice %arg32[%dma_start3A_291, %dma_start3A_292] : memref<10000x64xf32, #tpu.memory_space<vmem_shared>> -> memref<10000x64xf32, #tpu.memory_space<vmem_shared>>
      tpu.enqueue_indirect_dma source(%arg15 : memref<50x64xf32, #tpu.memory_space<vmem>>) target(%dma_start3A_293 : memref<10000x64xf32, #tpu.memory_space<vmem_shared>>) offsets(%dma_start3A_290 : memref<50xi32, #tpu.memory_space<vmem>>) semaphore(%arg31 : memref<!tpu.dma_semaphore, #tpu.memory_space<semaphore_mem>>) {add = true}
      %sub3A_294 = arith.constant 1 : i32
      %sub3A_295 = arith.subi %add3A_281, %sub3A_294 : i32
      %dma_wait3A_296 = arith.constant 0 : i32
      %dma_wait3A_297 = tpu.memref_slice %arg7[%sub3A_295, %dma_wait3A_296] : memref<200x50xi32, #tpu.memory_space<vmem>> -> memref<1x50xi32, #tpu.memory_space<vmem>>
      %dma_wait3A_298 = tpu.memref_squeeze %dma_wait3A_297 : memref<1x50xi32, #tpu.memory_space<vmem>> -> memref<50xi32, #tpu.memory_space<vmem>>
      %dma_wait3A_299 = arith.constant 0 : i32
      %dma_wait3A_300 = arith.constant 0 : i32
      %dma_wait3A_301 = tpu.memref_slice %arg32[%dma_wait3A_299, %dma_wait3A_300] : memref<10000x64xf32, #tpu.memory_space<vmem_shared>> -> memref<10000x64xf32, #tpu.memory_space<vmem_shared>>
      tpu.wait_indirect_dma semaphore(%arg30 : memref<!tpu.dma_semaphore, #tpu.memory_space<semaphore_mem>>) src(%arg14 : memref<50x64xf32, #tpu.memory_space<vmem>>) dst(%dma_wait3A_301 : memref<10000x64xf32, #tpu.memory_space<vmem_shared>>)
      %add3A_302 = arith.constant 8 : i32
      %add3A_303 = arith.addi %sub3A_295, %add3A_302 : i32
      %lt3A_304 = arith.constant 200 : i32
      %lt3A_305 = arith.cmpi slt, %add3A_303, %lt3A_304 : i32
      %convert_element_type3A_306 = arith.extui %lt3A_305 : i1 to i32
      %cond3A_307 = arith.constant 0 : i32
      %cond3A_308 = arith.cmpi ne, %convert_element_type3A_306, %cond3A_307 : i32
      scf.if %cond3A_308 {
        %add3A_309 = arith.constant 8 : i32
        %add3A_310 = arith.addi %sub3A_295, %add3A_309 : i32
        %dma_start3A_311 = arith.constant 0 : i32
        %dma_start3A_312 = tpu.memref_slice %arg6[%add3A_310, %dma_start3A_311] : memref<200x50xi32, #tpu.memory_space<vmem>> -> memref<1x50xi32, #tpu.memory_space<vmem>>
        %dma_start3A_313 = tpu.memref_squeeze %dma_start3A_312 : memref<1x50xi32, #tpu.memory_space<vmem>> -> memref<50xi32, #tpu.memory_space<vmem>>
        %dma_start3A_314 = arith.constant 0 : i32
        %dma_start3A_315 = arith.constant 0 : i32
        %dma_start3A_316 = tpu.memref_slice %arg2[%dma_start3A_314, %dma_start3A_315] : memref<10000x64xf32, #tpu.memory_space<hbm>> -> memref<10000x64xf32, #tpu.memory_space<hbm>>
        tpu.enqueue_indirect_dma source(%dma_start3A_316 : memref<10000x64xf32, #tpu.memory_space<hbm>>) target(%arg14 : memref<50x64xf32, #tpu.memory_space<vmem>>) offsets(%dma_start3A_313 : memref<50xi32, #tpu.memory_space<vmem>>) semaphore(%arg22 : memref<!tpu.dma_semaphore, #tpu.memory_space<semaphore_mem>>)
      } else {
      }
    }
    %scan3A_77 = arith.constant 25 : i32
    %dma_wait3A = arith.constant 199 : i32
    %dma_wait3A_78 = arith.constant 0 : i32
    %dma_wait3A_79 = tpu.memref_slice %arg7[%dma_wait3A, %dma_wait3A_78] : memref<200x50xi32, #tpu.memory_space<vmem>> -> memref<1x50xi32, #tpu.memory_space<vmem>>
    %dma_wait3A_80 = tpu.memref_squeeze %dma_wait3A_79 : memref<1x50xi32, #tpu.memory_space<vmem>> -> memref<50xi32, #tpu.memory_space<vmem>>
    %dma_wait3A_81 = arith.constant 0 : i32
    %dma_wait3A_82 = arith.constant 0 : i32
    %dma_wait3A_83 = tpu.memref_slice %arg32[%dma_wait3A_81, %dma_wait3A_82] : memref<10000x64xf32, #tpu.memory_space<vmem_shared>> -> memref<10000x64xf32, #tpu.memory_space<vmem_shared>>
    tpu.wait_indirect_dma semaphore(%arg31 : memref<!tpu.dma_semaphore, #tpu.memory_space<semaphore_mem>>) src(%arg15 : memref<50x64xf32, #tpu.memory_space<vmem>>) dst(%dma_wait3A_83 : memref<10000x64xf32, #tpu.memory_space<vmem_shared>>)
    %barrier3A_84 = arith.constant 0 : index
    tpu.barrier barrier_id(%barrier3A_84)
    %mul3A_85 = arith.constant 625 : i32
    %mul3A_86 = arith.muli %arg1, %mul3A_85 : i32
    "tpu.region"() ({
      %run_scoped3A = tpu.sem_alloc : memref<!tpu.dma_semaphore, #tpu.memory_space<semaphore_mem>>
      %dma_start3A_87 = arith.constant 0 : i32
      %dma_start3A_88 = tpu.memref_slice %arg5[%arg0, %mul3A_86, %dma_start3A_87] : memref<2x10000x64xf32, #tpu.memory_space<hbm>> -> memref<1x625x64xf32, #tpu.memory_space<hbm>>
      %dma_start3A_89 = tpu.memref_squeeze %dma_start3A_88 : memref<1x625x64xf32, #tpu.memory_space<hbm>> -> memref<625x64xf32, #tpu.memory_space<hbm>>
      %dma_start3A_90 = arith.constant 0 : i32
      %dma_start3A_91 = tpu.memref_slice %arg32[%mul3A_86, %dma_start3A_90] : memref<10000x64xf32, #tpu.memory_space<vmem_shared>> -> memref<625x64xf32, #tpu.memory_space<vmem_shared>>
      tpu.enqueue_dma source(%dma_start3A_91 : memref<625x64xf32, #tpu.memory_space<vmem_shared>>) target(%dma_start3A_89 : memref<625x64xf32, #tpu.memory_space<hbm>>) target_semaphore(%run_scoped3A : memref<!tpu.dma_semaphore, #tpu.memory_space<semaphore_mem>>)
      %dma_wait3A_92 = arith.constant 0 : i32
      %dma_wait3A_93 = tpu.memref_slice %arg5[%arg0, %mul3A_86, %dma_wait3A_92] : memref<2x10000x64xf32, #tpu.memory_space<hbm>> -> memref<1x625x64xf32, #tpu.memory_space<hbm>>
      %dma_wait3A_94 = tpu.memref_squeeze %dma_wait3A_93 : memref<1x625x64xf32, #tpu.memory_space<hbm>> -> memref<625x64xf32, #tpu.memory_space<hbm>>
      %dma_wait3A_95 = arith.constant 0 : i32
      %dma_wait3A_96 = tpu.memref_slice %arg32[%mul3A_86, %dma_wait3A_95] : memref<10000x64xf32, #tpu.memory_space<vmem_shared>> -> memref<625x64xf32, #tpu.memory_space<vmem_shared>>
      tpu.wait_dma2 semaphore(%run_scoped3A : memref<!tpu.dma_semaphore, #tpu.memory_space<semaphore_mem>>) src(%dma_wait3A_96 : memref<625x64xf32, #tpu.memory_space<vmem_shared>>) dst(%dma_wait3A_94 : memref<625x64xf32, #tpu.memory_space<hbm>>)
      tpu.yield
    }) : () -> ()
    return
  }
}

#map = affine_map<(d0, d1) -> (0, 0)>
#map1 = affine_map<(d0, d1) -> (0, 0, 0)>
module attributes {stable_mosaic.version = 14 : i64} {
  func.func @_sc_agg(%arg0: i32, %arg1: i32, %arg2: memref<10000x128xf32, #tpu.memory_space<hbm>>, %arg3: memref<32x200x50xi32, #tpu.memory_space<hbm>>, %arg4: memref<32x200x50xi32, #tpu.memory_space<hbm>>, %arg5: memref<2x10000x128xf32, #tpu.memory_space<hbm>>, %arg6: memref<200x50xi32, #tpu.memory_space<vmem>>, %arg7: memref<200x50xi32, #tpu.memory_space<vmem>>, %arg8: memref<50x128xf32, #tpu.memory_space<vmem>>, %arg9: memref<50x128xf32, #tpu.memory_space<vmem>>, %arg10: memref<50x128xf32, #tpu.memory_space<vmem>>, %arg11: memref<50x128xf32, #tpu.memory_space<vmem>>, %arg12: memref<!tpu.dma_semaphore, #tpu.memory_space<semaphore_mem>>, %arg13: memref<!tpu.dma_semaphore, #tpu.memory_space<semaphore_mem>>, %arg14: memref<!tpu.dma_semaphore, #tpu.memory_space<semaphore_mem>>, %arg15: memref<!tpu.dma_semaphore, #tpu.memory_space<semaphore_mem>>, %arg16: memref<!tpu.dma_semaphore, #tpu.memory_space<semaphore_mem>>, %arg17: memref<!tpu.dma_semaphore, #tpu.memory_space<semaphore_mem>>, %arg18: memref<!tpu.dma_semaphore, #tpu.memory_space<semaphore_mem>>, %arg19: memref<!tpu.dma_semaphore, #tpu.memory_space<semaphore_mem>>, %arg20: memref<10000x128xf32, #tpu.memory_space<vmem_shared>>) attributes {dimension_semantics = [#tpu.dimension_semantics<core_parallel>, #tpu.dimension_semantics<subcore_parallel>], iteration_bounds = array<i64: 2, 16>, scalar_prefetch = 0 : i64, scratch_operands = 15 : i64, tpu.core_type = #tpu.core_type<sc_vector_subcore>, window_params = [{transform_indices = #map}, {transform_indices = #map1}, {transform_indices = #map1}, {transform_indices = #map1}]} {
    %mul3A = arith.constant 16 : i32
    %mul3A_0 = arith.muli %arg0, %mul3A : i32
    %add3A = arith.addi %mul3A_0, %arg1 : i32
    "tpu.region"() ({
      %run_scoped3A = tpu.sem_alloc : memref<!tpu.dma_semaphore, #tpu.memory_space<semaphore_mem>>
      %dma_start3A_59 = arith.constant 0 : i32
      %dma_start3A_60 = arith.constant 0 : i32
      %dma_start3A_61 = tpu.memref_slice %arg3[%add3A, %dma_start3A_59, %dma_start3A_60] : memref<32x200x50xi32, #tpu.memory_space<hbm>> -> memref<1x200x50xi32, #tpu.memory_space<hbm>>
      %dma_start3A_62 = tpu.memref_squeeze %dma_start3A_61 : memref<1x200x50xi32, #tpu.memory_space<hbm>> -> memref<200x50xi32, #tpu.memory_space<hbm>>
      %dma_start3A_63 = arith.constant 0 : i32
      %dma_start3A_64 = arith.constant 0 : i32
      %dma_start3A_65 = tpu.memref_slice %arg3[%add3A, %dma_start3A_63, %dma_start3A_64] : memref<32x200x50xi32, #tpu.memory_space<hbm>> -> memref<1x200x50xi32, #tpu.memory_space<hbm>>
      %dma_start3A_66 = tpu.memref_squeeze %dma_start3A_65 : memref<1x200x50xi32, #tpu.memory_space<hbm>> -> memref<200x50xi32, #tpu.memory_space<hbm>>
      tpu.enqueue_dma source(%dma_start3A_66 : memref<200x50xi32, #tpu.memory_space<hbm>>) target(%arg6 : memref<200x50xi32, #tpu.memory_space<vmem>>) target_semaphore(%run_scoped3A : memref<!tpu.dma_semaphore, #tpu.memory_space<semaphore_mem>>)
      %dma_wait3A_67 = arith.constant 0 : i32
      %dma_wait3A_68 = arith.constant 0 : i32
      %dma_wait3A_69 = tpu.memref_slice %arg3[%add3A, %dma_wait3A_67, %dma_wait3A_68] : memref<32x200x50xi32, #tpu.memory_space<hbm>> -> memref<1x200x50xi32, #tpu.memory_space<hbm>>
      %dma_wait3A_70 = tpu.memref_squeeze %dma_wait3A_69 : memref<1x200x50xi32, #tpu.memory_space<hbm>> -> memref<200x50xi32, #tpu.memory_space<hbm>>
      %dma_wait3A_71 = arith.constant 0 : i32
      %dma_wait3A_72 = arith.constant 0 : i32
      %dma_wait3A_73 = tpu.memref_slice %arg3[%add3A, %dma_wait3A_71, %dma_wait3A_72] : memref<32x200x50xi32, #tpu.memory_space<hbm>> -> memref<1x200x50xi32, #tpu.memory_space<hbm>>
      %dma_wait3A_74 = tpu.memref_squeeze %dma_wait3A_73 : memref<1x200x50xi32, #tpu.memory_space<hbm>> -> memref<200x50xi32, #tpu.memory_space<hbm>>
      tpu.wait_dma2 semaphore(%run_scoped3A : memref<!tpu.dma_semaphore, #tpu.memory_space<semaphore_mem>>) src(%dma_wait3A_74 : memref<200x50xi32, #tpu.memory_space<hbm>>) dst(%arg6 : memref<200x50xi32, #tpu.memory_space<vmem>>)
      tpu.yield
    }) : () -> ()
    "tpu.region"() ({
      %run_scoped3A = tpu.sem_alloc : memref<!tpu.dma_semaphore, #tpu.memory_space<semaphore_mem>>
      %dma_start3A_59 = arith.constant 0 : i32
      %dma_start3A_60 = arith.constant 0 : i32
      %dma_start3A_61 = tpu.memref_slice %arg4[%add3A, %dma_start3A_59, %dma_start3A_60] : memref<32x200x50xi32, #tpu.memory_space<hbm>> -> memref<1x200x50xi32, #tpu.memory_space<hbm>>
      %dma_start3A_62 = tpu.memref_squeeze %dma_start3A_61 : memref<1x200x50xi32, #tpu.memory_space<hbm>> -> memref<200x50xi32, #tpu.memory_space<hbm>>
      %dma_start3A_63 = arith.constant 0 : i32
      %dma_start3A_64 = arith.constant 0 : i32
      %dma_start3A_65 = tpu.memref_slice %arg4[%add3A, %dma_start3A_63, %dma_start3A_64] : memref<32x200x50xi32, #tpu.memory_space<hbm>> -> memref<1x200x50xi32, #tpu.memory_space<hbm>>
      %dma_start3A_66 = tpu.memref_squeeze %dma_start3A_65 : memref<1x200x50xi32, #tpu.memory_space<hbm>> -> memref<200x50xi32, #tpu.memory_space<hbm>>
      tpu.enqueue_dma source(%dma_start3A_66 : memref<200x50xi32, #tpu.memory_space<hbm>>) target(%arg7 : memref<200x50xi32, #tpu.memory_space<vmem>>) target_semaphore(%run_scoped3A : memref<!tpu.dma_semaphore, #tpu.memory_space<semaphore_mem>>)
      %dma_wait3A_67 = arith.constant 0 : i32
      %dma_wait3A_68 = arith.constant 0 : i32
      %dma_wait3A_69 = tpu.memref_slice %arg4[%add3A, %dma_wait3A_67, %dma_wait3A_68] : memref<32x200x50xi32, #tpu.memory_space<hbm>> -> memref<1x200x50xi32, #tpu.memory_space<hbm>>
      %dma_wait3A_70 = tpu.memref_squeeze %dma_wait3A_69 : memref<1x200x50xi32, #tpu.memory_space<hbm>> -> memref<200x50xi32, #tpu.memory_space<hbm>>
      %dma_wait3A_71 = arith.constant 0 : i32
      %dma_wait3A_72 = arith.constant 0 : i32
      %dma_wait3A_73 = tpu.memref_slice %arg4[%add3A, %dma_wait3A_71, %dma_wait3A_72] : memref<32x200x50xi32, #tpu.memory_space<hbm>> -> memref<1x200x50xi32, #tpu.memory_space<hbm>>
      %dma_wait3A_74 = tpu.memref_squeeze %dma_wait3A_73 : memref<1x200x50xi32, #tpu.memory_space<hbm>> -> memref<200x50xi32, #tpu.memory_space<hbm>>
      tpu.wait_dma2 semaphore(%run_scoped3A : memref<!tpu.dma_semaphore, #tpu.memory_space<semaphore_mem>>) src(%dma_wait3A_74 : memref<200x50xi32, #tpu.memory_space<hbm>>) dst(%arg7 : memref<200x50xi32, #tpu.memory_space<vmem>>)
      tpu.yield
    }) : () -> ()
    %broadcast_in_dim3A = arith.constant 0.000000e+00 : f32
    %broadcast_in_dim3A_1 = vector.broadcast %broadcast_in_dim3A : f32 to vector<16xf32>
    %scan3A = arith.constant 0 : i32
    %scan3A_2 = arith.constant 0 : i32
    %scan3A_3 = arith.constant 400 : i32
    %scan3A_4 = arith.addi %scan3A_2, %scan3A_3 : i32
    %scan3A_5 = arith.constant 1 : i32
    scf.for %scan3A_59 = %scan3A_2 to %scan3A_4 step %scan3A_5  : i32 {
      %jit3A = arith.constant 8 : i32
      %div3A = arith.divsi %scan3A_59, %jit3A : i32
      %sign3A = arith.constant 0 : i32
      %sign3A_60 = arith.cmpi sgt, %scan3A_59, %sign3A : i32
      %sign3A_61 = arith.extui %sign3A_60 : i1 to i32
      %sign3A_62 = arith.constant 0 : i32
      %sign3A_63 = arith.cmpi slt, %scan3A_59, %sign3A_62 : i32
      %sign3A_64 = arith.extui %sign3A_63 : i1 to i32
      %sign3A_65 = arith.subi %sign3A_61, %sign3A_64 : i32
      %sign3A_66 = arith.constant 0 : i32
      %sign3A_67 = arith.cmpi sgt, %jit3A, %sign3A_66 : i32
      %sign3A_68 = arith.extui %sign3A_67 : i1 to i32
      %sign3A_69 = arith.constant 0 : i32
      %sign3A_70 = arith.cmpi slt, %jit3A, %sign3A_69 : i32
      %sign3A_71 = arith.extui %sign3A_70 : i1 to i32
      %sign3A_72 = arith.subi %sign3A_68, %sign3A_71 : i32
      %ne3A = arith.cmpi ne, %sign3A_65, %sign3A_72 : i32
      %rem3A = arith.remsi %scan3A_59, %jit3A : i32
      %ne3A_73 = arith.constant 0 : i32
      %ne3A_74 = arith.cmpi ne, %rem3A, %ne3A_73 : i32
      %and3A = arith.andi %ne3A, %ne3A_74 : i1
      %sub3A = arith.constant 1 : i32
      %sub3A_75 = arith.subi %div3A, %sub3A : i32
      %select_n3A = arith.select %and3A, %sub3A_75, %div3A : i32
      %jit3A_76 = arith.constant 8 : i32
      %eq3A = arith.constant 0 : i32
      %eq3A_77 = arith.cmpi eq, %jit3A_76, %eq3A : i32
      %jit3A_78 = arith.constant 1 : i32
      %select_n3A_79 = arith.select %eq3A_77, %jit3A_78, %jit3A_76 : i32
      %rem3A_80 = arith.remsi %scan3A_59, %select_n3A_79 : i32
      %ne3A_81 = arith.constant 0 : i32
      %ne3A_82 = arith.cmpi ne, %rem3A_80, %ne3A_81 : i32
      %lt3A = arith.constant 0 : i32
      %lt3A_83 = arith.cmpi slt, %rem3A_80, %lt3A : i32
      %lt3A_84 = arith.constant 0 : i32
      %lt3A_85 = arith.cmpi slt, %select_n3A_79, %lt3A_84 : i32
      %ne3A_86 = arith.xori %lt3A_83, %lt3A_85 : i1
      %and3A_87 = arith.andi %ne3A_86, %ne3A_82 : i1
      %add3A_88 = arith.addi %rem3A_80, %select_n3A_79 : i32
      %select_n3A_89 = arith.select %and3A_87, %add3A_88, %rem3A_80 : i32
      %mul3A_90 = arith.constant 16 : i32
      %mul3A_91 = arith.muli %select_n3A_89, %mul3A_90 : i32
      %swap3A = arith.index_cast %select_n3A : i32 to index
      %swap3A_92 = arith.index_cast %mul3A_91 : i32 to index
      %swap3A_93 = tpu.vector_load %arg8[%swap3A, %swap3A_92] {strides = array<i32>} : memref<50x128xf32, #tpu.memory_space<vmem>>, vector<1x16xf32>,
      %swap3A_94 = vector.shape_cast %swap3A_93 : vector<1x16xf32> to vector<16xf32>
      %swap3A_95 = vector.shape_cast %broadcast_in_dim3A_1 : vector<16xf32> to vector<1x16xf32>
      tpu.vector_store %arg8[%swap3A, %swap3A_92], %swap3A_95 {strides = array<i32>} : memref<50x128xf32, #tpu.memory_space<vmem>>, vector<1x16xf32>,
    }
    %scan3A_6 = arith.constant 400 : i32
    %scan3A_7 = arith.constant 0 : i32
    %scan3A_8 = arith.constant 0 : i32
    %scan3A_9 = arith.constant 12 : i32
    %scan3A_10 = arith.addi %scan3A_8, %scan3A_9 : i32
    %scan3A_11 = arith.constant 1 : i32
    scf.for %scan3A_59 = %scan3A_8 to %scan3A_10 step %scan3A_11  : i32 {
      %mul3A_60 = arith.constant 625 : i32
      %mul3A_61 = arith.muli %arg1, %mul3A_60 : i32
      %mul3A_62 = arith.constant 50 : i32
      %mul3A_63 = arith.muli %scan3A_59, %mul3A_62 : i32
      %add3A_64 = arith.addi %mul3A_61, %mul3A_63 : i32
      "tpu.region"() ({
        %run_scoped3A = tpu.sem_alloc : memref<!tpu.dma_semaphore, #tpu.memory_space<semaphore_mem>>
        %dma_start3A_65 = arith.constant 0 : i32
        %dma_start3A_66 = tpu.memref_slice %arg20[%add3A_64, %dma_start3A_65] : memref<10000x128xf32, #tpu.memory_space<vmem_shared>> -> memref<50x128xf32, #tpu.memory_space<vmem_shared>>
        %dma_start3A_67 = arith.constant 0 : i32
        %dma_start3A_68 = tpu.memref_slice %arg20[%add3A_64, %dma_start3A_67] : memref<10000x128xf32, #tpu.memory_space<vmem_shared>> -> memref<50x128xf32, #tpu.memory_space<vmem_shared>>
        tpu.enqueue_dma source(%arg8 : memref<50x128xf32, #tpu.memory_space<vmem>>) target(%dma_start3A_68 : memref<50x128xf32, #tpu.memory_space<vmem_shared>>) target_semaphore(%run_scoped3A : memref<!tpu.dma_semaphore, #tpu.memory_space<semaphore_mem>>)
        %dma_wait3A_69 = arith.constant 0 : i32
        %dma_wait3A_70 = tpu.memref_slice %arg20[%add3A_64, %dma_wait3A_69] : memref<10000x128xf32, #tpu.memory_space<vmem_shared>> -> memref<50x128xf32, #tpu.memory_space<vmem_shared>>
        %dma_wait3A_71 = arith.constant 0 : i32
        %dma_wait3A_72 = tpu.memref_slice %arg20[%add3A_64, %dma_wait3A_71] : memref<10000x128xf32, #tpu.memory_space<vmem_shared>> -> memref<50x128xf32, #tpu.memory_space<vmem_shared>>
        tpu.wait_dma2 semaphore(%run_scoped3A : memref<!tpu.dma_semaphore, #tpu.memory_space<semaphore_mem>>) src(%arg8 : memref<50x128xf32, #tpu.memory_space<vmem>>) dst(%dma_wait3A_72 : memref<50x128xf32, #tpu.memory_space<vmem_shared>>)
        tpu.yield
      }) : () -> ()
    }
    %scan3A_12 = arith.constant 12 : i32
    %mul3A_13 = arith.constant 625 : i32
    %mul3A_14 = arith.muli %arg1, %mul3A_13 : i32
    %add3A_15 = arith.constant 600 : i32
    %add3A_16 = arith.addi %mul3A_14, %add3A_15 : i32
    "tpu.region"() ({
      %run_scoped3A = tpu.sem_alloc : memref<!tpu.dma_semaphore, #tpu.memory_space<semaphore_mem>>
      %dma_start3A_59 = arith.constant 0 : i32
      %dma_start3A_60 = arith.constant 0 : i32
      %dma_start3A_61 = tpu.memref_slice %arg8[%dma_start3A_59, %dma_start3A_60] : memref<50x128xf32, #tpu.memory_space<vmem>> -> memref<25x128xf32, #tpu.memory_space<vmem>>
      %dma_start3A_62 = arith.constant 0 : i32
      %dma_start3A_63 = tpu.memref_slice %arg20[%add3A_16, %dma_start3A_62] : memref<10000x128xf32, #tpu.memory_space<vmem_shared>> -> memref<25x128xf32, #tpu.memory_space<vmem_shared>>
      %dma_start3A_64 = arith.constant 0 : i32
      %dma_start3A_65 = tpu.memref_slice %arg20[%add3A_16, %dma_start3A_64] : memref<10000x128xf32, #tpu.memory_space<vmem_shared>> -> memref<25x128xf32, #tpu.memory_space<vmem_shared>>
      %dma_start3A_66 = arith.constant 0 : i32
      %dma_start3A_67 = arith.constant 0 : i32
      %dma_start3A_68 = tpu.memref_slice %arg8[%dma_start3A_66, %dma_start3A_67] : memref<50x128xf32, #tpu.memory_space<vmem>> -> memref<25x128xf32, #tpu.memory_space<vmem>>
      tpu.enqueue_dma source(%dma_start3A_68 : memref<25x128xf32, #tpu.memory_space<vmem>>) target(%dma_start3A_65 : memref<25x128xf32, #tpu.memory_space<vmem_shared>>) target_semaphore(%run_scoped3A : memref<!tpu.dma_semaphore, #tpu.memory_space<semaphore_mem>>)
      %dma_wait3A_69 = arith.constant 0 : i32
      %dma_wait3A_70 = arith.constant 0 : i32
      %dma_wait3A_71 = tpu.memref_slice %arg8[%dma_wait3A_69, %dma_wait3A_70] : memref<50x128xf32, #tpu.memory_space<vmem>> -> memref<25x128xf32, #tpu.memory_space<vmem>>
      %dma_wait3A_72 = arith.constant 0 : i32
      %dma_wait3A_73 = tpu.memref_slice %arg20[%add3A_16, %dma_wait3A_72] : memref<10000x128xf32, #tpu.memory_space<vmem_shared>> -> memref<25x128xf32, #tpu.memory_space<vmem_shared>>
      %dma_wait3A_74 = arith.constant 0 : i32
      %dma_wait3A_75 = tpu.memref_slice %arg20[%add3A_16, %dma_wait3A_74] : memref<10000x128xf32, #tpu.memory_space<vmem_shared>> -> memref<25x128xf32, #tpu.memory_space<vmem_shared>>
      %dma_wait3A_76 = arith.constant 0 : i32
      %dma_wait3A_77 = arith.constant 0 : i32
      %dma_wait3A_78 = tpu.memref_slice %arg8[%dma_wait3A_76, %dma_wait3A_77] : memref<50x128xf32, #tpu.memory_space<vmem>> -> memref<25x128xf32, #tpu.memory_space<vmem>>
      tpu.wait_dma2 semaphore(%run_scoped3A : memref<!tpu.dma_semaphore, #tpu.memory_space<semaphore_mem>>) src(%dma_wait3A_78 : memref<25x128xf32, #tpu.memory_space<vmem>>) dst(%dma_wait3A_75 : memref<25x128xf32, #tpu.memory_space<vmem_shared>>)
      tpu.yield
    }) : () -> ()
    %barrier3A = arith.constant 0 : index
    tpu.barrier barrier_id(%barrier3A)
    %dma_start3A = arith.constant 0 : i32
    %dma_start3A_17 = arith.constant 0 : i32
    %dma_start3A_18 = tpu.memref_slice %arg6[%dma_start3A, %dma_start3A_17] : memref<200x50xi32, #tpu.memory_space<vmem>> -> memref<1x50xi32, #tpu.memory_space<vmem>>
    %dma_start3A_19 = tpu.memref_squeeze %dma_start3A_18 : memref<1x50xi32, #tpu.memory_space<vmem>> -> memref<50xi32, #tpu.memory_space<vmem>>
    %dma_start3A_20 = arith.constant 0 : i32
    %dma_start3A_21 = arith.constant 0 : i32
    %dma_start3A_22 = tpu.memref_slice %arg2[%dma_start3A_20, %dma_start3A_21] : memref<10000x128xf32, #tpu.memory_space<hbm>> -> memref<10000x128xf32, #tpu.memory_space<hbm>>
    tpu.enqueue_indirect_dma source(%dma_start3A_22 : memref<10000x128xf32, #tpu.memory_space<hbm>>) target(%arg8 : memref<50x128xf32, #tpu.memory_space<vmem>>) offsets(%dma_start3A_19 : memref<50xi32, #tpu.memory_space<vmem>>) semaphore(%arg12 : memref<!tpu.dma_semaphore, #tpu.memory_space<semaphore_mem>>)
    %dma_start3A_23 = arith.constant 1 : i32
    %dma_start3A_24 = arith.constant 0 : i32
    %dma_start3A_25 = tpu.memref_slice %arg6[%dma_start3A_23, %dma_start3A_24] : memref<200x50xi32, #tpu.memory_space<vmem>> -> memref<1x50xi32, #tpu.memory_space<vmem>>
    %dma_start3A_26 = tpu.memref_squeeze %dma_start3A_25 : memref<1x50xi32, #tpu.memory_space<vmem>> -> memref<50xi32, #tpu.memory_space<vmem>>
    %dma_start3A_27 = arith.constant 0 : i32
    %dma_start3A_28 = arith.constant 0 : i32
    %dma_start3A_29 = tpu.memref_slice %arg2[%dma_start3A_27, %dma_start3A_28] : memref<10000x128xf32, #tpu.memory_space<hbm>> -> memref<10000x128xf32, #tpu.memory_space<hbm>>
    tpu.enqueue_indirect_dma source(%dma_start3A_29 : memref<10000x128xf32, #tpu.memory_space<hbm>>) target(%arg9 : memref<50x128xf32, #tpu.memory_space<vmem>>) offsets(%dma_start3A_26 : memref<50xi32, #tpu.memory_space<vmem>>) semaphore(%arg13 : memref<!tpu.dma_semaphore, #tpu.memory_space<semaphore_mem>>)
    %dma_start3A_30 = arith.constant 2 : i32
    %dma_start3A_31 = arith.constant 0 : i32
    %dma_start3A_32 = tpu.memref_slice %arg6[%dma_start3A_30, %dma_start3A_31] : memref<200x50xi32, #tpu.memory_space<vmem>> -> memref<1x50xi32, #tpu.memory_space<vmem>>
    %dma_start3A_33 = tpu.memref_squeeze %dma_start3A_32 : memref<1x50xi32, #tpu.memory_space<vmem>> -> memref<50xi32, #tpu.memory_space<vmem>>
    %dma_start3A_34 = arith.constant 0 : i32
    %dma_start3A_35 = arith.constant 0 : i32
    %dma_start3A_36 = tpu.memref_slice %arg2[%dma_start3A_34, %dma_start3A_35] : memref<10000x128xf32, #tpu.memory_space<hbm>> -> memref<10000x128xf32, #tpu.memory_space<hbm>>
    tpu.enqueue_indirect_dma source(%dma_start3A_36 : memref<10000x128xf32, #tpu.memory_space<hbm>>) target(%arg10 : memref<50x128xf32, #tpu.memory_space<vmem>>) offsets(%dma_start3A_33 : memref<50xi32, #tpu.memory_space<vmem>>) semaphore(%arg14 : memref<!tpu.dma_semaphore, #tpu.memory_space<semaphore_mem>>)
    %dma_start3A_37 = arith.constant 3 : i32
    %dma_start3A_38 = arith.constant 0 : i32
    %dma_start3A_39 = tpu.memref_slice %arg6[%dma_start3A_37, %dma_start3A_38] : memref<200x50xi32, #tpu.memory_space<vmem>> -> memref<1x50xi32, #tpu.memory_space<vmem>>
    %dma_start3A_40 = tpu.memref_squeeze %dma_start3A_39 : memref<1x50xi32, #tpu.memory_space<vmem>> -> memref<50xi32, #tpu.memory_space<vmem>>
    %dma_start3A_41 = arith.constant 0 : i32
    %dma_start3A_42 = arith.constant 0 : i32
    %dma_start3A_43 = tpu.memref_slice %arg2[%dma_start3A_41, %dma_start3A_42] : memref<10000x128xf32, #tpu.memory_space<hbm>> -> memref<10000x128xf32, #tpu.memory_space<hbm>>
    tpu.enqueue_indirect_dma source(%dma_start3A_43 : memref<10000x128xf32, #tpu.memory_space<hbm>>) target(%arg11 : memref<50x128xf32, #tpu.memory_space<vmem>>) offsets(%dma_start3A_40 : memref<50xi32, #tpu.memory_space<vmem>>) semaphore(%arg15 : memref<!tpu.dma_semaphore, #tpu.memory_space<semaphore_mem>>)
    %scan3A_44 = arith.constant 0 : i32
    %scan3A_45 = arith.constant 0 : i32
    %scan3A_46 = arith.constant 50 : i32
    %scan3A_47 = arith.addi %scan3A_45, %scan3A_46 : i32
    %scan3A_48 = arith.constant 1 : i32
    scf.for %scan3A_59 = %scan3A_45 to %scan3A_47 step %scan3A_48  : i32 {
      %mul3A_60 = arith.constant 4 : i32
      %mul3A_61 = arith.muli %scan3A_59, %mul3A_60 : i32
      %add3A_62 = arith.constant 0 : i32
      %add3A_63 = arith.addi %mul3A_61, %add3A_62 : i32
      %dma_wait3A_64 = arith.constant 0 : i32
      %dma_wait3A_65 = tpu.memref_slice %arg6[%add3A_63, %dma_wait3A_64] : memref<200x50xi32, #tpu.memory_space<vmem>> -> memref<1x50xi32, #tpu.memory_space<vmem>>
      %dma_wait3A_66 = tpu.memref_squeeze %dma_wait3A_65 : memref<1x50xi32, #tpu.memory_space<vmem>> -> memref<50xi32, #tpu.memory_space<vmem>>
      %dma_wait3A_67 = arith.constant 0 : i32
      %dma_wait3A_68 = arith.constant 0 : i32
      %dma_wait3A_69 = tpu.memref_slice %arg2[%dma_wait3A_67, %dma_wait3A_68] : memref<10000x128xf32, #tpu.memory_space<hbm>> -> memref<10000x128xf32, #tpu.memory_space<hbm>>
      tpu.wait_indirect_dma semaphore(%arg12 : memref<!tpu.dma_semaphore, #tpu.memory_space<semaphore_mem>>) src(%dma_wait3A_69 : memref<10000x128xf32, #tpu.memory_space<hbm>>) dst(%arg8 : memref<50x128xf32, #tpu.memory_space<vmem>>)
      %dma_start3A_70 = arith.constant 0 : i32
      %dma_start3A_71 = tpu.memref_slice %arg7[%add3A_63, %dma_start3A_70] : memref<200x50xi32, #tpu.memory_space<vmem>> -> memref<1x50xi32, #tpu.memory_space<vmem>>
      %dma_start3A_72 = tpu.memref_squeeze %dma_start3A_71 : memref<1x50xi32, #tpu.memory_space<vmem>> -> memref<50xi32, #tpu.memory_space<vmem>>
      %dma_start3A_73 = arith.constant 0 : i32
      %dma_start3A_74 = arith.constant 0 : i32
      %dma_start3A_75 = tpu.memref_slice %arg20[%dma_start3A_73, %dma_start3A_74] : memref<10000x128xf32, #tpu.memory_space<vmem_shared>> -> memref<10000x128xf32, #tpu.memory_space<vmem_shared>>
      tpu.enqueue_indirect_dma source(%arg8 : memref<50x128xf32, #tpu.memory_space<vmem>>) target(%dma_start3A_75 : memref<10000x128xf32, #tpu.memory_space<vmem_shared>>) offsets(%dma_start3A_72 : memref<50xi32, #tpu.memory_space<vmem>>) semaphore(%arg16 : memref<!tpu.dma_semaphore, #tpu.memory_space<semaphore_mem>>) {add = true}
      %sub3A = arith.constant 1 : i32
      %sub3A_76 = arith.subi %add3A_63, %sub3A : i32
      %gt3A = arith.constant 0 : i32
      %gt3A_77 = arith.cmpi sgt, %scan3A_59, %gt3A : i32
      %convert_element_type3A = arith.extui %gt3A_77 : i1 to i32
      %cond3A = arith.constant 0 : i32
      %cond3A_78 = arith.cmpi ne, %convert_element_type3A, %cond3A : i32
      scf.if %cond3A_78 {
        %dma_wait3A_165 = arith.constant 0 : i32
        %dma_wait3A_166 = tpu.memref_slice %arg7[%sub3A_76, %dma_wait3A_165] : memref<200x50xi32, #tpu.memory_space<vmem>> -> memref<1x50xi32, #tpu.memory_space<vmem>>
        %dma_wait3A_167 = tpu.memref_squeeze %dma_wait3A_166 : memref<1x50xi32, #tpu.memory_space<vmem>> -> memref<50xi32, #tpu.memory_space<vmem>>
        %dma_wait3A_168 = arith.constant 0 : i32
        %dma_wait3A_169 = arith.constant 0 : i32
        %dma_wait3A_170 = tpu.memref_slice %arg20[%dma_wait3A_168, %dma_wait3A_169] : memref<10000x128xf32, #tpu.memory_space<vmem_shared>> -> memref<10000x128xf32, #tpu.memory_space<vmem_shared>>
        tpu.wait_indirect_dma semaphore(%arg19 : memref<!tpu.dma_semaphore, #tpu.memory_space<semaphore_mem>>) src(%arg11 : memref<50x128xf32, #tpu.memory_space<vmem>>) dst(%dma_wait3A_170 : memref<10000x128xf32, #tpu.memory_space<vmem_shared>>)
        %add3A_171 = arith.constant 4 : i32
        %add3A_172 = arith.addi %sub3A_76, %add3A_171 : i32
        %lt3A_173 = arith.constant 200 : i32
        %lt3A_174 = arith.cmpi slt, %add3A_172, %lt3A_173 : i32
        %convert_element_type3A_175 = arith.extui %lt3A_174 : i1 to i32
        %cond3A_176 = arith.constant 0 : i32
        %cond3A_177 = arith.cmpi ne, %convert_element_type3A_175, %cond3A_176 : i32
        scf.if %cond3A_177 {
          %add3A_178 = arith.constant 4 : i32
          %add3A_179 = arith.addi %sub3A_76, %add3A_178 : i32
          %dma_start3A_180 = arith.constant 0 : i32
          %dma_start3A_181 = tpu.memref_slice %arg6[%add3A_179, %dma_start3A_180] : memref<200x50xi32, #tpu.memory_space<vmem>> -> memref<1x50xi32, #tpu.memory_space<vmem>>
          %dma_start3A_182 = tpu.memref_squeeze %dma_start3A_181 : memref<1x50xi32, #tpu.memory_space<vmem>> -> memref<50xi32, #tpu.memory_space<vmem>>
          %dma_start3A_183 = arith.constant 0 : i32
          %dma_start3A_184 = arith.constant 0 : i32
          %dma_start3A_185 = tpu.memref_slice %arg2[%dma_start3A_183, %dma_start3A_184] : memref<10000x128xf32, #tpu.memory_space<hbm>> -> memref<10000x128xf32, #tpu.memory_space<hbm>>
          tpu.enqueue_indirect_dma source(%dma_start3A_185 : memref<10000x128xf32, #tpu.memory_space<hbm>>) target(%arg11 : memref<50x128xf32, #tpu.memory_space<vmem>>) offsets(%dma_start3A_182 : memref<50xi32, #tpu.memory_space<vmem>>) semaphore(%arg15 : memref<!tpu.dma_semaphore, #tpu.memory_space<semaphore_mem>>)
        } else {
        }
      } else {
      }
      %add3A_79 = arith.constant 1 : i32
      %add3A_80 = arith.addi %mul3A_61, %add3A_79 : i32
      %dma_wait3A_81 = arith.constant 0 : i32
      %dma_wait3A_82 = tpu.memref_slice %arg6[%add3A_80, %dma_wait3A_81] : memref<200x50xi32, #tpu.memory_space<vmem>> -> memref<1x50xi32, #tpu.memory_space<vmem>>
      %dma_wait3A_83 = tpu.memref_squeeze %dma_wait3A_82 : memref<1x50xi32, #tpu.memory_space<vmem>> -> memref<50xi32, #tpu.memory_space<vmem>>
      %dma_wait3A_84 = arith.constant 0 : i32
      %dma_wait3A_85 = arith.constant 0 : i32
      %dma_wait3A_86 = tpu.memref_slice %arg2[%dma_wait3A_84, %dma_wait3A_85] : memref<10000x128xf32, #tpu.memory_space<hbm>> -> memref<10000x128xf32, #tpu.memory_space<hbm>>
      tpu.wait_indirect_dma semaphore(%arg13 : memref<!tpu.dma_semaphore, #tpu.memory_space<semaphore_mem>>) src(%dma_wait3A_86 : memref<10000x128xf32, #tpu.memory_space<hbm>>) dst(%arg9 : memref<50x128xf32, #tpu.memory_space<vmem>>)
      %dma_start3A_87 = arith.constant 0 : i32
      %dma_start3A_88 = tpu.memref_slice %arg7[%add3A_80, %dma_start3A_87] : memref<200x50xi32, #tpu.memory_space<vmem>> -> memref<1x50xi32, #tpu.memory_space<vmem>>
      %dma_start3A_89 = tpu.memref_squeeze %dma_start3A_88 : memref<1x50xi32, #tpu.memory_space<vmem>> -> memref<50xi32, #tpu.memory_space<vmem>>
      %dma_start3A_90 = arith.constant 0 : i32
      %dma_start3A_91 = arith.constant 0 : i32
      %dma_start3A_92 = tpu.memref_slice %arg20[%dma_start3A_90, %dma_start3A_91] : memref<10000x128xf32, #tpu.memory_space<vmem_shared>> -> memref<10000x128xf32, #tpu.memory_space<vmem_shared>>
      tpu.enqueue_indirect_dma source(%arg9 : memref<50x128xf32, #tpu.memory_space<vmem>>) target(%dma_start3A_92 : memref<10000x128xf32, #tpu.memory_space<vmem_shared>>) offsets(%dma_start3A_89 : memref<50xi32, #tpu.memory_space<vmem>>) semaphore(%arg17 : memref<!tpu.dma_semaphore, #tpu.memory_space<semaphore_mem>>) {add = true}
      %sub3A_93 = arith.constant 1 : i32
      %sub3A_94 = arith.subi %add3A_80, %sub3A_93 : i32
      %dma_wait3A_95 = arith.constant 0 : i32
      %dma_wait3A_96 = tpu.memref_slice %arg7[%sub3A_94, %dma_wait3A_95] : memref<200x50xi32, #tpu.memory_space<vmem>> -> memref<1x50xi32, #tpu.memory_space<vmem>>
      %dma_wait3A_97 = tpu.memref_squeeze %dma_wait3A_96 : memref<1x50xi32, #tpu.memory_space<vmem>> -> memref<50xi32, #tpu.memory_space<vmem>>
      %dma_wait3A_98 = arith.constant 0 : i32
      %dma_wait3A_99 = arith.constant 0 : i32
      %dma_wait3A_100 = tpu.memref_slice %arg20[%dma_wait3A_98, %dma_wait3A_99] : memref<10000x128xf32, #tpu.memory_space<vmem_shared>> -> memref<10000x128xf32, #tpu.memory_space<vmem_shared>>
      tpu.wait_indirect_dma semaphore(%arg16 : memref<!tpu.dma_semaphore, #tpu.memory_space<semaphore_mem>>) src(%arg8 : memref<50x128xf32, #tpu.memory_space<vmem>>) dst(%dma_wait3A_100 : memref<10000x128xf32, #tpu.memory_space<vmem_shared>>)
      %add3A_101 = arith.constant 4 : i32
      %add3A_102 = arith.addi %sub3A_94, %add3A_101 : i32
      %lt3A = arith.constant 200 : i32
      %lt3A_103 = arith.cmpi slt, %add3A_102, %lt3A : i32
      %convert_element_type3A_104 = arith.extui %lt3A_103 : i1 to i32
      %cond3A_105 = arith.constant 0 : i32
      %cond3A_106 = arith.cmpi ne, %convert_element_type3A_104, %cond3A_105 : i32
      scf.if %cond3A_106 {
        %add3A_165 = arith.constant 4 : i32
        %add3A_166 = arith.addi %sub3A_94, %add3A_165 : i32
        %dma_start3A_167 = arith.constant 0 : i32
        %dma_start3A_168 = tpu.memref_slice %arg6[%add3A_166, %dma_start3A_167] : memref<200x50xi32, #tpu.memory_space<vmem>> -> memref<1x50xi32, #tpu.memory_space<vmem>>
        %dma_start3A_169 = tpu.memref_squeeze %dma_start3A_168 : memref<1x50xi32, #tpu.memory_space<vmem>> -> memref<50xi32, #tpu.memory_space<vmem>>
        %dma_start3A_170 = arith.constant 0 : i32
        %dma_start3A_171 = arith.constant 0 : i32
        %dma_start3A_172 = tpu.memref_slice %arg2[%dma_start3A_170, %dma_start3A_171] : memref<10000x128xf32, #tpu.memory_space<hbm>> -> memref<10000x128xf32, #tpu.memory_space<hbm>>
        tpu.enqueue_indirect_dma source(%dma_start3A_172 : memref<10000x128xf32, #tpu.memory_space<hbm>>) target(%arg8 : memref<50x128xf32, #tpu.memory_space<vmem>>) offsets(%dma_start3A_169 : memref<50xi32, #tpu.memory_space<vmem>>) semaphore(%arg12 : memref<!tpu.dma_semaphore, #tpu.memory_space<semaphore_mem>>)
      } else {
      }
      %add3A_107 = arith.constant 2 : i32
      %add3A_108 = arith.addi %mul3A_61, %add3A_107 : i32
      %dma_wait3A_109 = arith.constant 0 : i32
      %dma_wait3A_110 = tpu.memref_slice %arg6[%add3A_108, %dma_wait3A_109] : memref<200x50xi32, #tpu.memory_space<vmem>> -> memref<1x50xi32, #tpu.memory_space<vmem>>
      %dma_wait3A_111 = tpu.memref_squeeze %dma_wait3A_110 : memref<1x50xi32, #tpu.memory_space<vmem>> -> memref<50xi32, #tpu.memory_space<vmem>>
      %dma_wait3A_112 = arith.constant 0 : i32
      %dma_wait3A_113 = arith.constant 0 : i32
      %dma_wait3A_114 = tpu.memref_slice %arg2[%dma_wait3A_112, %dma_wait3A_113] : memref<10000x128xf32, #tpu.memory_space<hbm>> -> memref<10000x128xf32, #tpu.memory_space<hbm>>
      tpu.wait_indirect_dma semaphore(%arg14 : memref<!tpu.dma_semaphore, #tpu.memory_space<semaphore_mem>>) src(%dma_wait3A_114 : memref<10000x128xf32, #tpu.memory_space<hbm>>) dst(%arg10 : memref<50x128xf32, #tpu.memory_space<vmem>>)
      %dma_start3A_115 = arith.constant 0 : i32
      %dma_start3A_116 = tpu.memref_slice %arg7[%add3A_108, %dma_start3A_115] : memref<200x50xi32, #tpu.memory_space<vmem>> -> memref<1x50xi32, #tpu.memory_space<vmem>>
      %dma_start3A_117 = tpu.memref_squeeze %dma_start3A_116 : memref<1x50xi32, #tpu.memory_space<vmem>> -> memref<50xi32, #tpu.memory_space<vmem>>
      %dma_start3A_118 = arith.constant 0 : i32
      %dma_start3A_119 = arith.constant 0 : i32
      %dma_start3A_120 = tpu.memref_slice %arg20[%dma_start3A_118, %dma_start3A_119] : memref<10000x128xf32, #tpu.memory_space<vmem_shared>> -> memref<10000x128xf32, #tpu.memory_space<vmem_shared>>
      tpu.enqueue_indirect_dma source(%arg10 : memref<50x128xf32, #tpu.memory_space<vmem>>) target(%dma_start3A_120 : memref<10000x128xf32, #tpu.memory_space<vmem_shared>>) offsets(%dma_start3A_117 : memref<50xi32, #tpu.memory_space<vmem>>) semaphore(%arg18 : memref<!tpu.dma_semaphore, #tpu.memory_space<semaphore_mem>>) {add = true}
      %sub3A_121 = arith.constant 1 : i32
      %sub3A_122 = arith.subi %add3A_108, %sub3A_121 : i32
      %dma_wait3A_123 = arith.constant 0 : i32
      %dma_wait3A_124 = tpu.memref_slice %arg7[%sub3A_122, %dma_wait3A_123] : memref<200x50xi32, #tpu.memory_space<vmem>> -> memref<1x50xi32, #tpu.memory_space<vmem>>
      %dma_wait3A_125 = tpu.memref_squeeze %dma_wait3A_124 : memref<1x50xi32, #tpu.memory_space<vmem>> -> memref<50xi32, #tpu.memory_space<vmem>>
      %dma_wait3A_126 = arith.constant 0 : i32
      %dma_wait3A_127 = arith.constant 0 : i32
      %dma_wait3A_128 = tpu.memref_slice %arg20[%dma_wait3A_126, %dma_wait3A_127] : memref<10000x128xf32, #tpu.memory_space<vmem_shared>> -> memref<10000x128xf32, #tpu.memory_space<vmem_shared>>
      tpu.wait_indirect_dma semaphore(%arg17 : memref<!tpu.dma_semaphore, #tpu.memory_space<semaphore_mem>>) src(%arg9 : memref<50x128xf32, #tpu.memory_space<vmem>>) dst(%dma_wait3A_128 : memref<10000x128xf32, #tpu.memory_space<vmem_shared>>)
      %add3A_129 = arith.constant 4 : i32
      %add3A_130 = arith.addi %sub3A_122, %add3A_129 : i32
      %lt3A_131 = arith.constant 200 : i32
      %lt3A_132 = arith.cmpi slt, %add3A_130, %lt3A_131 : i32
      %convert_element_type3A_133 = arith.extui %lt3A_132 : i1 to i32
      %cond3A_134 = arith.constant 0 : i32
      %cond3A_135 = arith.cmpi ne, %convert_element_type3A_133, %cond3A_134 : i32
      scf.if %cond3A_135 {
        %add3A_165 = arith.constant 4 : i32
        %add3A_166 = arith.addi %sub3A_122, %add3A_165 : i32
        %dma_start3A_167 = arith.constant 0 : i32
        %dma_start3A_168 = tpu.memref_slice %arg6[%add3A_166, %dma_start3A_167] : memref<200x50xi32, #tpu.memory_space<vmem>> -> memref<1x50xi32, #tpu.memory_space<vmem>>
        %dma_start3A_169 = tpu.memref_squeeze %dma_start3A_168 : memref<1x50xi32, #tpu.memory_space<vmem>> -> memref<50xi32, #tpu.memory_space<vmem>>
        %dma_start3A_170 = arith.constant 0 : i32
        %dma_start3A_171 = arith.constant 0 : i32
        %dma_start3A_172 = tpu.memref_slice %arg2[%dma_start3A_170, %dma_start3A_171] : memref<10000x128xf32, #tpu.memory_space<hbm>> -> memref<10000x128xf32, #tpu.memory_space<hbm>>
        tpu.enqueue_indirect_dma source(%dma_start3A_172 : memref<10000x128xf32, #tpu.memory_space<hbm>>) target(%arg9 : memref<50x128xf32, #tpu.memory_space<vmem>>) offsets(%dma_start3A_169 : memref<50xi32, #tpu.memory_space<vmem>>) semaphore(%arg13 : memref<!tpu.dma_semaphore, #tpu.memory_space<semaphore_mem>>)
      } else {
      }
      %add3A_136 = arith.constant 3 : i32
      %add3A_137 = arith.addi %mul3A_61, %add3A_136 : i32
      %dma_wait3A_138 = arith.constant 0 : i32
      %dma_wait3A_139 = tpu.memref_slice %arg6[%add3A_137, %dma_wait3A_138] : memref<200x50xi32, #tpu.memory_space<vmem>> -> memref<1x50xi32, #tpu.memory_space<vmem>>
      %dma_wait3A_140 = tpu.memref_squeeze %dma_wait3A_139 : memref<1x50xi32, #tpu.memory_space<vmem>> -> memref<50xi32, #tpu.memory_space<vmem>>
      %dma_wait3A_141 = arith.constant 0 : i32
      %dma_wait3A_142 = arith.constant 0 : i32
      %dma_wait3A_143 = tpu.memref_slice %arg2[%dma_wait3A_141, %dma_wait3A_142] : memref<10000x128xf32, #tpu.memory_space<hbm>> -> memref<10000x128xf32, #tpu.memory_space<hbm>>
      tpu.wait_indirect_dma semaphore(%arg15 : memref<!tpu.dma_semaphore, #tpu.memory_space<semaphore_mem>>) src(%dma_wait3A_143 : memref<10000x128xf32, #tpu.memory_space<hbm>>) dst(%arg11 : memref<50x128xf32, #tpu.memory_space<vmem>>)
      %dma_start3A_144 = arith.constant 0 : i32
      %dma_start3A_145 = tpu.memref_slice %arg7[%add3A_137, %dma_start3A_144] : memref<200x50xi32, #tpu.memory_space<vmem>> -> memref<1x50xi32, #tpu.memory_space<vmem>>
      %dma_start3A_146 = tpu.memref_squeeze %dma_start3A_145 : memref<1x50xi32, #tpu.memory_space<vmem>> -> memref<50xi32, #tpu.memory_space<vmem>>
      %dma_start3A_147 = arith.constant 0 : i32
      %dma_start3A_148 = arith.constant 0 : i32
      %dma_start3A_149 = tpu.memref_slice %arg20[%dma_start3A_147, %dma_start3A_148] : memref<10000x128xf32, #tpu.memory_space<vmem_shared>> -> memref<10000x128xf32, #tpu.memory_space<vmem_shared>>
      tpu.enqueue_indirect_dma source(%arg11 : memref<50x128xf32, #tpu.memory_space<vmem>>) target(%dma_start3A_149 : memref<10000x128xf32, #tpu.memory_space<vmem_shared>>) offsets(%dma_start3A_146 : memref<50xi32, #tpu.memory_space<vmem>>) semaphore(%arg19 : memref<!tpu.dma_semaphore, #tpu.memory_space<semaphore_mem>>) {add = true}
      %sub3A_150 = arith.constant 1 : i32
      %sub3A_151 = arith.subi %add3A_137, %sub3A_150 : i32
      %dma_wait3A_152 = arith.constant 0 : i32
      %dma_wait3A_153 = tpu.memref_slice %arg7[%sub3A_151, %dma_wait3A_152] : memref<200x50xi32, #tpu.memory_space<vmem>> -> memref<1x50xi32, #tpu.memory_space<vmem>>
      %dma_wait3A_154 = tpu.memref_squeeze %dma_wait3A_153 : memref<1x50xi32, #tpu.memory_space<vmem>> -> memref<50xi32, #tpu.memory_space<vmem>>
      %dma_wait3A_155 = arith.constant 0 : i32
      %dma_wait3A_156 = arith.constant 0 : i32
      %dma_wait3A_157 = tpu.memref_slice %arg20[%dma_wait3A_155, %dma_wait3A_156] : memref<10000x128xf32, #tpu.memory_space<vmem_shared>> -> memref<10000x128xf32, #tpu.memory_space<vmem_shared>>
      tpu.wait_indirect_dma semaphore(%arg18 : memref<!tpu.dma_semaphore, #tpu.memory_space<semaphore_mem>>) src(%arg10 : memref<50x128xf32, #tpu.memory_space<vmem>>) dst(%dma_wait3A_157 : memref<10000x128xf32, #tpu.memory_space<vmem_shared>>)
      %add3A_158 = arith.constant 4 : i32
      %add3A_159 = arith.addi %sub3A_151, %add3A_158 : i32
      %lt3A_160 = arith.constant 200 : i32
      %lt3A_161 = arith.cmpi slt, %add3A_159, %lt3A_160 : i32
      %convert_element_type3A_162 = arith.extui %lt3A_161 : i1 to i32
      %cond3A_163 = arith.constant 0 : i32
      %cond3A_164 = arith.cmpi ne, %convert_element_type3A_162, %cond3A_163 : i32
      scf.if %cond3A_164 {
        %add3A_165 = arith.constant 4 : i32
        %add3A_166 = arith.addi %sub3A_151, %add3A_165 : i32
        %dma_start3A_167 = arith.constant 0 : i32
        %dma_start3A_168 = tpu.memref_slice %arg6[%add3A_166, %dma_start3A_167] : memref<200x50xi32, #tpu.memory_space<vmem>> -> memref<1x50xi32, #tpu.memory_space<vmem>>
        %dma_start3A_169 = tpu.memref_squeeze %dma_start3A_168 : memref<1x50xi32, #tpu.memory_space<vmem>> -> memref<50xi32, #tpu.memory_space<vmem>>
        %dma_start3A_170 = arith.constant 0 : i32
        %dma_start3A_171 = arith.constant 0 : i32
        %dma_start3A_172 = tpu.memref_slice %arg2[%dma_start3A_170, %dma_start3A_171] : memref<10000x128xf32, #tpu.memory_space<hbm>> -> memref<10000x128xf32, #tpu.memory_space<hbm>>
        tpu.enqueue_indirect_dma source(%dma_start3A_172 : memref<10000x128xf32, #tpu.memory_space<hbm>>) target(%arg10 : memref<50x128xf32, #tpu.memory_space<vmem>>) offsets(%dma_start3A_169 : memref<50xi32, #tpu.memory_space<vmem>>) semaphore(%arg14 : memref<!tpu.dma_semaphore, #tpu.memory_space<semaphore_mem>>)
      } else {
      }
    }
    %scan3A_49 = arith.constant 50 : i32
    %dma_wait3A = arith.constant 199 : i32
    %dma_wait3A_50 = arith.constant 0 : i32
    %dma_wait3A_51 = tpu.memref_slice %arg7[%dma_wait3A, %dma_wait3A_50] : memref<200x50xi32, #tpu.memory_space<vmem>> -> memref<1x50xi32, #tpu.memory_space<vmem>>
    %dma_wait3A_52 = tpu.memref_squeeze %dma_wait3A_51 : memref<1x50xi32, #tpu.memory_space<vmem>> -> memref<50xi32, #tpu.memory_space<vmem>>
    %dma_wait3A_53 = arith.constant 0 : i32
    %dma_wait3A_54 = arith.constant 0 : i32
    %dma_wait3A_55 = tpu.memref_slice %arg20[%dma_wait3A_53, %dma_wait3A_54] : memref<10000x128xf32, #tpu.memory_space<vmem_shared>> -> memref<10000x128xf32, #tpu.memory_space<vmem_shared>>
    tpu.wait_indirect_dma semaphore(%arg19 : memref<!tpu.dma_semaphore, #tpu.memory_space<semaphore_mem>>) src(%arg11 : memref<50x128xf32, #tpu.memory_space<vmem>>) dst(%dma_wait3A_55 : memref<10000x128xf32, #tpu.memory_space<vmem_shared>>)
    %barrier3A_56 = arith.constant 0 : index
    tpu.barrier barrier_id(%barrier3A_56)
    %mul3A_57 = arith.constant 625 : i32
    %mul3A_58 = arith.muli %arg1, %mul3A_57 : i32
    "tpu.region"() ({
      %run_scoped3A = tpu.sem_alloc : memref<!tpu.dma_semaphore, #tpu.memory_space<semaphore_mem>>
      %dma_start3A_59 = arith.constant 0 : i32
      %dma_start3A_60 = tpu.memref_slice %arg5[%arg0, %mul3A_58, %dma_start3A_59] : memref<2x10000x128xf32, #tpu.memory_space<hbm>> -> memref<1x625x128xf32, #tpu.memory_space<hbm>>
      %dma_start3A_61 = tpu.memref_squeeze %dma_start3A_60 : memref<1x625x128xf32, #tpu.memory_space<hbm>> -> memref<625x128xf32, #tpu.memory_space<hbm>>
      %dma_start3A_62 = arith.constant 0 : i32
      %dma_start3A_63 = tpu.memref_slice %arg20[%mul3A_58, %dma_start3A_62] : memref<10000x128xf32, #tpu.memory_space<vmem_shared>> -> memref<625x128xf32, #tpu.memory_space<vmem_shared>>
      tpu.enqueue_dma source(%dma_start3A_63 : memref<625x128xf32, #tpu.memory_space<vmem_shared>>) target(%dma_start3A_61 : memref<625x128xf32, #tpu.memory_space<hbm>>) target_semaphore(%run_scoped3A : memref<!tpu.dma_semaphore, #tpu.memory_space<semaphore_mem>>)
      %dma_wait3A_64 = arith.constant 0 : i32
      %dma_wait3A_65 = tpu.memref_slice %arg5[%arg0, %mul3A_58, %dma_wait3A_64] : memref<2x10000x128xf32, #tpu.memory_space<hbm>> -> memref<1x625x128xf32, #tpu.memory_space<hbm>>
      %dma_wait3A_66 = tpu.memref_squeeze %dma_wait3A_65 : memref<1x625x128xf32, #tpu.memory_space<hbm>> -> memref<625x128xf32, #tpu.memory_space<hbm>>
      %dma_wait3A_67 = arith.constant 0 : i32
      %dma_wait3A_68 = tpu.memref_slice %arg20[%mul3A_58, %dma_wait3A_67] : memref<10000x128xf32, #tpu.memory_space<vmem_shared>> -> memref<625x128xf32, #tpu.memory_space<vmem_shared>>
      tpu.wait_dma2 semaphore(%run_scoped3A : memref<!tpu.dma_semaphore, #tpu.memory_space<semaphore_mem>>) src(%dma_wait3A_68 : memref<625x128xf32, #tpu.memory_space<vmem_shared>>) dst(%dma_wait3A_66 : memref<625x128xf32, #tpu.memory_space<hbm>>)
      tpu.yield
    }) : () -> ()
    return
  }
}

module attributes {stable_mosaic.version = 14 : i64} {
  func.func @_tc_prep_body(%arg0: memref<2x10000x16xf32, #tpu.memory_space<vmem>>, %arg1: memref<2x10000x16xf32, #tpu.memory_space<vmem>>, %arg2: memref<10000x128xf32, #tpu.memory_space<vmem>>, %arg3: memref<10000x32xf32, #tpu.memory_space<vmem>>, %arg4: memref<10000x128xf32, #tpu.memory_space<vmem>>) attributes {dimension_semantics = [], scalar_prefetch = 0 : i64, scratch_operands = 0 : i64, tpu.core_type = #tpu.core_type<tc>} {
    %get3A = arith.constant 0 : index
    %get3A_0 = arith.constant 0 : index
    %get3A_1 = arith.constant 0 : index
    %get3A_2 = vector.load %arg0[%get3A, %get3A_0, %get3A_1] : memref<2x10000x16xf32, #tpu.memory_space<vmem>>, vector<1x10000x16xf32>
    %get3A_3 = vector.shape_cast %get3A_2 : vector<1x10000x16xf32> to vector<10000x16xf32>
    %get3A_4 = arith.constant 1 : index
    %get3A_5 = arith.constant 0 : index
    %get3A_6 = arith.constant 0 : index
    %get3A_7 = vector.load %arg0[%get3A_4, %get3A_5, %get3A_6] : memref<2x10000x16xf32, #tpu.memory_space<vmem>>, vector<1x10000x16xf32>
    %get3A_8 = vector.shape_cast %get3A_7 : vector<1x10000x16xf32> to vector<10000x16xf32>
    %add3A = arith.addf %get3A_3, %get3A_8 : vector<10000x16xf32>
    %get3A_9 = arith.constant 0 : index
    %get3A_10 = arith.constant 0 : index
    %get3A_11 = arith.constant 0 : index
    %get3A_12 = vector.load %arg1[%get3A_9, %get3A_10, %get3A_11] : memref<2x10000x16xf32, #tpu.memory_space<vmem>>, vector<1x10000x16xf32>
    %get3A_13 = vector.shape_cast %get3A_12 : vector<1x10000x16xf32> to vector<10000x16xf32>
    %get3A_14 = arith.constant 1 : index
    %get3A_15 = arith.constant 0 : index
    %get3A_16 = arith.constant 0 : index
    %get3A_17 = vector.load %arg1[%get3A_14, %get3A_15, %get3A_16] : memref<2x10000x16xf32, #tpu.memory_space<vmem>>, vector<1x10000x16xf32>
    %get3A_18 = vector.shape_cast %get3A_17 : vector<1x10000x16xf32> to vector<10000x16xf32>
    %add3A_19 = arith.addf %get3A_13, %get3A_18 : vector<10000x16xf32>
    %max3A = arith.constant 1.000000e+00 : f32
    %max3A_20 = vector.broadcast %max3A : f32 to vector<10000x16xf32>
    %max3A_21 = arith.maximumf %add3A, %max3A_20 : vector<10000x16xf32>
    %rsqrt3A = math.rsqrt %max3A_21 : vector<10000x16xf32>
    %max3A_22 = arith.constant 1.000000e+00 : f32
    %max3A_23 = vector.broadcast %max3A_22 : f32 to vector<10000x16xf32>
    %max3A_24 = arith.maximumf %add3A_19, %max3A_23 : vector<10000x16xf32>
    %rsqrt3A_25 = math.rsqrt %max3A_24 : vector<10000x16xf32>
    %concatenate3A = tpu.concatenate %rsqrt3A, %rsqrt3A_25 in 1 : vector<10000x16xf32>, vector<10000x16xf32> -> vector<10000x32xf32>
    %swap3A = arith.constant 0 : index
    %swap3A_26 = arith.constant 0 : index
    %swap3A_27 = vector.load %arg3[%swap3A, %swap3A_26] : memref<10000x32xf32, #tpu.memory_space<vmem>>, vector<10000x32xf32>
    tpu.vector_store %arg3[%swap3A, %swap3A_26], %concatenate3A {strides = array<i32>} : memref<10000x32xf32, #tpu.memory_space<vmem>>, vector<10000x32xf32>,
    %get3A_28 = arith.constant 0 : index
    %get3A_29 = arith.constant 0 : index
    %get3A_30 = vector.load %arg2[%get3A_28, %get3A_29] : memref<10000x128xf32, #tpu.memory_space<vmem>>, vector<10000x128xf32>
    %slice3A = vector.extract_strided_slice %rsqrt3A {offsets = [0, 0], sizes = [10000, 1], strides = [1, 1]} : vector<10000x16xf32> to vector<10000x1xf32>
    %mul3A = vector.broadcast %slice3A : vector<10000x1xf32> to vector<10000x128xf32>
    %mul3A_31 = arith.mulf %get3A_30, %mul3A : vector<10000x128xf32>
    %swap3A_32 = arith.constant 0 : index
    %swap3A_33 = arith.constant 0 : index
    %swap3A_34 = vector.load %arg4[%swap3A_32, %swap3A_33] : memref<10000x128xf32, #tpu.memory_space<vmem>>, vector<10000x128xf32>
    tpu.vector_store %arg4[%swap3A_32, %swap3A_33], %mul3A_31 {strides = array<i32>} : memref<10000x128xf32, #tpu.memory_space<vmem>>, vector<10000x128xf32>,
    return
  }
}

module attributes {stable_mosaic.version = 14 : i64} {
  func.func @_tc_layer1_body(%arg0: i32, %arg1: memref<2x1000x128xf32, #tpu.memory_space<vmem>>, %arg2: memref<1000x32xf32, #tpu.memory_space<vmem>>, %arg3: memref<128x128xf32, #tpu.memory_space<vmem>>, %arg4: memref<1x128xf32, #tpu.memory_space<vmem>>, %arg5: memref<128x64xf32, #tpu.memory_space<vmem>>, %arg6: memref<1000x64xf32, #tpu.memory_space<vmem>>) attributes {dimension_semantics = [#tpu.dimension_semantics<arbitrary>], iteration_bounds = array<i64: 10>, scalar_prefetch = 0 : i64, scratch_operands = 0 : i64, tpu.core_type = #tpu.core_type<tc>, window_params = [{transform_indices = @transform_0, window_bounds = array<i64: 2, 1000, 128>}, {transform_indices = @transform_1, window_bounds = array<i64: 1000, 32>}, {pipeline_mode = #tpu.pipeline_mode<synchronous>, transform_indices = @transform_2, window_bounds = array<i64: 128, 128>}, {pipeline_mode = #tpu.pipeline_mode<synchronous>, transform_indices = @transform_3, window_bounds = array<i64: 1, 128>}, {pipeline_mode = #tpu.pipeline_mode<synchronous>, transform_indices = @transform_4, window_bounds = array<i64: 128, 64>}, {transform_indices = @transform_5, window_bounds = array<i64: 1000, 64>}]} {
    %get3A = arith.constant 0 : index
    %get3A_0 = arith.constant 0 : index
    %get3A_1 = arith.constant 0 : index
    %get3A_2 = vector.load %arg1[%get3A, %get3A_0, %get3A_1] : memref<2x1000x128xf32, #tpu.memory_space<vmem>>, vector<1x1000x128xf32>
    %get3A_3 = vector.shape_cast %get3A_2 : vector<1x1000x128xf32> to vector<1000x128xf32>
    %get3A_4 = arith.constant 1 : index
    %get3A_5 = arith.constant 0 : index
    %get3A_6 = arith.constant 0 : index
    %get3A_7 = vector.load %arg1[%get3A_4, %get3A_5, %get3A_6] : memref<2x1000x128xf32, #tpu.memory_space<vmem>>, vector<1x1000x128xf32>
    %get3A_8 = vector.shape_cast %get3A_7 : vector<1x1000x128xf32> to vector<1000x128xf32>
    %add3A = arith.addf %get3A_3, %get3A_8 : vector<1000x128xf32>
    %get3A_9 = arith.constant 0 : index
    %get3A_10 = arith.constant 16 : index
    %get3A_11 = vector.load %arg2[%get3A_9, %get3A_10] : memref<1000x32xf32, #tpu.memory_space<vmem>>, vector<1000x1xf32>
    %mul3A = vector.broadcast %get3A_11 : vector<1000x1xf32> to vector<1000x128xf32>
    %mul3A_12 = arith.mulf %add3A, %mul3A : vector<1000x128xf32>
    %get3A_13 = arith.constant 0 : index
    %get3A_14 = arith.constant 0 : index
    %get3A_15 = vector.load %arg3[%get3A_13, %get3A_14] : memref<128x128xf32, #tpu.memory_space<vmem>>, vector<128x128xf32>
    %dot_general3A = arith.constant dense<0.000000e+00> : vector<1000x128xf32>
    %dot_general3A_16 = tpu.matmul %mul3A_12, %get3A_15, %dot_general3A {dimension_numbers = #tpu.dot_dimension_numbers<[1], [0], [0], [1], [0, 0, 1, 1], [], []>, transpose_lhs_hint = false} : vector<1000x128xf32>, vector<128x128xf32>, vector<1000x128xf32> -> vector<1000x128xf32>
    %get3A_17 = arith.constant 0 : index
    %get3A_18 = arith.constant 0 : index
    %get3A_19 = vector.load %arg4[%get3A_17, %get3A_18] : memref<1x128xf32, #tpu.memory_space<vmem>>, vector<1x128xf32>
    %add3A_20 = vector.broadcast %get3A_19 : vector<1x128xf32> to vector<1000x128xf32>
    %add3A_21 = arith.addf %dot_general3A_16, %add3A_20 : vector<1000x128xf32>
    %max3A = arith.constant 0.000000e+00 : f32
    %max3A_22 = vector.broadcast %max3A : f32 to vector<1000x128xf32>
    %max3A_23 = arith.maximumf %add3A_21, %max3A_22 : vector<1000x128xf32>
    %get3A_24 = arith.constant 0 : index
    %get3A_25 = arith.constant 0 : index
    %get3A_26 = vector.load %arg5[%get3A_24, %get3A_25] : memref<128x64xf32, #tpu.memory_space<vmem>>, vector<128x64xf32>
    %dot_general3A_27 = arith.constant dense<0.000000e+00> : vector<1000x64xf32>
    %dot_general3A_28 = tpu.matmul %max3A_23, %get3A_26, %dot_general3A_27 {dimension_numbers = #tpu.dot_dimension_numbers<[1], [0], [0], [1], [0, 0, 1, 1], [], []>, transpose_lhs_hint = false} : vector<1000x128xf32>, vector<128x64xf32>, vector<1000x64xf32> -> vector<1000x64xf32>
    %get3A_29 = arith.constant 0 : index
    %get3A_30 = arith.constant 0 : index
    %get3A_31 = vector.load %arg2[%get3A_29, %get3A_30] : memref<1000x32xf32, #tpu.memory_space<vmem>>, vector<1000x1xf32>
    %mul3A_32 = vector.broadcast %get3A_31 : vector<1000x1xf32> to vector<1000x64xf32>
    %mul3A_33 = arith.mulf %dot_general3A_28, %mul3A_32 : vector<1000x64xf32>
    %swap3A = arith.constant 0 : index
    %swap3A_34 = arith.constant 0 : index
    %swap3A_35 = vector.load %arg6[%swap3A, %swap3A_34] : memref<1000x64xf32, #tpu.memory_space<vmem>>, vector<1000x64xf32>
    tpu.vector_store %arg6[%swap3A, %swap3A_34], %mul3A_33 {strides = array<i32>} : memref<1000x64xf32, #tpu.memory_space<vmem>>, vector<1000x64xf32>,
    return
  }
  func.func @transform_0(%arg0: i32) -> (i32, i32, i32) {
    %c0_i32 = arith.constant 0 : i32
    %c0_i32_0 = arith.constant 0 : i32
    %c0_i32_1 = arith.constant 0 : i32
    return %c0_i32, %arg0, %c0_i32_0 : i32, i32, i32
  }
  func.func @transform_1(%arg0: i32) -> (i32, i32) {
    %c0_i32 = arith.constant 0 : i32
    %c0_i32_0 = arith.constant 0 : i32
    return %arg0, %c0_i32 : i32, i32
  }
  func.func @transform_2(%arg0: i32) -> (i32, i32) {
    %c0_i32 = arith.constant 0 : i32
    %c0_i32_0 = arith.constant 0 : i32
    %c0_i32_1 = arith.constant 0 : i32
    return %c0_i32, %c0_i32_0 : i32, i32
  }
  func.func @transform_3(%arg0: i32) -> (i32, i32) {
    %c0_i32 = arith.constant 0 : i32
    %c0_i32_0 = arith.constant 0 : i32
    %c0_i32_1 = arith.constant 0 : i32
    return %c0_i32, %c0_i32_0 : i32, i32
  }
  func.func @transform_4(%arg0: i32) -> (i32, i32) {
    %c0_i32 = arith.constant 0 : i32
    %c0_i32_0 = arith.constant 0 : i32
    %c0_i32_1 = arith.constant 0 : i32
    return %c0_i32, %c0_i32_0 : i32, i32
  }
  func.func @transform_5(%arg0: i32) -> (i32, i32) {
    %c0_i32 = arith.constant 0 : i32
    %c0_i32_0 = arith.constant 0 : i32
    return %arg0, %c0_i32 : i32, i32
  }
}

module attributes {stable_mosaic.version = 14 : i64} {
  func.func @_tc_out_body(%arg0: i32, %arg1: memref<2x1000x64xf32, #tpu.memory_space<vmem>>, %arg2: memref<1000x32xf32, #tpu.memory_space<vmem>>, %arg3: memref<1x64xf32, #tpu.memory_space<vmem>>, %arg4: memref<1000x64xf32, #tpu.memory_space<vmem>>) attributes {dimension_semantics = [#tpu.dimension_semantics<arbitrary>], iteration_bounds = array<i64: 10>, scalar_prefetch = 0 : i64, scratch_operands = 0 : i64, tpu.core_type = #tpu.core_type<tc>, window_params = [{transform_indices = @transform_0, window_bounds = array<i64: 2, 1000, 64>}, {transform_indices = @transform_1, window_bounds = array<i64: 1000, 32>}, {pipeline_mode = #tpu.pipeline_mode<synchronous>, transform_indices = @transform_2, window_bounds = array<i64: 1, 64>}, {transform_indices = @transform_3, window_bounds = array<i64: 1000, 64>}]} {
    %get3A = arith.constant 0 : index
    %get3A_0 = arith.constant 0 : index
    %get3A_1 = arith.constant 0 : index
    %get3A_2 = vector.load %arg1[%get3A, %get3A_0, %get3A_1] : memref<2x1000x64xf32, #tpu.memory_space<vmem>>, vector<1x1000x64xf32>
    %get3A_3 = vector.shape_cast %get3A_2 : vector<1x1000x64xf32> to vector<1000x64xf32>
    %get3A_4 = arith.constant 1 : index
    %get3A_5 = arith.constant 0 : index
    %get3A_6 = arith.constant 0 : index
    %get3A_7 = vector.load %arg1[%get3A_4, %get3A_5, %get3A_6] : memref<2x1000x64xf32, #tpu.memory_space<vmem>>, vector<1x1000x64xf32>
    %get3A_8 = vector.shape_cast %get3A_7 : vector<1x1000x64xf32> to vector<1000x64xf32>
    %add3A = arith.addf %get3A_3, %get3A_8 : vector<1000x64xf32>
    %get3A_9 = arith.constant 0 : index
    %get3A_10 = arith.constant 16 : index
    %get3A_11 = vector.load %arg2[%get3A_9, %get3A_10] : memref<1000x32xf32, #tpu.memory_space<vmem>>, vector<1000x1xf32>
    %mul3A = vector.broadcast %get3A_11 : vector<1000x1xf32> to vector<1000x64xf32>
    %mul3A_12 = arith.mulf %add3A, %mul3A : vector<1000x64xf32>
    %get3A_13 = arith.constant 0 : index
    %get3A_14 = arith.constant 0 : index
    %get3A_15 = vector.load %arg3[%get3A_13, %get3A_14] : memref<1x64xf32, #tpu.memory_space<vmem>>, vector<1x64xf32>
    %add3A_16 = vector.broadcast %get3A_15 : vector<1x64xf32> to vector<1000x64xf32>
    %add3A_17 = arith.addf %mul3A_12, %add3A_16 : vector<1000x64xf32>
    %swap3A = arith.constant 0 : index
    %swap3A_18 = arith.constant 0 : index
    %swap3A_19 = vector.load %arg4[%swap3A, %swap3A_18] : memref<1000x64xf32, #tpu.memory_space<vmem>>, vector<1000x64xf32>
    tpu.vector_store %arg4[%swap3A, %swap3A_18], %add3A_17 {strides = array<i32>} : memref<1000x64xf32, #tpu.memory_space<vmem>>, vector<1000x64xf32>,
    return
  }
  func.func @transform_0(%arg0: i32) -> (i32, i32, i32) {
    %c0_i32 = arith.constant 0 : i32
    %c0_i32_0 = arith.constant 0 : i32
    %c0_i32_1 = arith.constant 0 : i32
    return %c0_i32, %arg0, %c0_i32_0 : i32, i32, i32
  }
  func.func @transform_1(%arg0: i32) -> (i32, i32) {
    %c0_i32 = arith.constant 0 : i32
    %c0_i32_0 = arith.constant 0 : i32
    return %arg0, %c0_i32 : i32, i32
  }
  func.func @transform_2(%arg0: i32) -> (i32, i32) {
    %c0_i32 = arith.constant 0 : i32
    %c0_i32_0 = arith.constant 0 : i32
    %c0_i32_1 = arith.constant 0 : i32
    return %c0_i32, %c0_i32_0 : i32, i32
  }
  func.func @transform_3(%arg0: i32) -> (i32, i32) {
    %c0_i32 = arith.constant 0 : i32
    %c0_i32_0 = arith.constant 0 : i32
    return %arg0, %c0_i32 : i32, i32
  }
}

</mosaic_0001>

<sc_bundles>
// kernel: kernel.11.cloned.1.call-start
scs
__scs_entry_jumppad:
0x0: {  	(pc) =	sbr.rel $0x88, $3  }
0x1: {  	(tag) =	ssettag $0x0;
	lr =	simm.s32 $0x1  }
0x2: {  	[smem:$0x3F9B] =	sst lr;
	_ =	strace $0xD0000000  }
0x3: {  	_ = 	snop  }
0x4: {  	_ = 	snop  }
0x5: {  	_ = 	snop  }
0x6: {  	_ = 	snop  }
0x7: {  	_ = 	snop  }
__scs_overlays_trampoline_lowered:
0x8: {  	[smem:$0x3FAA] =	sst s0  }
0x9: {  	[smem:$0x3FAB] =	sst s1  }
0xa: {  	[smem:$0x3FAC] =	sst s2  }
0xb: {  	[smem:$0x3FAD] =	sst s3  }
0xc: {  	[smem:$0x3FAE] =	sst s4  }
0xd: {  	[smem:$0x3FAF] =	sst s5  }
0xe: {  	[smem:$0x3FB0] =	sst s6  }
0xf: {  	[smem:$0x3FB1] =	sst s7  }
0x10: {  	[smem:$0x3FB2] =	sst s8  }
0x11: {  	[smem:$0x3FB3] =	sst s9;
	s0 =	simm.s32 @!p0 $0x0  }
0x12: {  	s1 =	sld [smem:$0x3F99];
	s0 =	simm.s32 @p0 $0x1  }
0x13: {  	[smem:$0x3FB4] =	sst s0;
	s0 =	simm.s32 @!p1 $0x0  }
0x14: {  	s2 =	sld [smem:$0x3F98];
	s0 =	simm.s32 @p1 $0x1  }
0x15: {  	[smem:$0x3FB5] =	sst s0;
	s0 =	simm.s32 @!p2 $0x0  }
0x16: {  	s3 =	sld [smem:$0x3FDB];
	s0 =	simm.s32 @p2 $0x1  }
0x17: {  	s4 =	simm.s32 $0x1BF5;
	[smem:$0x3FB7] =	sst s0  }
0x18: {  	s0 =	sld [smem:$0x3F9A];
	_ =	swait.ge [sflag:s4], $0x0  }
0x19: {  	s7 =	sld [smem:$0x3F9B]  }
0x1a: {  	s8 =	sadd.s32 $0xFFFFE003, lr  }
0x1b: {  	s9 =	sadd.s32 $0xFFFFFEF7, lr;
	s5 =	simm.s32 $0xFFFFFFFF;
	p2 =	slt.u32 s8, $0xFFFFF086  }
0x1c: {  	p1 =	slt.u32 s9, $0xF7A;
	s5 =	simm.s32 @!p2 $0x0  }
0x1d: {  	s5 =	simm.s32 @p1 $0x1;
	p0 =	seq.s32 s7, s2  }
0x1e: {  	s7 =	smul.u32 @!p0 $0xF7A, s2;
	p2 =	seq.s32 @!p0 s5, $0x0  }
0x1f: {  	s9 =	smul.u32 $0xF7A, s1;
	s8 =	simm.s32 @!p0 $0x1BF5;
	p2 =	por !p2, p0  }
0x20: {  	[sflag:s8] =	ssyncset.s32 @!p0 $0xFFFFF086;
	s6 =	sadd.s32 @!p0 s3, s7;
	s7 =	simm.s32 @!p0 $0x108  }
0x21: {  	s3 =	sadd.s32 s3, s9;
	s6 =	sadd.s32 @!p0 $0x88, s6;
	s7 =	simm.s32 @p2 $0x1082  }
0x22: {  	[simem:s7], [sflag:s8] =	dma.local @!p0 [hbm:s6], $0xF7A  }
0x23: {  	s9 =	sor.u32 $0xD0000000, s2;
	s6 =	simm.s32 $0x108;
	_ =	swait.ge @!p0 [sflag:s8], $0x0  }
0x24: {  	s3 =	sadd.s32 $0x88, s3;
	s6 =	simm.s32 @!p1 $0x1082;
	[sflag:s4] =	ssyncset.s32 $0xFFFFF086  }
0x25: {  	[simem:s6], [sflag:s4] =	dma.local [hbm:s3], $0xF7A  }
0x26: {  	[smem:$0x3F9B] =	sst s1;
	(tag) =	ssettag s2;
	_ =	strace s9  }
0x27: {  	s1 =	sld [smem:$0x3FAB]  }
0x28: {  	s2 =	sld [smem:$0x3FAC]  }
0x29: {  	s4 =	sld [smem:$0x3FAE]  }
0x2a: {  	p0 =	seq.s32 s5, $0x0;
	s5 =	sld [smem:$0x3FAF]  }
0x2b: {  	s6 =	sld [smem:$0x3FB0]  }
0x2c: {  	s7 =	sld [smem:$0x3FB1]  }
0x2d: {  	s3 =	simm.s32 $0x108;
	s8 =	sld [smem:$0x3FB2]  }
0x2e: {  	s3 =	simm.s32 @!p0 $0x1082;
	s9 =	sld [smem:$0x3FB3]  }
0x2f: {  	lr =	sadd.s32 s0, s3;
	s0 =	sld [smem:$0x3FAA]  }
0x30: {  	s3 =	sld [smem:$0x3FAD]  }
0x31: {  	[smem:$0x3FB6] =	sst s10  }
0x32: {  	s10 =	sld [smem:$0x3FB4];
	_ =	sdelay $0x3  }
0x33: {  	p0 =	seq.s32 s10, $0x1;
	s10 =	sld [smem:$0x3FB6];
	_ =	sdelay $0x3  }
0x34: {  	[smem:$0x3FB6] =	sst s10  }
0x35: {  	s10 =	sld [smem:$0x3FB5];
	_ =	sdelay $0x3  }
0x36: {  	p1 =	seq.s32 s10, $0x1;
	s10 =	sld [smem:$0x3FB6];
	_ =	sdelay $0x3  }
0x37: {  	[smem:$0x3FB6] =	sst s10  }
0x38: {  	s10 =	sld [smem:$0x3FB7]  }
0x39: {  	_ = 	snop;
	(pc) =	sbr.ind lr, $3  }
0x3a: {  	_ = 	snop  }
0x3b: {  	_ = 	snop  }
0x3c: {  	p2 =	seq.s32 s10, $0x1;
	s10 =	sld [smem:$0x3FB6]  }
0x3d: {  	_ =	shalt  }
0x3e: {  	_ =	shalt  }
0x3f: {  	_ =	shalt  }
0x40: {  	_ =	shalt  }
0x41: {  	_ =	shalt  }
0x42: {  	_ =	shalt  }
0x43: {  	_ =	shalt  }
0x44: {  	_ =	shalt  }
0x45: {  	_ =	shalt  }
0x46: {  	_ =	shalt  }
0x47: {  	_ =	shalt  }
0x48: {  	_ =	shalt  }
0x49: {  	_ =	shalt  }
0x4a: {  	_ =	shalt  }
0x4b: {  	_ =	shalt  }
0x4c: {  	_ =	shalt  }
0x4d: {  	_ =	shalt  }
0x4e: {  	_ =	shalt  }
0x4f: {  	_ =	shalt  }
0x50: {  	_ =	shalt  }
0x51: {  	_ =	shalt  }
0x52: {  	_ =	shalt  }
0x53: {  	_ =	shalt  }
0x54: {  	_ =	shalt  }
0x55: {  	_ =	shalt  }
0x56: {  	_ =	shalt  }
0x57: {  	_ =	shalt  }
0x58: {  	_ =	shalt  }
0x59: {  	_ =	shalt  }
0x5a: {  	_ =	shalt  }
0x5b: {  	_ =	shalt  }
0x5c: {  	_ =	shalt  }
0x5d: {  	_ =	shalt  }
0x5e: {  	_ =	shalt  }
0x5f: {  	_ =	shalt  }
0x60: {  	_ =	shalt  }
0x61: {  	_ =	shalt  }
0x62: {  	_ =	shalt  }
0x63: {  	_ =	shalt  }
0x64: {  	_ =	shalt  }
0x65: {  	_ =	shalt  }
0x66: {  	_ =	shalt  }
0x67: {  	_ =	shalt  }
0x68: {  	_ =	shalt  }
0x69: {  	_ =	shalt  }
0x6a: {  	_ =	shalt  }
0x6b: {  	_ =	shalt  }
0x6c: {  	_ =	shalt  }
0x6d: {  	_ =	shalt  }
0x6e: {  	_ =	shalt  }
0x6f: {  	_ =	shalt  }
0x70: {  	_ =	shalt  }
0x71: {  	_ =	shalt  }
0x72: {  	_ =	shalt  }
0x73: {  	_ =	shalt  }
0x74: {  	_ =	shalt  }
0x75: {  	_ =	shalt  }
0x76: {  	_ =	shalt  }
0x77: {  	_ =	shalt  }
0x78: {  	_ =	shalt  }
0x79: {  	_ =	shalt  }
0x7a: {  	_ =	shalt  }
0x7b: {  	_ =	shalt  }
0x7c: {  	_ =	shalt  }
0x7d: {  	_ =	shalt  }
0x7e: {  	_ =	shalt  }
0x7f: {  	_ =	shalt  }
0x80: {  	_ =	shalt  }
0x81: {  	_ =	shalt  }
0x82: {  	_ =	shalt  }
0x83: {  	_ =	shalt  }
0x84: {  	_ =	shalt  }
0x85: {  	_ =	shalt  }
0x86: {  	_ =	shalt  }
0x87: {  	_ =	shalt  }
.Lfunc_end0:
.L_simem_size_0:
called_computation.1_lowered:
.L_overlay_start_0:
0x88: {  	s2 =	sld [smem:$0x3FD9]  }
0x89: {  	s3 =	sld [smem:$0x3FFE];
	_ =	sdelay $0x1  }
0x8a: {  	s1 =	srdreg.scid  }
0x8b: {  	s0 =	sand.u32 $0x1, s1  }
0x8c: {  	s16 =	sshll.u32 s0, $0xA;
	s2 =	sadd.s32 s3, s2  }
0x8d: {  	s2 =	sadd.s32 s2, s16  }
0x8e: {  	[smem:$0x3FC2] =	sst s2  }
0x8f: {  	_ = 	snop  }
0x90: {  	(tm) =	ssettm $0x1  }
0x91: {  	s17 =	sld [smem:$0x3FFB];
	_ =	sdelay $0x3  }
0x92: {  	_ =	strace s17  }
0x93: {  	s2 =	sld [smem:$0x3FFC];
	_ =	sdelay $0x3  }
0x94: {  	_ =	strace s2  }
0x95: {  	s2 =	sld [smem:$0x3FFD];
	_ =	sdelay $0x3  }
0x96: {  	_ =	strace s2  }
0x97: {  	_ =	strace $0x8FFFFFFF  }
0x98: {  	s18 =	sld [smem:$0x3FDB];
	_ =	sdelay $0x1  }
0x99: {  	s19 =	simm.s32 $_scs_section_size  }
0x9a: {  	s4 =	simm.s32 $_size__tile_overlayer_lowered;
	s5 =	simm.s32 $_tile_overlayer_lowered  }
0x9b: {  	s22 =	simm.s32 $0x1BFF;
	s21 =	sshll.u32 s5, $0x1;
	s2 =	sadd.s32 s19, s18  }
0x9c: {  	s6 =	simm.s32 $0x0;
	s20 =	sshll.u32 s4, $0x1;
	s4 =	sadd.s32 s21, s2  }
0x9d: {  	[timem:s6], [sflag:s22] =	dma.local [hbm:s4], s20  }
0x9e: {  	_ =	swait.ge [sflag:s22], s20  }
0x9f: {  	s3 =	ssub.s32 $0x0, s20;
	[sflag:s22] =	ssyncset.done $0x0  }
0xa0: {  	[sflag:s22] =	ssyncadd.s32 s3;
	_ =	sdelay $0x1  }
0xa1: {  	s23 =	simm.s32 $0x1B8B  }
0xa2: {  	_ =	swait.ge [sflag:s23], $0x1  }
0xa3: {  	[sflag:s23] =	ssyncset.done $0x0  }
0xa4: {  	s25 =	simm.s32 $0x1B8E;
	s24 =	sld [smem:$0x3FFE];
	[sflag:s23] =	ssyncadd.s32 $0xFFFFFFFF  }
0xa5: {  	s26 =	simm.s32 $execute0_lowered;
	[smem:$0x3FD2] =	sst s25  }
0xa6: {  	s4 =	sshll.u32 s26, $0x1;
	_ =	strace $0x80000049;
	[dreg:$0x1] =	wrdreg $0xFFFFFFFF  }
0xa7: {  	s28 =	simm.s32 $_size_execute0_lowered;
	s2 =	sadd.s32 s2, s4;
	[dreg:$0x0] =	wrdreg $0x0  }
0xa8: {  	s4 =	sshll.u32 s28, $0x1;
	[dreg:$0x2] =	wrdreg s2  }
0xa9: {  	[dreg:$0x3] =	wrdreg s4  }
0xaa: {  	[dreg:$0x4] =	wrdreg $0xC0  }
0xab: {  	_ =	task [dreg:s6], $0x5FFFF  }
0xac: {  	[dreg:$0x1] =	wrdreg $0xFFFFFFFF  }
0xad: {  	[dreg:$0x0] =	wrdreg $0x60  }
0xae: {  	[dreg:$0x2] =	wrdreg s24  }
0xaf: {  	[dreg:$0x3] =	wrdreg $0xBB800  }
0xb0: {  	[dreg:$0x4] =	wrdreg $0x9  }
0xb1: {  	_ =	task.clear_ibuf [dreg:s6], $0x5FFFF;
	_ =	strace $0x90000049  }
0xb2: {  	s29 =	simm.s32 $0x9;
	_ =	strace $0x8000004B  }
0xb3: {  	_ =	swait.ge [sflag:s29], $0x1  }
0xb4: {  	[sflag:s29] =	ssyncadd.s32 $0xFFFFFFFF  }
0xb5: {  	_ =	strace $0x9000004B  }
0xb6: {  	_ =	sfence  }
0xb7: {  	s30 =	sld [smem:$0x0];
	_ =	sdelay $0x2  }
0xb8: {  	s31 =	sshll.u32 s1, $0xD;
	s1 =	sshrl.u32 s1, $0x2  }
0xb9: {  	s3 =	sand.u32 $0x4000, s31;
	s1 =	sadd.s32 s1, s30  }
0xba: {  	s0 =	sor.u32 s3, s0;
	s1 =	sshll.u32 s1, $0x11  }
0xbb: {  	s0 =	sor.u32 s1, s0  }
0xbc: {  	s0 =	sadd.s32 $0x8F2B, s0  }
0xbd: {  	[sflag:s0] =	ssyncadd.remote.s32 $0x1  }
0xbe: {  	_ =	sfence.sel $0xFFFF  }
0xbf: {  	[dreg:$0x0] =	wrdreg $0xFFFFFFFF;
	(pc) =	sbr.abs _section_cstart, $3  }
0xc0: {  	[dreg:$0x1] =	wrdreg $0xFFFFFFFF  }
0xc1: {  	_ =	task.clear_ibuf [dreg:s6], $0x2FFFF;
	_ =	strace $0x9FFFFFFF  }
0xc2: {  	(tm) =	ssettm $0x7FFFFFFF  }
0xc3: {  	_ =	shalt  }
tec
execute0_lowered:
.L_overlay_start_1:
0x0: {  	(tag) =	ssettag $0x1  }
0x1: {  	s0 =	rddreg [dreg:$0x0]  }
0x2: {  	s1 =	rddreg [dreg:$0x1]  }
0x3: {  	s2 =	srdreg.scid;
	s3 =	simm.s32 $0x0;
	s8 =	stileid.u32  }
0x4: {  	s29 =	simm.s32 $0x7080;
	s31 =	simm.s32 $0x8980;
	s28 =	simm.s32 $0x1  }
0x5: {  	s30 =	simm.s32 $0x2;
	s10 =	simm.s32 $0x8;
	s11 =	simm.s32 $0x0  }
0x6: {  	s2 =	sand.u32 $0x1, s2;
	[smem:$0x7FF] =	sst s3;
	s7 =	smul.u32 $0x13880, s8  }
0x7: {  	s4 =	sshll.u32 s2, $0x4;
	s5 =	smul.u32 $0x138800, s2;
	_ =	strace $0x8000004A  }
0x8: {  	s2 =	ssub.s32 $0x2, s2;
	s4 =	sor.u32 s8, s4;
	s8 =	smul.u32 $0x4E200, s8  }
0x9: {  	s12 =	sshrl.u32 s2, $0x1;
	s17 =	sadd.s32 s7, s1;
	s6 =	smul.u32 $0x578, s4  }
0xa: {  	s4 =	sadd.s32 $0x36000, s0;
	s5 =	sadd.s32 s7, s5;
	s2 =	ssub.s32 s2, s12  }
0xb: {  	s5 =	sshrl.u32 s5, $0x3;
	s2 =	smax.u32 s2, $0x1;
	s9 =	sadd.s32 s6, s0  }
0xc: {  	s13 =	sshrl.u32 s8, $0x2;
	[dreg:$0x7] =	wrdreg s2;
	s14 =	sadd.s32 $0x2B000, s9  }
0xd: {  	s6 =	sadd.s32 s13, s1;
	s15 =	sadd.s32 $0x20000, s9;
	[dreg:$0x3] =	wrdreg s14  }
0xe: {  	s0 =	sadd.s32 s5, s0;
	s16 =	sadd.s32 $0x12C00, s6;
	[dreg:$0x4] =	wrdreg s15  }
0xf: {  	s7 =	simm.s32 $0x6;
	s0 =	sadd.s32 $0x5D200, s0;
	[dreg:$0x5] =	wrdreg s16  }
0x10: {  	s8 =	simm.s32 $0x4;
	s20 =	sadd.s32 $0x1900, s6;
	[dreg:$0x6] =	wrdreg s0  }
0x11: {  	s2 =	simm.s32 $0xA280;
	s21 =	sadd.s32 $0x3200, s6;
	[dreg:$0x8] =	wrdreg s20  }
0x12: {  	s5 =	simm.s32 $0x3;
	s22 =	sadd.s32 $0x4B00, s6;
	[dreg:$0x9] =	wrdreg s21  }
0x13: {  	s23 =	sadd.s32 $0x6400, s6;
	s24 =	sadd.s32 $0x7D00, s6;
	[dreg:$0xa] =	wrdreg s22  }
0x14: {  	s25 =	sadd.s32 $0x9600, s6;
	s26 =	sadd.s32 $0xAF00, s6;
	[dreg:$0xb] =	wrdreg s23  }
.Ltmp0:
0x15: {  	s18 =	sadd.s32 $0xC800, s6;
	[dreg:$0xc] =	wrdreg s24;
	(pc) =	sbr.rel .LBB2_1-.Ltmp0, $4  }
0x16: {  	s19 =	sadd.s32 $0xE100, s6;
	s9 =	simm.s32 $0x7;
	[dreg:$0xd] =	wrdreg s25  }
0x17: {  	[dreg:$0xe] =	wrdreg s26;
	s20 =	sadd.s32 $0xFA00, s6;
	s21 =	sadd.s32 $0x11300, s6  }
0x18: {  	s22 =	simm.s32 $0x9;
	s23 =	simm.s32 $0x2BC0;
	s24 =	simm.s32 $0x5780  }
0x19: {  	v0 =	vimm.f32 $0.0e+00;
	s25 =	sshrl.u32 s17, $0x3;
	s26 =	simm.s32 $0x32;
	s0 =	simm.s32 $0x5  }
.LBB2_6:
0x1a: {  	_ =	swait.ge [sflag:s10], $0x1900  }
0x1b: {  	[sflag:s10] =	ssyncset.done $0x0  }
0x1c: {  	s12 =	stileid.u32;
	[sflag:s10] =	ssyncadd.s32 $0xFFFFE700  }
0x1d: {  	s12 =	sshll.u32 s12, $0x6;
	[bflag:$0x0] =	sbarrier.arrive $0xFFFF  }
0x1e: {  	s12 =	sor.u32 $0x1C09, s12;
	s13 =	rddreg [dreg:$0x6]  }
0x1f: {  	[hbm:s13], [sflag:s12] =	dma.local [spmem:s25], $0x2710  }
0x20: {  	_ =	swait.ge [sflag:s22], $0x2710  }
0x21: {  	s11 =	sadd.s32 $0x1, s11;
	s17 =	rddreg [dreg:$0x7]  }
0x22: {  	p0 =	sne.s32 s11, s17  }
.Ltmp1:
0x23: {  	_ = 	snop;
	(pc) =	sbr.rel @!p0 .LBB2_7-.Ltmp1, $3  }
0x24: {  	_ =	sdelay $0x1  }
0x25: {  	[sflag:s22] =	ssyncset.done $0x0  }
0x26: {  	[sflag:s22] =	ssyncadd.s32 $0xFFFFD8F0  }
.LBB2_1:
0x27: {  	s12 =	rddreg [dreg:$0x3]  }
0x28: {  	[tilespmem:s3], [sflag:$0x9] =	stream.linear.gather [hbm4b:s12+s3], $0x2BC0, $0x38;
	[tilespmem:$0x1F400] =	vst v63  }
0x29: {  	_ =	swait.ge [sflag:s22], $0x2BC0  }
0x2a: {  	[sflag:s22] =	ssyncset.done $0x0  }
0x2b: {  	s16 =	rddreg [dreg:$0x4];
	[sflag:s22] =	ssyncadd.s32 $0xFFFFD440  }
0x2c: {  	[tilespmem:s23], [sflag:$0x9] =	stream.linear.gather [hbm4b:s16+s3], $0x2BC0, $0x38;
	[tilespmem:$0x1F400] =	vst v63  }
0x2d: {  	s17 =	sand.u32 $0x7E00, s3;
	s13 =	sand.u32 $0x70, s3;
	_ =	swait.ge [sflag:s22], $0x2BC0  }
0x2e: {  	s14 =	sshrl.u32 s17, $0x2;
	s12 =	simm.s32 $0x40;
	[sflag:s22] =	ssyncset.done $0x0  }
0x2f: {  	s14 =	sor.u32 s13, s14;
	s13 =	simm.s32 $0x0;
	[sflag:s22] =	ssyncadd.s32 $0xFFFFD440  }
.LBB2_2:
0x30: {  	p0 =	sne.s32 s12, $0x63C0  }
0x31: {  	[tilespmem:s14+$0x5780] =	vst v0;
	s13 =	sadd.s32 $0x10, s13;
	s14 =	smov.u32 s12;
	s12 =	sadd.s32 $0x40, s12  }
.Ltmp2:
0x32: {  	(pc) =	sbr.rel @p0 .LBB2_2-.Ltmp2, $4  }
0x33: {  	_ = 	snop  }
0x34: {  	s14 =	sand.u32 $0x7E00, s14  }
0x35: {  	s15 =	sand.u32 $0x70, s13;
	s14 =	sshrl.u32 s14, $0x2  }
0x36: {  	s14 =	sor.u32 s15, s14  }
0x37: {  	[tilespmem:s14+$0x5780] =	vst v0  }
0x38: {  	[spmem:s6] =	stream.linear.scatter [tilespmem:s24], [sflag:$0x9], $0x1900, $0x38;
	[tilespmem:$0x1F400] =	vst v63  }
0x39: {  	_ =	swait.ge [sflag:s22], $0x1900  }
0x3a: {  	[sflag:s22] =	ssyncset.done $0x0  }
0x3b: {  	s12 =	rddreg [dreg:$0x8];
	[sflag:s22] =	ssyncadd.s32 $0xFFFFE700  }
0x3c: {  	[spmem:s12] =	stream.linear.scatter [tilespmem:s24], [sflag:$0x9], $0x1900, $0x38;
	[tilespmem:$0x1F400] =	vst v63  }
0x3d: {  	_ =	swait.ge [sflag:s22], $0x1900  }
0x3e: {  	[sflag:s22] =	ssyncset.done $0x0  }
0x3f: {  	s17 =	rddreg [dreg:$0x9];
	[sflag:s22] =	ssyncadd.s32 $0xFFFFE700  }
0x40: {  	[spmem:s17] =	stream.linear.scatter [tilespmem:s24], [sflag:$0x9], $0x1900, $0x38;
	[tilespmem:$0x1F400] =	vst v63  }
0x41: {  	_ =	swait.ge [sflag:s22], $0x1900  }
0x42: {  	[sflag:s22] =	ssyncset.done $0x0  }
0x43: {  	s13 =	rddreg [dreg:$0xa];
	[sflag:s22] =	ssyncadd.s32 $0xFFFFE700  }
0x44: {  	[spmem:s13] =	stream.linear.scatter [tilespmem:s24], [sflag:$0x9], $0x1900, $0x38;
	[tilespmem:$0x1F400] =	vst v63  }
0x45: {  	_ =	swait.ge [sflag:s22], $0x1900  }
0x46: {  	[sflag:s22] =	ssyncset.done $0x0  }
0x47: {  	s14 =	rddreg [dreg:$0xb];
	[sflag:s22] =	ssyncadd.s32 $0xFFFFE700  }
0x48: {  	[spmem:s14] =	stream.linear.scatter [tilespmem:s24], [sflag:$0x9], $0x1900, $0x38;
	[tilespmem:$0x1F400] =	vst v63  }
0x49: {  	_ =	swait.ge [sflag:s22], $0x1900  }
0x4a: {  	[sflag:s22] =	ssyncset.done $0x0  }
0x4b: {  	s15 =	rddreg [dreg:$0xc];
	[sflag:s22] =	ssyncadd.s32 $0xFFFFE700  }
0x4c: {  	[spmem:s15] =	stream.linear.scatter [tilespmem:s24], [sflag:$0x9], $0x1900, $0x38;
	[tilespmem:$0x1F400] =	vst v63  }
0x4d: {  	_ =	swait.ge [sflag:s22], $0x1900  }
0x4e: {  	[sflag:s22] =	ssyncset.done $0x0  }
0x4f: {  	s16 =	rddreg [dreg:$0xd];
	[sflag:s22] =	ssyncadd.s32 $0xFFFFE700  }
0x50: {  	[spmem:s16] =	stream.linear.scatter [tilespmem:s24], [sflag:$0x9], $0x1900, $0x38;
	[tilespmem:$0x1F400] =	vst v63  }
0x51: {  	_ =	swait.ge [sflag:s22], $0x1900  }
0x52: {  	[sflag:s22] =	ssyncset.done $0x0  }
0x53: {  	s17 =	rddreg [dreg:$0xe];
	[sflag:s22] =	ssyncadd.s32 $0xFFFFE700  }
0x54: {  	[spmem:s17] =	stream.linear.scatter [tilespmem:s24], [sflag:$0x9], $0x1900, $0x38;
	[tilespmem:$0x1F400] =	vst v63  }
0x55: {  	_ =	swait.ge [sflag:s22], $0x1900  }
0x56: {  	[sflag:s22] =	ssyncset.done $0x0  }
0x57: {  	[sflag:s22] =	ssyncadd.s32 $0xFFFFE700  }
0x58: {  	[spmem:s18] =	stream.linear.scatter [tilespmem:s24], [sflag:$0x9], $0x1900, $0x38;
	[tilespmem:$0x1F400] =	vst v63  }
0x59: {  	_ =	swait.ge [sflag:s22], $0x1900  }
0x5a: {  	[sflag:s22] =	ssyncset.done $0x0  }
0x5b: {  	[sflag:s22] =	ssyncadd.s32 $0xFFFFE700  }
0x5c: {  	[spmem:s19] =	stream.linear.scatter [tilespmem:s24], [sflag:$0x9], $0x1900, $0x38;
	[tilespmem:$0x1F400] =	vst v63  }
0x5d: {  	_ =	swait.ge [sflag:s22], $0x1900  }
0x5e: {  	[sflag:s22] =	ssyncset.done $0x0  }
0x5f: {  	[sflag:s22] =	ssyncadd.s32 $0xFFFFE700  }
0x60: {  	[spmem:s20] =	stream.linear.scatter [tilespmem:s24], [sflag:$0x9], $0x1900, $0x38;
	[tilespmem:$0x1F400] =	vst v63  }
0x61: {  	_ =	swait.ge [sflag:s22], $0x1900  }
0x62: {  	[sflag:s22] =	ssyncset.done $0x0  }
0x63: {  	[sflag:s22] =	ssyncadd.s32 $0xFFFFE700  }
0x64: {  	[spmem:s21] =	stream.linear.scatter [tilespmem:s24], [sflag:$0x9], $0x1900, $0x38;
	[tilespmem:$0x1F400] =	vst v63  }
0x65: {  	_ =	swait.ge [sflag:s22], $0x1900  }
0x66: {  	[sflag:s22] =	ssyncset.done $0x0  }
0x67: {  	s13 =	rddreg [dreg:$0x5];
	[sflag:s22] =	ssyncadd.s32 $0xFFFFE700  }
0x68: {  	[spmem:s13] =	stream.linear.scatter [tilespmem:s24], [sflag:$0x9], $0xC80, $0x38;
	[tilespmem:$0x1F400] =	vst v63  }
0x69: {  	_ =	swait.ge [sflag:s22], $0xC80  }
0x6a: {  	[sflag:s22] =	ssyncset.done $0x0  }
0x6b: {  	[sflag:s22] =	ssyncadd.s32 $0xFFFFF380  }
0x6c: {  	s12 =	simm.s32 $0x0;
	[bflag:$0x0] =	sbarrier.arrive $0xFFFF  }
0x6d: {  	[tilespmem:s24], [sflag:$0x1] =	stream.indirect.gather [hbm4b:s4+s26], $0x80, s12, s26, $0xb8;
	[tilespmem:$0x1F400] =	vst v63  }
0x6e: {  	s13 =	simm.s32 $0x38  }
0x6f: {  	[tilespmem:s29], [sflag:$0x2] =	stream.indirect.gather [hbm4b:s4+s26], $0x80, s13, s26, $0xb8;
	[tilespmem:$0x1F400] =	vst v63  }
0x70: {  	s14 =	simm.s32 $0x70  }
0x71: {  	[tilespmem:s31], [sflag:$0x3] =	stream.indirect.gather [hbm4b:s4+s26], $0x80, s14, s26, $0xb8;
	[tilespmem:$0x1F400] =	vst v63  }
0x72: {  	s15 =	simm.s32 $0xA8  }
0x73: {  	[tilespmem:s2], [sflag:$0x4] =	stream.indirect.gather [hbm4b:s4+s26], $0x80, s15, s26, $0xb8;
	[tilespmem:$0x1F400] =	vst v63  }
0x74: {  	_ =	swait.ge [sflag:s28], $0x1900  }
0x75: {  	[sflag:s28] =	ssyncset.done $0x0  }
0x76: {  	[sflag:s28] =	ssyncadd.s32 $0xFFFFE700  }
0x77: {  	[spmem:s1] =	stream.indirect.scatter.add.f32 [tilespmem:s24], [sflag:$0x5], $0x80, s23, s26, $0xb8;
	[tilespmem:$0x1F400] =	vst v63  }
0x78: {  	_ =	swait.ge [sflag:s30], $0x1900  }
0x79: {  	[sflag:s30] =	ssyncset.done $0x0  }
0x7a: {  	s16 =	simm.s32 $0x2BF8;
	[sflag:s30] =	ssyncadd.s32 $0xFFFFE700  }
0x7b: {  	[spmem:s1] =	stream.indirect.scatter.add.f32 [tilespmem:s29], [sflag:$0x6], $0x80, s16, s26, $0xb8;
	[tilespmem:$0x1F400] =	vst v63  }
0x7c: {  	_ =	swait.ge [sflag:s0], $0x1900  }
0x7d: {  	[sflag:s0] =	ssyncset.done $0x0  }
0x7e: {  	s17 =	simm.s32 $0xE0;
	[sflag:s0] =	ssyncadd.s32 $0xFFFFE700  }
0x7f: {  	[tilespmem:s24], [sflag:$0x1] =	stream.indirect.gather [hbm4b:s4+s26], $0x80, s17, s26, $0xb8;
	[tilespmem:$0x1F400] =	vst v63  }
0x80: {  	_ =	swait.ge [sflag:s5], $0x1900  }
0x81: {  	[sflag:s5] =	ssyncset.done $0x0  }
0x82: {  	s14 =	simm.s32 $0x2C30;
	[sflag:s5] =	ssyncadd.s32 $0xFFFFE700  }
0x83: {  	[spmem:s1] =	stream.indirect.scatter.add.f32 [tilespmem:s31], [sflag:$0x7], $0x80, s14, s26, $0xb8;
	[tilespmem:$0x1F400] =	vst v63  }
0x84: {  	_ =	swait.ge [sflag:s7], $0x1900  }
0x85: {  	[sflag:s7] =	ssyncset.done $0x0  }
0x86: {  	s15 =	simm.s32 $0x118;
	[sflag:s7] =	ssyncadd.s32 $0xFFFFE700  }
0x87: {  	[tilespmem:s29], [sflag:$0x2] =	stream.indirect.gather [hbm4b:s4+s26], $0x80, s15, s26, $0xb8;
	[tilespmem:$0x1F400] =	vst v63  }
0x88: {  	_ =	swait.ge [sflag:s8], $0x1900  }
0x89: {  	[sflag:s8] =	ssyncset.done $0x0  }
0x8a: {  	s16 =	simm.s32 $0x2C68;
	[sflag:s8] =	ssyncadd.s32 $0xFFFFE700  }
0x8b: {  	[spmem:s1] =	stream.indirect.scatter.add.f32 [tilespmem:s2], [sflag:$0x8], $0x80, s16, s26, $0xb8;
	[tilespmem:$0x1F400] =	vst v63  }
0x8c: {  	_ =	swait.ge [sflag:s9], $0x1900  }
0x8d: {  	[sflag:s9] =	ssyncset.done $0x0  }
0x8e: {  	s17 =	simm.s32 $0x150;
	[sflag:s9] =	ssyncadd.s32 $0xFFFFE700  }
0x8f: {  	[tilespmem:s31], [sflag:$0x3] =	stream.indirect.gather [hbm4b:s4+s26], $0x80, s17, s26, $0xb8;
	[tilespmem:$0x1F400] =	vst v63  }
.LBB2_4:
0x90: {  	_ =	swait.ge [sflag:s28], $0x1900  }
0x91: {  	s13 =	sshra.s32 s12, $0x2;
	[sflag:s28] =	ssyncset.done $0x0  }
0x92: {  	s14 =	sadd.s32 $0x2CA0, s13;
	[sflag:s28] =	ssyncadd.s32 $0xFFFFE700  }
0x93: {  	[spmem:s1] =	stream.indirect.scatter.add.f32 [tilespmem:s24], [sflag:$0x5], $0x80, s14, s26, $0xb8;
	[tilespmem:$0x1F400] =	vst v63  }
0x94: {  	_ =	swait.ge [sflag:s10], $0x1900  }
0x95: {  	[sflag:s10] =	ssyncset.done $0x0  }
0x96: {  	s15 =	sadd.s32 $0x188, s13;
	[sflag:s10] =	ssyncadd.s32 $0xFFFFE700  }
0x97: {  	[tilespmem:s2], [sflag:$0x4] =	stream.indirect.gather [hbm4b:s4+s26], $0x80, s15, s26, $0xb8;
	[tilespmem:$0x1F400] =	vst v63  }
0x98: {  	_ =	swait.ge [sflag:s30], $0x1900  }
0x99: {  	[sflag:s30] =	ssyncset.done $0x0  }
0x9a: {  	s16 =	sadd.s32 $0x2CD8, s13;
	[sflag:s30] =	ssyncadd.s32 $0xFFFFE700  }
0x9b: {  	[spmem:s1] =	stream.indirect.scatter.add.f32 [tilespmem:s29], [sflag:$0x6], $0x80, s16, s26, $0xb8;
	[tilespmem:$0x1F400] =	vst v63  }
0x9c: {  	_ =	swait.ge [sflag:s0], $0x1900  }
0x9d: {  	p0 =	seq.s32 s12, $0xA800;
	[sflag:s0] =	ssyncset.done $0x0  }
0x9e: {  	s14 =	simm.s32 @p0 $0x3;
	[sflag:s0] =	ssyncadd.s32 $0xFFFFE700  }
0x9f: {  	_ =	swait.ge @p0 [sflag:s14], $0x1900  }
0xa0: {  	[sflag:s14] =	ssyncset.done @p0 $0x0  }
0xa1: {  	[sflag:s14] =	ssyncadd.s32 @p0 $0xFFFFE700;
	s14 =	sshra.s32 @p0 s12, $0x2  }
0xa2: {  	s15 =	simm.s32 @p0 $0x32;
	s16 =	simm.s32 @p0 $0x8980;
	s14 =	sadd.s32 @p0 $0x2D10, s14  }
0xa3: {  	[spmem:s1] =	stream.indirect.scatter.add.f32 @p0 [tilespmem:s16], [sflag:$0x7], $0x80, s14, s15, $0xb8;
	[tilespmem:$0x1F400] =	vst v63  }
0xa4: {  	s14 =	simm.s32 @p0 $0x6  }
0xa5: {  	_ =	swait.ge @p0 [sflag:s14], $0x1900  }
0xa6: {  	[sflag:s14] =	ssyncset.done @p0 $0x0  }
0xa7: {  	[sflag:s14] =	ssyncadd.s32 @p0 $0xFFFFE700;
	s14 =	sshra.s32 @!p0 s12, $0x2  }
0xa8: {  	s17 =	simm.s32 @!p0 $0x5780;
	s16 =	simm.s32 @!p0 $0x32;
	s15 =	sadd.s32 @!p0 $0x1C0, s14  }
0xa9: {  	[tilespmem:s17], [sflag:$0x1] =	stream.indirect.gather @!p0 [hbm4b:s4+s16], $0x80, s15, s16, $0xb8;
	[tilespmem:$0x1F400] =	vst v63  }
0xaa: {  	s15 =	simm.s32 @!p0 $0x3  }
0xab: {  	_ =	swait.ge @!p0 [sflag:s15], $0x1900  }
0xac: {  	[sflag:s15] =	ssyncset.done @!p0 $0x0  }
0xad: {  	s17 =	simm.s32 @!p0 $0x8980;
	[sflag:s15] =	ssyncadd.s32 @!p0 $0xFFFFE700;
	s15 =	sadd.s32 @!p0 $0x2D10, s14  }
0xae: {  	[spmem:s1] =	stream.indirect.scatter.add.f32 @!p0 [tilespmem:s17], [sflag:$0x7], $0x80, s15, s16, $0xb8;
	[tilespmem:$0x1F400] =	vst v63  }
0xaf: {  	s15 =	simm.s32 @!p0 $0x6  }
0xb0: {  	_ =	swait.ge @!p0 [sflag:s15], $0x1900  }
0xb1: {  	[sflag:s15] =	ssyncset.done @!p0 $0x0  }
0xb2: {  	s14 =	sadd.s32 @!p0 $0x1F8, s14;
	[sflag:s15] =	ssyncadd.s32 @!p0 $0xFFFFE700;
	s15 =	simm.s32 @!p0 $0x7080  }
0xb3: {  	[tilespmem:s15], [sflag:$0x2] =	stream.indirect.gather @!p0 [hbm4b:s4+s16], $0x80, s14, s16, $0xb8;
	[tilespmem:$0x1F400] =	vst v63  }
0xb4: {  	_ =	swait.ge [sflag:s8], $0x1900  }
0xb5: {  	[sflag:s8] =	ssyncset.done $0x0  }
.Ltmp3:
0xb6: {  	s17 =	sadd.s32 $0x2D48, s13;
	[sflag:s8] =	ssyncadd.s32 $0xFFFFE700;
	(pc) =	sbr.rel @p0 .LBB2_6-.Ltmp3, $4  }
0xb7: {  	[spmem:s1] =	stream.indirect.scatter.add.f32 [tilespmem:s2], [sflag:$0x8], $0x80, s17, s26, $0xb8;
	[tilespmem:$0x1F400] =	vst v63  }
0xb8: {  	_ =	swait.ge [sflag:s9], $0x1900  }
0xb9: {  	[sflag:s9] =	ssyncset.done $0x0  }
0xba: {  	[sflag:s9] =	ssyncadd.s32 $0xFFFFE700  }
.Ltmp4:
0xbb: {  	(pc) =	sbr.rel .LBB2_4-.Ltmp4, $3  }
0xbc: {  	_ =	sdelay $0x1  }
0xbd: {  	s13 =	sadd.s32 $0x230, s13;
	s12 =	sadd.s32 $0x380, s12  }
0xbe: {  	[tilespmem:s31], [sflag:$0x3] =	stream.indirect.gather [hbm4b:s4+s26], $0x80, s13, s26, $0xb8;
	[tilespmem:$0x1F400] =	vst v63  }
.LBB2_7:
0xbf: {  	_ =	sfence.sel $0x180000  }
0xc0: {  	[bflag:$0x0] =	sbarrier.arrive $0xFFFF  }
0xc1: {  	_ =	strace $0x9000004A  }
0xc2: {  	s0 =	stileid.u32;
	[bflag:$0x2] =	sbarrier.arrive $0xFFFF  }
0xc3: {  	p0 =	sne.s32 s0, $0x0;
	s0 =	rddreg [dreg:$0x2]  }
0xc4: {  	s0 =	sadd.s32 @!p0 $0x100000, s0  }
0xc5: {  	[sflag:s0] =	ssyncadd.tile.s32 @!p0 $0x1;
	_ =	shalt  }
.Lfunc_end2:
_tile_overlayer_lowered:
.L_overlay_start_2:
0xc6: {  	(tag) =	ssettag $0x2  }
0xc7: {  	s0 =	rddreg [dreg:$0x0];
	s2 =	stileid.u32  }
0xc8: {  	s1 =	rddreg [dreg:$0x1];
	p0 =	sne.s32 s2, $0x0  }
0xc9: {  	s3 =	rddreg [dreg:$0x2];
	[bflag:$0x3] =	sbarrier.arrive $0xFFFF;
	s2 =	simm.s32 @!p0 $0x1C09  }
0xca: {  	[timem:s3], [sflag:s2] =	dma.local @!p0 [hbm:s0], s1  }
0xcb: {  	s0 =	simm.s32 @!p0 $0x9  }
0xcc: {  	_ =	swait.ge @!p0 [sflag:s0], s1  }
0xcd: {  	s1 =	ssub.s32 @!p0 $0x0, s1;
	[sflag:s0] =	ssyncset.done @!p0 $0x0  }
0xce: {  	[sflag:s0] =	ssyncadd.s32 @!p0 s1  }
0xcf: {  	[bflag:$0x3] =	sbarrier.arrive $0xFFFF  }
0xd0: {  	_ =	shalt  }

// kernel: kernel.14.cloned.1.call-start
scs
__scs_entry_jumppad:
0x0: {  	(pc) =	sbr.rel $0x88, $3  }
0x1: {  	(tag) =	ssettag $0x0;
	lr =	simm.s32 $0x1  }
0x2: {  	[smem:$0x3F9B] =	sst lr;
	_ =	strace $0xD0000000  }
0x3: {  	_ = 	snop  }
0x4: {  	_ = 	snop  }
0x5: {  	_ = 	snop  }
0x6: {  	_ = 	snop  }
0x7: {  	_ = 	snop  }
__scs_overlays_trampoline_lowered:
0x8: {  	[smem:$0x3FAA] =	sst s0  }
0x9: {  	[smem:$0x3FAB] =	sst s1  }
0xa: {  	[smem:$0x3FAC] =	sst s2  }
0xb: {  	[smem:$0x3FAD] =	sst s3  }
0xc: {  	[smem:$0x3FAE] =	sst s4  }
0xd: {  	[smem:$0x3FAF] =	sst s5  }
0xe: {  	[smem:$0x3FB0] =	sst s6  }
0xf: {  	[smem:$0x3FB1] =	sst s7  }
0x10: {  	[smem:$0x3FB2] =	sst s8  }
0x11: {  	[smem:$0x3FB3] =	sst s9;
	s0 =	simm.s32 @!p0 $0x0  }
0x12: {  	s1 =	sld [smem:$0x3F99];
	s0 =	simm.s32 @p0 $0x1  }
0x13: {  	[smem:$0x3FB4] =	sst s0;
	s0 =	simm.s32 @!p1 $0x0  }
0x14: {  	s2 =	sld [smem:$0x3F98];
	s0 =	simm.s32 @p1 $0x1  }
0x15: {  	[smem:$0x3FB5] =	sst s0;
	s0 =	simm.s32 @!p2 $0x0  }
0x16: {  	s3 =	sld [smem:$0x3FDB];
	s0 =	simm.s32 @p2 $0x1  }
0x17: {  	s4 =	simm.s32 $0x1BF5;
	[smem:$0x3FB7] =	sst s0  }
0x18: {  	s0 =	sld [smem:$0x3F9A];
	_ =	swait.ge [sflag:s4], $0x0  }
0x19: {  	s7 =	sld [smem:$0x3F9B]  }
0x1a: {  	s8 =	sadd.s32 $0xFFFFE003, lr  }
0x1b: {  	s9 =	sadd.s32 $0xFFFFFEF7, lr;
	s5 =	simm.s32 $0xFFFFFFFF;
	p2 =	slt.u32 s8, $0xFFFFF086  }
0x1c: {  	p1 =	slt.u32 s9, $0xF7A;
	s5 =	simm.s32 @!p2 $0x0  }
0x1d: {  	s5 =	simm.s32 @p1 $0x1;
	p0 =	seq.s32 s7, s2  }
0x1e: {  	s7 =	smul.u32 @!p0 $0xF7A, s2;
	p2 =	seq.s32 @!p0 s5, $0x0  }
0x1f: {  	s9 =	smul.u32 $0xF7A, s1;
	s8 =	simm.s32 @!p0 $0x1BF5;
	p2 =	por !p2, p0  }
0x20: {  	[sflag:s8] =	ssyncset.s32 @!p0 $0xFFFFF086;
	s6 =	sadd.s32 @!p0 s3, s7;
	s7 =	simm.s32 @!p0 $0x108  }
0x21: {  	s3 =	sadd.s32 s3, s9;
	s6 =	sadd.s32 @!p0 $0x88, s6;
	s7 =	simm.s32 @p2 $0x1082  }
0x22: {  	[simem:s7], [sflag:s8] =	dma.local @!p0 [hbm:s6], $0xF7A  }
0x23: {  	s9 =	sor.u32 $0xD0000000, s2;
	s6 =	simm.s32 $0x108;
	_ =	swait.ge @!p0 [sflag:s8], $0x0  }
0x24: {  	s3 =	sadd.s32 $0x88, s3;
	s6 =	simm.s32 @!p1 $0x1082;
	[sflag:s4] =	ssyncset.s32 $0xFFFFF086  }
0x25: {  	[simem:s6], [sflag:s4] =	dma.local [hbm:s3], $0xF7A  }
0x26: {  	[smem:$0x3F9B] =	sst s1;
	(tag) =	ssettag s2;
	_ =	strace s9  }
0x27: {  	s1 =	sld [smem:$0x3FAB]  }
0x28: {  	s2 =	sld [smem:$0x3FAC]  }
0x29: {  	s4 =	sld [smem:$0x3FAE]  }
0x2a: {  	p0 =	seq.s32 s5, $0x0;
	s5 =	sld [smem:$0x3FAF]  }
0x2b: {  	s6 =	sld [smem:$0x3FB0]  }
0x2c: {  	s7 =	sld [smem:$0x3FB1]  }
0x2d: {  	s3 =	simm.s32 $0x108;
	s8 =	sld [smem:$0x3FB2]  }
0x2e: {  	s3 =	simm.s32 @!p0 $0x1082;
	s9 =	sld [smem:$0x3FB3]  }
0x2f: {  	lr =	sadd.s32 s0, s3;
	s0 =	sld [smem:$0x3FAA]  }
0x30: {  	s3 =	sld [smem:$0x3FAD]  }
0x31: {  	[smem:$0x3FB6] =	sst s10  }
0x32: {  	s10 =	sld [smem:$0x3FB4];
	_ =	sdelay $0x3  }
0x33: {  	p0 =	seq.s32 s10, $0x1;
	s10 =	sld [smem:$0x3FB6];
	_ =	sdelay $0x3  }
0x34: {  	[smem:$0x3FB6] =	sst s10  }
0x35: {  	s10 =	sld [smem:$0x3FB5];
	_ =	sdelay $0x3  }
0x36: {  	p1 =	seq.s32 s10, $0x1;
	s10 =	sld [smem:$0x3FB6];
	_ =	sdelay $0x3  }
0x37: {  	[smem:$0x3FB6] =	sst s10  }
0x38: {  	s10 =	sld [smem:$0x3FB7]  }
0x39: {  	_ = 	snop;
	(pc) =	sbr.ind lr, $3  }
0x3a: {  	_ = 	snop  }
0x3b: {  	_ = 	snop  }
0x3c: {  	p2 =	seq.s32 s10, $0x1;
	s10 =	sld [smem:$0x3FB6]  }
0x3d: {  	_ =	shalt  }
0x3e: {  	_ =	shalt  }
0x3f: {  	_ =	shalt  }
0x40: {  	_ =	shalt  }
0x41: {  	_ =	shalt  }
0x42: {  	_ =	shalt  }
0x43: {  	_ =	shalt  }
0x44: {  	_ =	shalt  }
0x45: {  	_ =	shalt  }
0x46: {  	_ =	shalt  }
0x47: {  	_ =	shalt  }
0x48: {  	_ =	shalt  }
0x49: {  	_ =	shalt  }
0x4a: {  	_ =	shalt  }
0x4b: {  	_ =	shalt  }
0x4c: {  	_ =	shalt  }
0x4d: {  	_ =	shalt  }
0x4e: {  	_ =	shalt  }
0x4f: {  	_ =	shalt  }
0x50: {  	_ =	shalt  }
0x51: {  	_ =	shalt  }
0x52: {  	_ =	shalt  }
0x53: {  	_ =	shalt  }
0x54: {  	_ =	shalt  }
0x55: {  	_ =	shalt  }
0x56: {  	_ =	shalt  }
0x57: {  	_ =	shalt  }
0x58: {  	_ =	shalt  }
0x59: {  	_ =	shalt  }
0x5a: {  	_ =	shalt  }
0x5b: {  	_ =	shalt  }
0x5c: {  	_ =	shalt  }
0x5d: {  	_ =	shalt  }
0x5e: {  	_ =	shalt  }
0x5f: {  	_ =	shalt  }
0x60: {  	_ =	shalt  }
0x61: {  	_ =	shalt  }
0x62: {  	_ =	shalt  }
0x63: {  	_ =	shalt  }
0x64: {  	_ =	shalt  }
0x65: {  	_ =	shalt  }
0x66: {  	_ =	shalt  }
0x67: {  	_ =	shalt  }
0x68: {  	_ =	shalt  }
0x69: {  	_ =	shalt  }
0x6a: {  	_ =	shalt  }
0x6b: {  	_ =	shalt  }
0x6c: {  	_ =	shalt  }
0x6d: {  	_ =	shalt  }
0x6e: {  	_ =	shalt  }
0x6f: {  	_ =	shalt  }
0x70: {  	_ =	shalt  }
0x71: {  	_ =	shalt  }
0x72: {  	_ =	shalt  }
0x73: {  	_ =	shalt  }
0x74: {  	_ =	shalt  }
0x75: {  	_ =	shalt  }
0x76: {  	_ =	shalt  }
0x77: {  	_ =	shalt  }
0x78: {  	_ =	shalt  }
0x79: {  	_ =	shalt  }
0x7a: {  	_ =	shalt  }
0x7b: {  	_ =	shalt  }
0x7c: {  	_ =	shalt  }
0x7d: {  	_ =	shalt  }
0x7e: {  	_ =	shalt  }
0x7f: {  	_ =	shalt  }
0x80: {  	_ =	shalt  }
0x81: {  	_ =	shalt  }
0x82: {  	_ =	shalt  }
0x83: {  	_ =	shalt  }
0x84: {  	_ =	shalt  }
0x85: {  	_ =	shalt  }
0x86: {  	_ =	shalt  }
0x87: {  	_ =	shalt  }
.Lfunc_end0:
.L_simem_size_0:
called_computation.2_lowered:
.L_overlay_start_0:
0x88: {  	s2 =	sld [smem:$0x3FD9]  }
0x89: {  	s3 =	sld [smem:$0x3FFE];
	_ =	sdelay $0x1  }
0x8a: {  	s1 =	srdreg.scid  }
0x8b: {  	s0 =	sand.u32 $0x1, s1  }
0x8c: {  	s17 =	sshll.u32 s0, $0xA;
	s2 =	sadd.s32 s3, s2  }
0x8d: {  	s2 =	sadd.s32 s2, s17  }
0x8e: {  	[smem:$0x3FC2] =	sst s2  }
0x8f: {  	_ = 	snop  }
0x90: {  	s2 =	sld [smem:$0x3FD0];
	(tm) =	ssettm $0x1  }
0x91: {  	s18 =	sld [smem:$0x3FFB];
	_ =	sdelay $0x3  }
0x92: {  	_ =	strace s18  }
0x93: {  	s3 =	sld [smem:$0x3FFC];
	_ =	sdelay $0x3  }
0x94: {  	_ =	strace s3  }
0x95: {  	s3 =	sld [smem:$0x3FFD];
	_ =	sdelay $0x3  }
0x96: {  	_ =	strace s3  }
0x97: {  	_ =	strace $0x8FFFFFFF  }
0x98: {  	s19 =	sld [smem:$0x3FDB];
	_ =	sdelay $0x1  }
0x99: {  	s4 =	simm.s32 $_scs_section_size  }
0x9a: {  	s5 =	simm.s32 $_size__tile_overlayer_lowered;
	s6 =	simm.s32 $_tile_overlayer_lowered  }
0x9b: {  	s22 =	simm.s32 $0x1BFF;
	s21 =	sshll.u32 s6, $0x1;
	s3 =	sadd.s32 s4, s19  }
0x9c: {  	s7 =	simm.s32 $0x0;
	s20 =	sshll.u32 s5, $0x1;
	s5 =	sadd.s32 s21, s3  }
0x9d: {  	[timem:s7], [sflag:s22] =	dma.local [hbm:s5], s20  }
0x9e: {  	_ =	swait.ge [sflag:s22], s20  }
0x9f: {  	s4 =	ssub.s32 $0x0, s20;
	[sflag:s22] =	ssyncset.done $0x0  }
0xa0: {  	[sflag:s22] =	ssyncadd.s32 s4;
	_ =	sdelay $0x1  }
0xa1: {  	s23 =	simm.s32 $0x1B8B  }
0xa2: {  	_ =	swait.ge [sflag:s23], $0x1  }
0xa3: {  	[sflag:s23] =	ssyncset.done $0x0  }
0xa4: {  	s25 =	simm.s32 $0x1B8E;
	s24 =	sld [smem:$0x3FFE];
	[sflag:s23] =	ssyncadd.s32 $0xFFFFFFFF  }
0xa5: {  	s26 =	simm.s32 $execute0_lowered;
	[smem:$0x3FD2] =	sst s25  }
0xa6: {  	s5 =	sshll.u32 s26, $0x1;
	_ =	strace $0x8000004C;
	[dreg:$0x1] =	wrdreg $0xFFFFFFFF  }
0xa7: {  	s28 =	simm.s32 $_size_execute0_lowered;
	s3 =	sadd.s32 s3, s5;
	[dreg:$0x0] =	wrdreg $0x0  }
0xa8: {  	s5 =	sshll.u32 s28, $0x1;
	[dreg:$0x2] =	wrdreg s3  }
0xa9: {  	[dreg:$0x3] =	wrdreg s5  }
0xaa: {  	[dreg:$0x4] =	wrdreg $0xC0  }
0xab: {  	_ =	task [dreg:s7], $0x5FFFF  }
0xac: {  	[dreg:$0x1] =	wrdreg $0xFFFFFFFF  }
0xad: {  	[dreg:$0x0] =	wrdreg $0x60  }
0xae: {  	[dreg:$0x2] =	wrdreg s2  }
0xaf: {  	[dreg:$0x3] =	wrdreg s24  }
0xb0: {  	[dreg:$0x4] =	wrdreg $0xBB800  }
0xb1: {  	[dreg:$0x5] =	wrdreg $0x9  }
0xb2: {  	_ =	task.clear_ibuf [dreg:s7], $0x6FFFF;
	_ =	strace $0x9000004C  }
0xb3: {  	s29 =	simm.s32 $0x9;
	_ =	strace $0x8000004E  }
0xb4: {  	_ =	swait.ge [sflag:s29], $0x1  }
0xb5: {  	[sflag:s29] =	ssyncadd.s32 $0xFFFFFFFF  }
0xb6: {  	_ =	strace $0x9000004E  }
0xb7: {  	_ =	sfence  }
0xb8: {  	s30 =	sld [smem:$0x0];
	_ =	sdelay $0x2  }
0xb9: {  	s31 =	sshll.u32 s1, $0xD;
	s1 =	sshrl.u32 s1, $0x2  }
0xba: {  	s3 =	sand.u32 $0x4000, s31;
	s1 =	sadd.s32 s1, s30  }
0xbb: {  	s0 =	sor.u32 s3, s0;
	s1 =	sshll.u32 s1, $0x11  }
0xbc: {  	s0 =	sor.u32 s1, s0  }
0xbd: {  	s0 =	sadd.s32 $0x8F2B, s0  }
0xbe: {  	[sflag:s0] =	ssyncadd.remote.s32 $0x1  }
0xbf: {  	_ =	sfence.sel $0xFFFF  }
0xc0: {  	[dreg:$0x0] =	wrdreg $0xFFFFFFFF;
	(pc) =	sbr.abs _section_cstart, $3  }
0xc1: {  	[dreg:$0x1] =	wrdreg $0xFFFFFFFF  }
0xc2: {  	_ =	task.clear_ibuf [dreg:s7], $0x2FFFF;
	_ =	strace $0x9FFFFFFF  }
0xc3: {  	(tm) =	ssettm $0x7FFFFFFF  }
tec
execute0_lowered:
.L_overlay_start_1:
0x0: {  	(tag) =	ssettag $0x1  }
0x1: {  	s1 =	rddreg [dreg:$0x0]  }
0x2: {  	s0 =	rddreg [dreg:$0x1]  }
0x3: {  	s2 =	rddreg [dreg:$0x2]  }
0x4: {  	s3 =	srdreg.scid;
	s7 =	stileid.u32  }
0x5: {  	s4 =	simm.s32 $0x0;
	s3 =	sand.u32 $0x1, s3;
	s8 =	smul.u32 $0x9C40, s7  }
0x6: {  	s5 =	sshll.u32 s3, $0x4;
	s6 =	smul.u32 $0x9C400, s3;
	s3 =	ssub.s32 $0x2, s3  }
0x7: {  	s5 =	sor.u32 s7, s5;
	s7 =	smul.u32 $0x27100, s7;
	s9 =	sshrl.u32 s3, $0x1  }
0x8: {  	[smem:$0x7FF] =	sst s4;
	s5 =	smul.u32 $0x578, s5;
	s3 =	ssub.s32 s3, s9  }
0x9: {  	_ =	strace $0x8000004D;
	s12 =	sshrl.u32 s7, $0x2;
	s3 =	smax.u32 s3, $0x1  }
0xa: {  	s5 =	sadd.s32 s5, s0;
	s14 =	sadd.s32 s12, s2;
	[dreg:$0x9] =	wrdreg s3  }
0xb: {  	s6 =	sadd.s32 s8, s6;
	s13 =	sadd.s32 $0x2B000, s5;
	[dreg:$0x6] =	wrdreg s14  }
0xc: {  	s6 =	sshrl.u32 s6, $0x3;
	s5 =	sadd.s32 $0x20000, s5;
	[dreg:$0x4] =	wrdreg s13  }
0xd: {  	s0 =	sadd.s32 s6, s0;
	s6 =	sadd.s32 $0x9600, s14;
	[dreg:$0x5] =	wrdreg s5  }
0xe: {  	s29 =	simm.s32 $0x6400;
	s0 =	sadd.s32 $0x36000, s0;
	[dreg:$0x7] =	wrdreg s6  }
0xf: {  	s31 =	simm.s32 $0x9600;
	s16 =	sadd.s32 $0xC80, s14;
	[dreg:$0x8] =	wrdreg s0  }
0x10: {  	s30 =	simm.s32 $0xAF00;
	s17 =	sadd.s32 $0x1900, s14;
	[dreg:$0xa] =	wrdreg s16  }
0x11: {  	s28 =	simm.s32 $0x2;
	s18 =	sadd.s32 $0x2580, s14;
	[dreg:$0xb] =	wrdreg s17  }
0x12: {  	s10 =	simm.s32 $0xD;
	s19 =	sadd.s32 $0x3200, s14;
	[dreg:$0xc] =	wrdreg s18  }
0x13: {  	s11 =	simm.s32 $0x8;
	s20 =	sadd.s32 $0x3E80, s14;
	[dreg:$0xd] =	wrdreg s19  }
0x14: {  	s15 =	sadd.s32 s8, s2;
	s21 =	sadd.s32 $0x4B00, s14;
	[dreg:$0xe] =	wrdreg s20  }
0x15: {  	s8 =	simm.s32 $0xB;
	s22 =	sadd.s32 $0x5780, s14;
	[dreg:$0xf] =	wrdreg s21  }
0x16: {  	s9 =	simm.s32 $0x6;
	s23 =	sadd.s32 $0x6400, s14;
	[dreg:$0x10] =	wrdreg s22  }
0x17: {  	s3 =	simm.s32 $0x7D00;
	s24 =	sadd.s32 $0x7080, s14;
	[dreg:$0x11] =	wrdreg s23  }
0x18: {  	s12 =	simm.s32 $0xF;
	s25 =	sadd.s32 $0x7D00, s14;
	[dreg:$0x12] =	wrdreg s24  }
.Ltmp0:
0x19: {  	s26 =	sadd.s32 $0x8980, s14;
	[dreg:$0x13] =	wrdreg s25;
	(pc) =	sbr.rel .LBB2_1-.Ltmp0, $4  }
0x1a: {  	s14 =	simm.s32 $0x0;
	[dreg:$0x14] =	wrdreg s26;
	s22 =	simm.s32 $0x11  }
0x1b: {  	s24 =	simm.s32 $0x5780;
	s0 =	sshrl.u32 s15, $0x3;
	s26 =	simm.s32 $0x32  }
0x1c: {  	s23 =	simm.s32 $0xA280;
	s5 =	simm.s32 $0x9;
	s6 =	simm.s32 $0x4  }
0x1d: {  	v0 =	vimm.f32 $0.0e+00;
	s13 =	simm.s32 $0x10;
	[dreg:$0x15] =	wrdreg s0;
	s0 =	simm.s32 $0x1  }
.LBB2_6:
0x1e: {  	_ =	swait.ge [sflag:s13], $0xC80  }
0x1f: {  	[sflag:s13] =	ssyncset.done $0x0  }
0x20: {  	[sflag:s13] =	ssyncadd.s32 $0xFFFFF380  }
0x21: {  	s7 =	stileid.u32;
	[bflag:$0x0] =	sbarrier.arrive $0xFFFF  }
0x22: {  	s7 =	sshll.u32 s7, $0x6;
	s15 =	rddreg [dreg:$0x8]  }
0x23: {  	s7 =	sor.u32 $0x1C11, s7;
	s16 =	rddreg [dreg:$0x15]  }
0x24: {  	[hbm:s15], [sflag:s7] =	dma.local [spmem:s16], $0x1388  }
0x25: {  	_ =	swait.ge [sflag:s22], $0x1388  }
0x26: {  	s14 =	sadd.s32 $0x1, s14;
	s25 =	rddreg [dreg:$0x9]  }
0x27: {  	p0 =	sne.s32 s14, s25  }
.Ltmp1:
0x28: {  	_ = 	snop;
	(pc) =	sbr.rel @!p0 .LBB2_7-.Ltmp1, $3  }
0x29: {  	_ =	sdelay $0x1  }
0x2a: {  	[sflag:s22] =	ssyncset.done $0x0  }
0x2b: {  	[sflag:s22] =	ssyncadd.s32 $0xFFFFEC78  }
.LBB2_1:
0x2c: {  	s7 =	rddreg [dreg:$0x4]  }
0x2d: {  	[tilespmem:s4], [sflag:$0x11] =	stream.linear.gather [hbm4b:s7+s4], $0x2BC0, $0x38;
	[tilespmem:$0x157C0] =	vst v63  }
0x2e: {  	_ =	swait.ge [sflag:s22], $0x2BC0  }
0x2f: {  	s15 =	simm.s32 $0x2BC0;
	[sflag:s22] =	ssyncset.done $0x0  }
0x30: {  	s25 =	sand.u32 $0x3F00, s4;
	s21 =	rddreg [dreg:$0x5];
	[sflag:s22] =	ssyncadd.s32 $0xFFFFD440  }
0x31: {  	[tilespmem:s15], [sflag:$0x11] =	stream.linear.gather [hbm4b:s21+s4], $0x2BC0, $0x38;
	[tilespmem:$0x157C0] =	vst v63  }
0x32: {  	s16 =	sand.u32 $0x30, s4;
	s17 =	sshrl.u32 s25, $0x2;
	_ =	swait.ge [sflag:s22], $0x2BC0  }
0x33: {  	s17 =	sor.u32 s16, s17;
	[sflag:s22] =	ssyncset.done $0x0  }
0x34: {  	s16 =	simm.s32 $0x0;
	s15 =	simm.s32 $0x40;
	[sflag:s22] =	ssyncadd.s32 $0xFFFFD440  }
.LBB2_2:
0x35: {  	p0 =	sne.s32 s15, $0x31C0  }
0x36: {  	[tilespmem:s17+$0x5780] =	vst v0;
	s16 =	sadd.s32 $0x10, s16;
	s17 =	smov.u32 s15;
	s15 =	sadd.s32 $0x40, s15  }
.Ltmp2:
0x37: {  	(pc) =	sbr.rel @p0 .LBB2_2-.Ltmp2, $4  }
0x38: {  	_ = 	snop  }
0x39: {  	s17 =	sand.u32 $0x3F00, s17  }
0x3a: {  	s18 =	sand.u32 $0x30, s16;
	s17 =	sshrl.u32 s17, $0x2  }
0x3b: {  	s17 =	sor.u32 s18, s17  }
0x3c: {  	[tilespmem:s17+$0x5780] =	vst v0;
	s7 =	rddreg [dreg:$0x6]  }
0x3d: {  	[spmem:s7] =	stream.linear.scatter [tilespmem:s24], [sflag:$0x11], $0xC80, $0x38;
	[tilespmem:$0x157C0] =	vst v63  }
0x3e: {  	_ =	swait.ge [sflag:s22], $0xC80  }
0x3f: {  	[sflag:s22] =	ssyncset.done $0x0  }
0x40: {  	s17 =	rddreg [dreg:$0xa];
	[sflag:s22] =	ssyncadd.s32 $0xFFFFF380  }
0x41: {  	[spmem:s17] =	stream.linear.scatter [tilespmem:s24], [sflag:$0x11], $0xC80, $0x38;
	[tilespmem:$0x157C0] =	vst v63  }
0x42: {  	_ =	swait.ge [sflag:s22], $0xC80  }
0x43: {  	[sflag:s22] =	ssyncset.done $0x0  }
0x44: {  	s18 =	rddreg [dreg:$0xb];
	[sflag:s22] =	ssyncadd.s32 $0xFFFFF380  }
0x45: {  	[spmem:s18] =	stream.linear.scatter [tilespmem:s24], [sflag:$0x11], $0xC80, $0x38;
	[tilespmem:$0x157C0] =	vst v63  }
0x46: {  	_ =	swait.ge [sflag:s22], $0xC80  }
0x47: {  	[sflag:s22] =	ssyncset.done $0x0  }
0x48: {  	s19 =	rddreg [dreg:$0xc];
	[sflag:s22] =	ssyncadd.s32 $0xFFFFF380  }
0x49: {  	[spmem:s19] =	stream.linear.scatter [tilespmem:s24], [sflag:$0x11], $0xC80, $0x38;
	[tilespmem:$0x157C0] =	vst v63  }
0x4a: {  	_ =	swait.ge [sflag:s22], $0xC80  }
0x4b: {  	[sflag:s22] =	ssyncset.done $0x0  }
0x4c: {  	s20 =	rddreg [dreg:$0xd];
	[sflag:s22] =	ssyncadd.s32 $0xFFFFF380  }
0x4d: {  	[spmem:s20] =	stream.linear.scatter [tilespmem:s24], [sflag:$0x11], $0xC80, $0x38;
	[tilespmem:$0x157C0] =	vst v63  }
0x4e: {  	_ =	swait.ge [sflag:s22], $0xC80  }
0x4f: {  	[sflag:s22] =	ssyncset.done $0x0  }
0x50: {  	s21 =	rddreg [dreg:$0xe];
	[sflag:s22] =	ssyncadd.s32 $0xFFFFF380  }
0x51: {  	[spmem:s21] =	stream.linear.scatter [tilespmem:s24], [sflag:$0x11], $0xC80, $0x38;
	[tilespmem:$0x157C0] =	vst v63  }
0x52: {  	_ =	swait.ge [sflag:s22], $0xC80  }
0x53: {  	[sflag:s22] =	ssyncset.done $0x0  }
0x54: {  	s25 =	rddreg [dreg:$0xf];
	[sflag:s22] =	ssyncadd.s32 $0xFFFFF380  }
0x55: {  	[spmem:s25] =	stream.linear.scatter [tilespmem:s24], [sflag:$0x11], $0xC80, $0x38;
	[tilespmem:$0x157C0] =	vst v63  }
0x56: {  	_ =	swait.ge [sflag:s22], $0xC80  }
0x57: {  	[sflag:s22] =	ssyncset.done $0x0  }
0x58: {  	s15 =	rddreg [dreg:$0x10];
	[sflag:s22] =	ssyncadd.s32 $0xFFFFF380  }
0x59: {  	[spmem:s15] =	stream.linear.scatter [tilespmem:s24], [sflag:$0x11], $0xC80, $0x38;
	[tilespmem:$0x157C0] =	vst v63  }
0x5a: {  	_ =	swait.ge [sflag:s22], $0xC80  }
0x5b: {  	[sflag:s22] =	ssyncset.done $0x0  }
0x5c: {  	s16 =	rddreg [dreg:$0x11];
	[sflag:s22] =	ssyncadd.s32 $0xFFFFF380  }
0x5d: {  	[spmem:s16] =	stream.linear.scatter [tilespmem:s24], [sflag:$0x11], $0xC80, $0x38;
	[tilespmem:$0x157C0] =	vst v63  }
0x5e: {  	_ =	swait.ge [sflag:s22], $0xC80  }
0x5f: {  	[sflag:s22] =	ssyncset.done $0x0  }
0x60: {  	s17 =	rddreg [dreg:$0x12];
	[sflag:s22] =	ssyncadd.s32 $0xFFFFF380  }
0x61: {  	[spmem:s17] =	stream.linear.scatter [tilespmem:s24], [sflag:$0x11], $0xC80, $0x38;
	[tilespmem:$0x157C0] =	vst v63  }
0x62: {  	_ =	swait.ge [sflag:s22], $0xC80  }
0x63: {  	[sflag:s22] =	ssyncset.done $0x0  }
0x64: {  	s18 =	rddreg [dreg:$0x13];
	[sflag:s22] =	ssyncadd.s32 $0xFFFFF380  }
0x65: {  	[spmem:s18] =	stream.linear.scatter [tilespmem:s24], [sflag:$0x11], $0xC80, $0x38;
	[tilespmem:$0x157C0] =	vst v63  }
0x66: {  	_ =	swait.ge [sflag:s22], $0xC80  }
0x67: {  	[sflag:s22] =	ssyncset.done $0x0  }
0x68: {  	s19 =	rddreg [dreg:$0x14];
	[sflag:s22] =	ssyncadd.s32 $0xFFFFF380  }
0x69: {  	[spmem:s19] =	stream.linear.scatter [tilespmem:s24], [sflag:$0x11], $0xC80, $0x38;
	[tilespmem:$0x157C0] =	vst v63  }
0x6a: {  	_ =	swait.ge [sflag:s22], $0xC80  }
0x6b: {  	[sflag:s22] =	ssyncset.done $0x0  }
0x6c: {  	s20 =	rddreg [dreg:$0x7];
	[sflag:s22] =	ssyncadd.s32 $0xFFFFF380  }
0x6d: {  	[spmem:s20] =	stream.linear.scatter [tilespmem:s24], [sflag:$0x11], $0x640, $0x38;
	[tilespmem:$0x157C0] =	vst v63  }
0x6e: {  	_ =	swait.ge [sflag:s22], $0x640  }
0x6f: {  	[sflag:s22] =	ssyncset.done $0x0  }
0x70: {  	[sflag:s22] =	ssyncadd.s32 $0xFFFFF9C0  }
0x71: {  	s15 =	simm.s32 $0x0;
	[bflag:$0x0] =	sbarrier.arrive $0xFFFF  }
0x72: {  	[tilespmem:s24], [sflag:$0x1] =	stream.indirect.gather [hbm4b:s1+s26], $0x40, s15, s26, $0xb8;
	[tilespmem:$0x157C0] =	vst v63  }
0x73: {  	s21 =	simm.s32 $0x38  }
0x74: {  	[tilespmem:s29], [sflag:$0x2] =	stream.indirect.gather [hbm4b:s1+s26], $0x40, s21, s26, $0xb8;
	[tilespmem:$0x157C0] =	vst v63  }
0x75: {  	s25 =	simm.s32 $0x70;
	s16 =	simm.s32 $0x7080  }
0x76: {  	[tilespmem:s16], [sflag:$0x3] =	stream.indirect.gather [hbm4b:s1+s26], $0x40, s25, s26, $0xb8;
	[tilespmem:$0x157C0] =	vst v63  }
0x77: {  	s17 =	simm.s32 $0xA8  }
0x78: {  	[tilespmem:s3], [sflag:$0x4] =	stream.indirect.gather [hbm4b:s1+s26], $0x40, s17, s26, $0xb8;
	[tilespmem:$0x157C0] =	vst v63  }
0x79: {  	s18 =	simm.s32 $0xE0;
	s19 =	simm.s32 $0x8980  }
0x7a: {  	[tilespmem:s19], [sflag:$0x5] =	stream.indirect.gather [hbm4b:s1+s26], $0x40, s18, s26, $0xb8;
	[tilespmem:$0x157C0] =	vst v63  }
0x7b: {  	s20 =	simm.s32 $0x118  }
0x7c: {  	[tilespmem:s31], [sflag:$0x6] =	stream.indirect.gather [hbm4b:s1+s26], $0x40, s20, s26, $0xb8;
	[tilespmem:$0x157C0] =	vst v63  }
0x7d: {  	s21 =	simm.s32 $0x150  }
0x7e: {  	[tilespmem:s23], [sflag:$0x7] =	stream.indirect.gather [hbm4b:s1+s26], $0x40, s21, s26, $0xb8;
	[tilespmem:$0x157C0] =	vst v63  }
0x7f: {  	s25 =	simm.s32 $0x188  }
0x80: {  	[tilespmem:s30], [sflag:$0x8] =	stream.indirect.gather [hbm4b:s1+s26], $0x40, s25, s26, $0xb8;
	[tilespmem:$0x157C0] =	vst v63  }
.LBB2_4:
0x81: {  	_ =	swait.ge [sflag:s0], $0xC80  }
0x82: {  	s16 =	sshra.s32 s15, $0x2;
	[sflag:s0] =	ssyncset.done $0x0  }
0x83: {  	p0 =	seq.s32 s15, $0x0;
	s17 =	sadd.s32 $0x2BC0, s16;
	[sflag:s0] =	ssyncadd.s32 $0xFFFFF380  }
0x84: {  	[spmem:s2] =	stream.indirect.scatter.add.f32 [tilespmem:s24], [sflag:$0x9], $0x40, s17, s26, $0xb8;
	[tilespmem:$0x157C0] =	vst v63  }
0x85: {  	s17 =	simm.s32 @!p0 $0x10  }
0x86: {  	_ =	swait.ge @!p0 [sflag:s17], $0xC80  }
0x87: {  	[sflag:s17] =	ssyncset.done @!p0 $0x0  }
0x88: {  	[sflag:s17] =	ssyncadd.s32 @!p0 $0xFFFFF380;
	s17 =	sshra.s32 @!p0 s15, $0x2  }
0x89: {  	s18 =	simm.s32 @!p0 $0x32;
	s19 =	simm.s32 @!p0 $0xAF00;
	s17 =	sadd.s32 @!p0 $0x188, s17  }
0x8a: {  	[tilespmem:s19], [sflag:$0x8] =	stream.indirect.gather @!p0 [hbm4b:s1+s18], $0x40, s17, s18, $0xb8;
	[tilespmem:$0x157C0] =	vst v63  }
0x8b: {  	_ =	swait.ge [sflag:s28], $0xC80  }
0x8c: {  	[sflag:s28] =	ssyncset.done $0x0  }
0x8d: {  	s20 =	sadd.s32 $0x2BF8, s16;
	[sflag:s28] =	ssyncadd.s32 $0xFFFFF380  }
0x8e: {  	[spmem:s2] =	stream.indirect.scatter.add.f32 [tilespmem:s29], [sflag:$0xA], $0x40, s20, s26, $0xb8;
	[tilespmem:$0x157C0] =	vst v63  }
0x8f: {  	_ =	swait.ge [sflag:s5], $0xC80  }
0x90: {  	p0 =	seq.s32 s15, $0xA800;
	[sflag:s5] =	ssyncset.done $0x0  }
0x91: {  	s17 =	simm.s32 @p0 $0x3;
	[sflag:s5] =	ssyncadd.s32 $0xFFFFF380  }
0x92: {  	_ =	swait.ge @p0 [sflag:s17], $0xC80  }
0x93: {  	s19 =	sshra.s32 @p0 s15, $0x2;
	s18 =	simm.s32 @p0 $0x7080;
	[sflag:s17] =	ssyncset.done @p0 $0x0  }
0x94: {  	s20 =	simm.s32 @p0 $0x32;
	[sflag:s17] =	ssyncadd.s32 @p0 $0xFFFFF380;
	s17 =	sadd.s32 @p0 $0x2C30, s19  }
0x95: {  	[spmem:s2] =	stream.indirect.scatter.add.f32 @p0 [tilespmem:s18], [sflag:$0xB], $0x40, s17, s20, $0xb8;
	[tilespmem:$0x157C0] =	vst v63  }
0x96: {  	s17 =	simm.s32 @p0 $0xA  }
0x97: {  	_ =	swait.ge @p0 [sflag:s17], $0xC80  }
0x98: {  	[sflag:s17] =	ssyncset.done @p0 $0x0  }
0x99: {  	[sflag:s17] =	ssyncadd.s32 @p0 $0xFFFFF380;
	s17 =	sshra.s32 @!p0 s15, $0x2  }
0x9a: {  	s25 =	simm.s32 @!p0 $0x5780;
	s18 =	simm.s32 @!p0 $0x32;
	s21 =	sadd.s32 @!p0 $0x1C0, s17  }
0x9b: {  	[tilespmem:s25], [sflag:$0x1] =	stream.indirect.gather @!p0 [hbm4b:s1+s18], $0x40, s21, s18, $0xb8;
	[tilespmem:$0x157C0] =	vst v63  }
0x9c: {  	s21 =	simm.s32 @!p0 $0x3  }
0x9d: {  	_ =	swait.ge @!p0 [sflag:s21], $0xC80  }
0x9e: {  	[sflag:s21] =	ssyncset.done @!p0 $0x0  }
0x9f: {  	s25 =	simm.s32 @!p0 $0x7080;
	[sflag:s21] =	ssyncadd.s32 @!p0 $0xFFFFF380;
	s21 =	sadd.s32 @!p0 $0x2C30, s17  }
0xa0: {  	[spmem:s2] =	stream.indirect.scatter.add.f32 @!p0 [tilespmem:s25], [sflag:$0xB], $0x40, s21, s18, $0xb8;
	[tilespmem:$0x157C0] =	vst v63  }
0xa1: {  	s21 =	simm.s32 @!p0 $0xA  }
0xa2: {  	_ =	swait.ge @!p0 [sflag:s21], $0xC80  }
0xa3: {  	[sflag:s21] =	ssyncset.done @!p0 $0x0  }
0xa4: {  	s7 =	simm.s32 @!p0 $0x6400;
	[sflag:s21] =	ssyncadd.s32 @!p0 $0xFFFFF380;
	s21 =	sadd.s32 @!p0 $0x1F8, s17  }
0xa5: {  	[tilespmem:s7], [sflag:$0x2] =	stream.indirect.gather @!p0 [hbm4b:s1+s18], $0x40, s21, s18, $0xb8;
	[tilespmem:$0x157C0] =	vst v63  }
0xa6: {  	_ =	swait.ge [sflag:s6], $0xC80  }
0xa7: {  	[sflag:s6] =	ssyncset.done $0x0  }
0xa8: {  	s21 =	sadd.s32 $0x2C68, s16;
	[sflag:s6] =	ssyncadd.s32 $0xFFFFF380  }
0xa9: {  	[spmem:s2] =	stream.indirect.scatter.add.f32 [tilespmem:s3], [sflag:$0xC], $0x40, s21, s26, $0xb8;
	[tilespmem:$0x157C0] =	vst v63  }
0xaa: {  	_ =	swait.ge [sflag:s8], $0xC80  }
0xab: {  	[sflag:s8] =	ssyncset.done $0x0  }
0xac: {  	s7 =	simm.s32 @p0 $0x5;
	[sflag:s8] =	ssyncadd.s32 $0xFFFFF380  }
0xad: {  	_ =	swait.ge @p0 [sflag:s7], $0xC80  }
0xae: {  	[sflag:s7] =	ssyncset.done @p0 $0x0  }
0xaf: {  	s21 =	simm.s32 @p0 $0x8980;
	[sflag:s7] =	ssyncadd.s32 @p0 $0xFFFFF380;
	s7 =	sadd.s32 @p0 $0x2CA0, s19  }
0xb0: {  	[spmem:s2] =	stream.indirect.scatter.add.f32 @p0 [tilespmem:s21], [sflag:$0xD], $0x40, s7, s20, $0xb8;
	[tilespmem:$0x157C0] =	vst v63  }
0xb1: {  	s7 =	simm.s32 @p0 $0xC  }
0xb2: {  	_ =	swait.ge @p0 [sflag:s7], $0xC80  }
0xb3: {  	[sflag:s7] =	ssyncset.done @p0 $0x0  }
0xb4: {  	[sflag:s7] =	ssyncadd.s32 @p0 $0xFFFFF380;
	s7 =	sadd.s32 @!p0 $0x230, s17  }
0xb5: {  	[tilespmem:s25], [sflag:$0x3] =	stream.indirect.gather @!p0 [hbm4b:s1+s18], $0x40, s7, s18, $0xb8;
	[tilespmem:$0x157C0] =	vst v63  }
0xb6: {  	s7 =	simm.s32 @!p0 $0x5  }
0xb7: {  	_ =	swait.ge @!p0 [sflag:s7], $0xC80  }
0xb8: {  	[sflag:s7] =	ssyncset.done @!p0 $0x0  }
0xb9: {  	s21 =	simm.s32 @!p0 $0x8980;
	[sflag:s7] =	ssyncadd.s32 @!p0 $0xFFFFF380;
	s7 =	sadd.s32 @!p0 $0x2CA0, s17  }
0xba: {  	[spmem:s2] =	stream.indirect.scatter.add.f32 @!p0 [tilespmem:s21], [sflag:$0xD], $0x40, s7, s18, $0xb8;
	[tilespmem:$0x157C0] =	vst v63  }
0xbb: {  	s7 =	simm.s32 @!p0 $0xC  }
0xbc: {  	_ =	swait.ge @!p0 [sflag:s7], $0xC80  }
0xbd: {  	[sflag:s7] =	ssyncset.done @!p0 $0x0  }
0xbe: {  	s25 =	simm.s32 @!p0 $0x7D00;
	[sflag:s7] =	ssyncadd.s32 @!p0 $0xFFFFF380;
	s7 =	sadd.s32 @!p0 $0x268, s17  }
0xbf: {  	[tilespmem:s25], [sflag:$0x4] =	stream.indirect.gather @!p0 [hbm4b:s1+s18], $0x40, s7, s18, $0xb8;
	[tilespmem:$0x157C0] =	vst v63  }
0xc0: {  	_ =	swait.ge [sflag:s9], $0xC80  }
0xc1: {  	[sflag:s9] =	ssyncset.done $0x0  }
0xc2: {  	s25 =	sadd.s32 $0x2CD8, s16;
	[sflag:s9] =	ssyncadd.s32 $0xFFFFF380  }
0xc3: {  	[spmem:s2] =	stream.indirect.scatter.add.f32 [tilespmem:s31], [sflag:$0xE], $0x40, s25, s26, $0xb8;
	[tilespmem:$0x157C0] =	vst v63  }
0xc4: {  	_ =	swait.ge [sflag:s10], $0xC80  }
0xc5: {  	[sflag:s10] =	ssyncset.done $0x0  }
0xc6: {  	s7 =	simm.s32 @p0 $0x7;
	[sflag:s10] =	ssyncadd.s32 $0xFFFFF380  }
0xc7: {  	_ =	swait.ge @p0 [sflag:s7], $0xC80  }
0xc8: {  	[sflag:s7] =	ssyncset.done @p0 $0x0  }
0xc9: {  	[sflag:s7] =	ssyncadd.s32 @p0 $0xFFFFF380;
	s7 =	sadd.s32 @p0 $0x2D10, s19;
	s19 =	simm.s32 @p0 $0xA280  }
0xca: {  	[spmem:s2] =	stream.indirect.scatter.add.f32 @p0 [tilespmem:s19], [sflag:$0xF], $0x40, s7, s20, $0xb8;
	[tilespmem:$0x157C0] =	vst v63  }
0xcb: {  	s7 =	simm.s32 @p0 $0xE  }
0xcc: {  	_ =	swait.ge @p0 [sflag:s7], $0xC80  }
0xcd: {  	[sflag:s7] =	ssyncset.done @p0 $0x0  }
0xce: {  	[sflag:s7] =	ssyncadd.s32 @p0 $0xFFFFF380;
	s7 =	sadd.s32 @!p0 $0x2A0, s17  }
0xcf: {  	[tilespmem:s21], [sflag:$0x5] =	stream.indirect.gather @!p0 [hbm4b:s1+s18], $0x40, s7, s18, $0xb8;
	[tilespmem:$0x157C0] =	vst v63  }
0xd0: {  	s7 =	simm.s32 @!p0 $0x7  }
0xd1: {  	_ =	swait.ge @!p0 [sflag:s7], $0xC80  }
0xd2: {  	[sflag:s7] =	ssyncset.done @!p0 $0x0  }
0xd3: {  	s19 =	simm.s32 @!p0 $0xA280;
	[sflag:s7] =	ssyncadd.s32 @!p0 $0xFFFFF380;
	s7 =	sadd.s32 @!p0 $0x2D10, s17  }
0xd4: {  	[spmem:s2] =	stream.indirect.scatter.add.f32 @!p0 [tilespmem:s19], [sflag:$0xF], $0x40, s7, s18, $0xb8;
	[tilespmem:$0x157C0] =	vst v63  }
0xd5: {  	s7 =	simm.s32 @!p0 $0xE  }
0xd6: {  	_ =	swait.ge @!p0 [sflag:s7], $0xC80  }
0xd7: {  	[sflag:s7] =	ssyncset.done @!p0 $0x0  }
0xd8: {  	[sflag:s7] =	ssyncadd.s32 @!p0 $0xFFFFF380;
	s7 =	sadd.s32 @!p0 $0x2D8, s17;
	s17 =	simm.s32 @!p0 $0x9600  }
0xd9: {  	[tilespmem:s17], [sflag:$0x6] =	stream.indirect.gather @!p0 [hbm4b:s1+s18], $0x40, s7, s18, $0xb8;
	[tilespmem:$0x157C0] =	vst v63  }
0xda: {  	_ =	swait.ge [sflag:s11], $0xC80  }
0xdb: {  	[sflag:s11] =	ssyncset.done $0x0  }
.Ltmp3:
0xdc: {  	s25 =	sadd.s32 $0x2D48, s16;
	[sflag:s11] =	ssyncadd.s32 $0xFFFFF380;
	(pc) =	sbr.rel @p0 .LBB2_6-.Ltmp3, $4  }
0xdd: {  	[spmem:s2] =	stream.indirect.scatter.add.f32 [tilespmem:s30], [sflag:$0x10], $0x40, s25, s26, $0xb8;
	[tilespmem:$0x157C0] =	vst v63  }
0xde: {  	_ =	swait.ge [sflag:s12], $0xC80  }
0xdf: {  	[sflag:s12] =	ssyncset.done $0x0  }
0xe0: {  	[sflag:s12] =	ssyncadd.s32 $0xFFFFF380  }
.Ltmp4:
0xe1: {  	(pc) =	sbr.rel .LBB2_4-.Ltmp4, $3  }
0xe2: {  	_ =	sdelay $0x1  }
0xe3: {  	s7 =	sadd.s32 $0x310, s16;
	s15 =	sadd.s32 $0x700, s15  }
0xe4: {  	[tilespmem:s23], [sflag:$0x7] =	stream.indirect.gather [hbm4b:s1+s26], $0x40, s7, s26, $0xb8;
	[tilespmem:$0x157C0] =	vst v63  }
.LBB2_7:
0xe5: {  	_ =	sfence.sel $0x180000  }
0xe6: {  	[bflag:$0x0] =	sbarrier.arrive $0xFFFF  }
0xe7: {  	_ =	strace $0x9000004D  }
0xe8: {  	s0 =	stileid.u32;
	[bflag:$0x2] =	sbarrier.arrive $0xFFFF  }
0xe9: {  	p0 =	sne.s32 s0, $0x0;
	s0 =	rddreg [dreg:$0x3]  }
0xea: {  	s0 =	sadd.s32 @!p0 $0x100000, s0  }
0xeb: {  	[sflag:s0] =	ssyncadd.tile.s32 @!p0 $0x1;
	_ =	shalt  }
.Lfunc_end2:
_tile_overlayer_lowered:
.L_overlay_start_2:
0xec: {  	(tag) =	ssettag $0x2  }
0xed: {  	s0 =	rddreg [dreg:$0x0];
	s2 =	stileid.u32  }
0xee: {  	s1 =	rddreg [dreg:$0x1];
	p0 =	sne.s32 s2, $0x0  }
0xef: {  	s3 =	rddreg [dreg:$0x2];
	[bflag:$0x3] =	sbarrier.arrive $0xFFFF;
	s2 =	simm.s32 @!p0 $0x1C11  }
0xf0: {  	[timem:s3], [sflag:s2] =	dma.local @!p0 [hbm:s0], s1  }
0xf1: {  	s0 =	simm.s32 @!p0 $0x11  }
0xf2: {  	_ =	swait.ge @!p0 [sflag:s0], s1  }
0xf3: {  	s1 =	ssub.s32 @!p0 $0x0, s1;
	[sflag:s0] =	ssyncset.done @!p0 $0x0  }
0xf4: {  	[sflag:s0] =	ssyncadd.s32 @!p0 s1  }
0xf5: {  	[bflag:$0x3] =	sbarrier.arrive $0xFFFF  }
0xf6: {  	_ =	shalt  }

// kernel: kernel.8.cloned.1.call-start
scs
__scs_entry_jumppad:
0x0: {  	(pc) =	sbr.rel $0x88, $3  }
0x1: {  	(tag) =	ssettag $0x0;
	lr =	simm.s32 $0x1  }
0x2: {  	[smem:$0x3F9B] =	sst lr;
	_ =	strace $0xD0000000  }
0x3: {  	_ = 	snop  }
0x4: {  	_ = 	snop  }
0x5: {  	_ = 	snop  }
0x6: {  	_ = 	snop  }
0x7: {  	_ = 	snop  }
__scs_overlays_trampoline_lowered:
0x8: {  	[smem:$0x3FAA] =	sst s0  }
0x9: {  	[smem:$0x3FAB] =	sst s1  }
0xa: {  	[smem:$0x3FAC] =	sst s2  }
0xb: {  	[smem:$0x3FAD] =	sst s3  }
0xc: {  	[smem:$0x3FAE] =	sst s4  }
0xd: {  	[smem:$0x3FAF] =	sst s5  }
0xe: {  	[smem:$0x3FB0] =	sst s6  }
0xf: {  	[smem:$0x3FB1] =	sst s7  }
0x10: {  	[smem:$0x3FB2] =	sst s8  }
0x11: {  	[smem:$0x3FB3] =	sst s9;
	s0 =	simm.s32 @!p0 $0x0  }
0x12: {  	s1 =	sld [smem:$0x3F99];
	s0 =	simm.s32 @p0 $0x1  }
0x13: {  	[smem:$0x3FB4] =	sst s0;
	s0 =	simm.s32 @!p1 $0x0  }
0x14: {  	s2 =	sld [smem:$0x3F98];
	s0 =	simm.s32 @p1 $0x1  }
0x15: {  	[smem:$0x3FB5] =	sst s0;
	s0 =	simm.s32 @!p2 $0x0  }
0x16: {  	s3 =	sld [smem:$0x3FDB];
	s0 =	simm.s32 @p2 $0x1  }
0x17: {  	s4 =	simm.s32 $0x1BF5;
	[smem:$0x3FB7] =	sst s0  }
0x18: {  	s0 =	sld [smem:$0x3F9A];
	_ =	swait.ge [sflag:s4], $0x0  }
0x19: {  	s7 =	sld [smem:$0x3F9B]  }
0x1a: {  	s8 =	sadd.s32 $0xFFFFE003, lr  }
0x1b: {  	s9 =	sadd.s32 $0xFFFFFEF7, lr;
	s5 =	simm.s32 $0xFFFFFFFF;
	p2 =	slt.u32 s8, $0xFFFFF086  }
0x1c: {  	p1 =	slt.u32 s9, $0xF7A;
	s5 =	simm.s32 @!p2 $0x0  }
0x1d: {  	s5 =	simm.s32 @p1 $0x1;
	p0 =	seq.s32 s7, s2  }
0x1e: {  	s7 =	smul.u32 @!p0 $0xF7A, s2;
	p2 =	seq.s32 @!p0 s5, $0x0  }
0x1f: {  	s9 =	smul.u32 $0xF7A, s1;
	s8 =	simm.s32 @!p0 $0x1BF5;
	p2 =	por !p2, p0  }
0x20: {  	[sflag:s8] =	ssyncset.s32 @!p0 $0xFFFFF086;
	s6 =	sadd.s32 @!p0 s3, s7;
	s7 =	simm.s32 @!p0 $0x108  }
0x21: {  	s3 =	sadd.s32 s3, s9;
	s6 =	sadd.s32 @!p0 $0x88, s6;
	s7 =	simm.s32 @p2 $0x1082  }
0x22: {  	[simem:s7], [sflag:s8] =	dma.local @!p0 [hbm:s6], $0xF7A  }
0x23: {  	s9 =	sor.u32 $0xD0000000, s2;
	s6 =	simm.s32 $0x108;
	_ =	swait.ge @!p0 [sflag:s8], $0x0  }
0x24: {  	s3 =	sadd.s32 $0x88, s3;
	s6 =	simm.s32 @!p1 $0x1082;
	[sflag:s4] =	ssyncset.s32 $0xFFFFF086  }
0x25: {  	[simem:s6], [sflag:s4] =	dma.local [hbm:s3], $0xF7A  }
0x26: {  	[smem:$0x3F9B] =	sst s1;
	(tag) =	ssettag s2;
	_ =	strace s9  }
0x27: {  	s1 =	sld [smem:$0x3FAB]  }
0x28: {  	s2 =	sld [smem:$0x3FAC]  }
0x29: {  	s4 =	sld [smem:$0x3FAE]  }
0x2a: {  	p0 =	seq.s32 s5, $0x0;
	s5 =	sld [smem:$0x3FAF]  }
0x2b: {  	s6 =	sld [smem:$0x3FB0]  }
0x2c: {  	s7 =	sld [smem:$0x3FB1]  }
0x2d: {  	s3 =	simm.s32 $0x108;
	s8 =	sld [smem:$0x3FB2]  }
0x2e: {  	s3 =	simm.s32 @!p0 $0x1082;
	s9 =	sld [smem:$0x3FB3]  }
0x2f: {  	lr =	sadd.s32 s0, s3;
	s0 =	sld [smem:$0x3FAA]  }
0x30: {  	s3 =	sld [smem:$0x3FAD]  }
0x31: {  	[smem:$0x3FB6] =	sst s10  }
0x32: {  	s10 =	sld [smem:$0x3FB4];
	_ =	sdelay $0x3  }
0x33: {  	p0 =	seq.s32 s10, $0x1;
	s10 =	sld [smem:$0x3FB6];
	_ =	sdelay $0x3  }
0x34: {  	[smem:$0x3FB6] =	sst s10  }
0x35: {  	s10 =	sld [smem:$0x3FB5];
	_ =	sdelay $0x3  }
0x36: {  	p1 =	seq.s32 s10, $0x1;
	s10 =	sld [smem:$0x3FB6];
	_ =	sdelay $0x3  }
0x37: {  	[smem:$0x3FB6] =	sst s10  }
0x38: {  	s10 =	sld [smem:$0x3FB7]  }
0x39: {  	_ = 	snop;
	(pc) =	sbr.ind lr, $3  }
0x3a: {  	_ = 	snop  }
0x3b: {  	_ = 	snop  }
0x3c: {  	p2 =	seq.s32 s10, $0x1;
	s10 =	sld [smem:$0x3FB6]  }
0x3d: {  	_ =	shalt  }
0x3e: {  	_ =	shalt  }
0x3f: {  	_ =	shalt  }
0x40: {  	_ =	shalt  }
0x41: {  	_ =	shalt  }
0x42: {  	_ =	shalt  }
0x43: {  	_ =	shalt  }
0x44: {  	_ =	shalt  }
0x45: {  	_ =	shalt  }
0x46: {  	_ =	shalt  }
0x47: {  	_ =	shalt  }
0x48: {  	_ =	shalt  }
0x49: {  	_ =	shalt  }
0x4a: {  	_ =	shalt  }
0x4b: {  	_ =	shalt  }
0x4c: {  	_ =	shalt  }
0x4d: {  	_ =	shalt  }
0x4e: {  	_ =	shalt  }
0x4f: {  	_ =	shalt  }
0x50: {  	_ =	shalt  }
0x51: {  	_ =	shalt  }
0x52: {  	_ =	shalt  }
0x53: {  	_ =	shalt  }
0x54: {  	_ =	shalt  }
0x55: {  	_ =	shalt  }
0x56: {  	_ =	shalt  }
0x57: {  	_ =	shalt  }
0x58: {  	_ =	shalt  }
0x59: {  	_ =	shalt  }
0x5a: {  	_ =	shalt  }
0x5b: {  	_ =	shalt  }
0x5c: {  	_ =	shalt  }
0x5d: {  	_ =	shalt  }
0x5e: {  	_ =	shalt  }
0x5f: {  	_ =	shalt  }
0x60: {  	_ =	shalt  }
0x61: {  	_ =	shalt  }
0x62: {  	_ =	shalt  }
0x63: {  	_ =	shalt  }
0x64: {  	_ =	shalt  }
0x65: {  	_ =	shalt  }
0x66: {  	_ =	shalt  }
0x67: {  	_ =	shalt  }
0x68: {  	_ =	shalt  }
0x69: {  	_ =	shalt  }
0x6a: {  	_ =	shalt  }
0x6b: {  	_ =	shalt  }
0x6c: {  	_ =	shalt  }
0x6d: {  	_ =	shalt  }
0x6e: {  	_ =	shalt  }
0x6f: {  	_ =	shalt  }
0x70: {  	_ =	shalt  }
0x71: {  	_ =	shalt  }
0x72: {  	_ =	shalt  }
0x73: {  	_ =	shalt  }
0x74: {  	_ =	shalt  }
0x75: {  	_ =	shalt  }
0x76: {  	_ =	shalt  }
0x77: {  	_ =	shalt  }
0x78: {  	_ =	shalt  }
0x79: {  	_ =	shalt  }
0x7a: {  	_ =	shalt  }
0x7b: {  	_ =	shalt  }
0x7c: {  	_ =	shalt  }
0x7d: {  	_ =	shalt  }
0x7e: {  	_ =	shalt  }
0x7f: {  	_ =	shalt  }
0x80: {  	_ =	shalt  }
0x81: {  	_ =	shalt  }
0x82: {  	_ =	shalt  }
0x83: {  	_ =	shalt  }
0x84: {  	_ =	shalt  }
0x85: {  	_ =	shalt  }
0x86: {  	_ =	shalt  }
0x87: {  	_ =	shalt  }
.Lfunc_end0:
.L_simem_size_0:
called_computation_lowered:
.L_overlay_start_0:
0x88: {  	s2 =	sld [smem:$0x3FD9]  }
0x89: {  	s3 =	sld [smem:$0x3FFE];
	_ =	sdelay $0x1  }
0x8a: {  	s1 =	srdreg.scid  }
0x8b: {  	s0 =	sand.u32 $0x1, s1  }
0x8c: {  	s17 =	sshll.u32 s0, $0xA;
	s2 =	sadd.s32 s3, s2  }
0x8d: {  	s2 =	sadd.s32 s2, s17  }
0x8e: {  	[smem:$0x3FC2] =	sst s2  }
0x8f: {  	_ = 	snop  }
0x90: {  	s2 =	sld [smem:$0x3FD0];
	(tm) =	ssettm $0x1  }
0x91: {  	s18 =	sld [smem:$0x3FFB];
	_ =	sdelay $0x3  }
0x92: {  	_ =	strace s18  }
0x93: {  	s3 =	sld [smem:$0x3FFC];
	_ =	sdelay $0x3  }
0x94: {  	_ =	strace s3  }
0x95: {  	s3 =	sld [smem:$0x3FFD];
	_ =	sdelay $0x3  }
0x96: {  	_ =	strace s3  }
0x97: {  	_ =	strace $0x8FFFFFFF  }
0x98: {  	s19 =	sld [smem:$0x3FDB];
	_ =	sdelay $0x1  }
0x99: {  	s4 =	simm.s32 $_scs_section_size  }
0x9a: {  	s5 =	simm.s32 $_size__tile_overlayer_lowered;
	s6 =	simm.s32 $_tile_overlayer_lowered  }
0x9b: {  	s22 =	simm.s32 $0x1BFF;
	s21 =	sshll.u32 s6, $0x1;
	s3 =	sadd.s32 s4, s19  }
0x9c: {  	s7 =	simm.s32 $0x0;
	s20 =	sshll.u32 s5, $0x1;
	s5 =	sadd.s32 s21, s3  }
0x9d: {  	[timem:s7], [sflag:s22] =	dma.local [hbm:s5], s20  }
0x9e: {  	_ =	swait.ge [sflag:s22], s20  }
0x9f: {  	s4 =	ssub.s32 $0x0, s20;
	[sflag:s22] =	ssyncset.done $0x0  }
0xa0: {  	[sflag:s22] =	ssyncadd.s32 s4;
	_ =	sdelay $0x1  }
0xa1: {  	s23 =	simm.s32 $0x1B8B  }
0xa2: {  	_ =	swait.ge [sflag:s23], $0x1  }
0xa3: {  	[sflag:s23] =	ssyncset.done $0x0  }
0xa4: {  	s25 =	simm.s32 $0x1B8E;
	s24 =	sld [smem:$0x3FFE];
	[sflag:s23] =	ssyncadd.s32 $0xFFFFFFFF  }
0xa5: {  	s26 =	simm.s32 $execute0_lowered;
	[smem:$0x3FD2] =	sst s25  }
0xa6: {  	s5 =	sshll.u32 s26, $0x1;
	_ =	strace $0x80000046;
	[dreg:$0x1] =	wrdreg $0xFFFFFFFF  }
0xa7: {  	s28 =	simm.s32 $_size_execute0_lowered;
	s3 =	sadd.s32 s3, s5;
	[dreg:$0x0] =	wrdreg $0x0  }
0xa8: {  	s5 =	sshll.u32 s28, $0x1;
	[dreg:$0x2] =	wrdreg s3  }
0xa9: {  	[dreg:$0x3] =	wrdreg s5  }
0xaa: {  	[dreg:$0x4] =	wrdreg $0xC0  }
0xab: {  	_ =	task [dreg:s7], $0x5FFFF  }
0xac: {  	[dreg:$0x1] =	wrdreg $0xFFFFFFFF  }
0xad: {  	[dreg:$0x0] =	wrdreg $0x60  }
0xae: {  	[dreg:$0x2] =	wrdreg s2  }
0xaf: {  	[dreg:$0x3] =	wrdreg s24  }
0xb0: {  	[dreg:$0x4] =	wrdreg $0x5F500  }
0xb1: {  	[dreg:$0x5] =	wrdreg $0x86600  }
0xb2: {  	[dreg:$0x6] =	wrdreg $0x9  }
0xb3: {  	_ =	task.clear_ibuf [dreg:s7], $0x7FFFF;
	_ =	strace $0x90000046  }
0xb4: {  	s29 =	simm.s32 $0x9;
	_ =	strace $0x80000048  }
0xb5: {  	_ =	swait.ge [sflag:s29], $0x1  }
0xb6: {  	[sflag:s29] =	ssyncadd.s32 $0xFFFFFFFF  }
0xb7: {  	_ =	strace $0x90000048  }
0xb8: {  	_ =	sfence  }
0xb9: {  	s30 =	sld [smem:$0x0];
	_ =	sdelay $0x2  }
0xba: {  	s31 =	sshll.u32 s1, $0xD;
	s1 =	sshrl.u32 s1, $0x2  }
0xbb: {  	s3 =	sand.u32 $0x4000, s31;
	s1 =	sadd.s32 s1, s30  }
0xbc: {  	s0 =	sor.u32 s3, s0;
	s1 =	sshll.u32 s1, $0x11  }
0xbd: {  	s0 =	sor.u32 s1, s0  }
0xbe: {  	s0 =	sadd.s32 $0x8F2B, s0  }
0xbf: {  	[sflag:s0] =	ssyncadd.remote.s32 $0x1  }
0xc0: {  	_ =	sfence.sel $0xFFFF  }
0xc1: {  	[dreg:$0x0] =	wrdreg $0xFFFFFFFF;
	(pc) =	sbr.abs _section_cstart, $3  }
0xc2: {  	[dreg:$0x1] =	wrdreg $0xFFFFFFFF  }
0xc3: {  	_ =	task.clear_ibuf [dreg:s7], $0x2FFFF;
	_ =	strace $0x9FFFFFFF  }
0xc4: {  	(tm) =	ssettm $0x7FFFFFFF  }
0xc5: {  	_ =	shalt  }
tec
execute0_lowered:
.L_overlay_start_1:
0x0: {  	(tag) =	ssettag $0x1  }
0x1: {  	s0 =	rddreg [dreg:$0x0]  }
0x2: {  	s1 =	rddreg [dreg:$0x1]  }
0x3: {  	s2 =	rddreg [dreg:$0x2]  }
0x4: {  	s4 =	srdreg.scid;
	s3 =	rddreg [dreg:$0x3]  }
0x5: {  	s7 =	stileid.u32;
	s20 =	simm.s32 $0x3;
	s21 =	simm.s32 $0x28A0  }
0x6: {  	s22 =	simm.s32 $0x5780;
	s29 =	simm.s32 $0x2970;
	s30 =	simm.s32 $0x1  }
0x7: {  	s31 =	simm.s32 $0x2;
	s5 =	sand.u32 $0x1, s4;
	s17 =	smul.u32 $0x2710, s7  }
0x8: {  	s4 =	simm.s32 $0x0;
	s6 =	sshll.u32 s5, $0x4;
	s23 =	smul.u32 $0x27100, s5  }
0x9: {  	[smem:$0x7FF] =	sst s4;
	s5 =	ssub.s32 $0x2, s5;
	s6 =	sor.u32 s7, s6  }
0xa: {  	_ =	strace $0x80000047;
	s9 =	sshrl.u32 s5, $0x1;
	s10 =	sadd.s32 s17, s3  }
0xb: {  	s24 =	sadd.s32 $0x7D0, s17;
	s25 =	sadd.s32 $0xFA0, s17;
	s26 =	sadd.s32 $0x1770, s17  }
0xc: {  	s28 =	sadd.s32 $0x1F40, s17;
	s6 =	smul.u32 $0x514, s6;
	s7 =	sadd.s32 s17, s23  }
0xd: {  	s11 =	ssub.s32 s5, s9;
	s12 =	sadd.s32 s24, s2;
	s13 =	sadd.s32 s24, s3  }
0xe: {  	s14 =	sadd.s32 s25, s2;
	s15 =	sadd.s32 s25, s3;
	s16 =	sadd.s32 s26, s2  }
0xf: {  	s18 =	sadd.s32 s28, s2;
	s19 =	sadd.s32 s28, s3;
	s23 =	simm.s32 $0x64  }
0x10: {  	s24 =	simm.s32 $0x5140;
	s7 =	sshrl.u32 s7, $0x3;
	s11 =	smax.u32 s11, $0x1  }
0x11: {  	s8 =	sadd.s32 s6, s1;
	s1 =	sadd.s32 s7, s1;
	s5 =	sadd.s32 s0, s6  }
0x12: {  	s0 =	simm.s32 $0x0;
	s6 =	sadd.s32 $0x2000, s8;
	s7 =	sadd.s32 $0x16200, s1  }
0x13: {  	v0 =	vimm.f32 $1.000000000e+00;
	v1 =	vimm.f32 $0.0e+00;
	s8 =	sadd.s32 s17, s2;
	s9 =	sadd.s32 $0xC400, s1;
	s17 =	sadd.s32 s26, s3  }
.LBB2_1:
0x14: {  	[tilespmem:s4], [sflag:$0x3] =	stream.linear.gather [hbm4b:s5+s4], $0x28A0, $0x38;
	[tilespmem:$0xAD70] =	vst v63  }
0x15: {  	_ =	swait.ge [sflag:s20], $0x28A0  }
0x16: {  	[sflag:s20] =	ssyncset.done $0x0  }
0x17: {  	[sflag:s20] =	ssyncadd.s32 $0xFFFFD760  }
0x18: {  	[tilespmem:s21], [sflag:$0x3] =	stream.linear.gather [hbm4b:s6+s4], $0x28A0, $0x38;
	[tilespmem:$0xAD70] =	vst v63  }
0x19: {  	_ =	swait.ge [sflag:s20], $0x28A0  }
0x1a: {  	[sflag:s20] =	ssyncset.done $0x0  }
0x1b: {  	s1 =	simm.s32 $0x0;
	[sflag:s20] =	ssyncadd.s32 $0xFFFFD760  }
.LBB2_2:
0x1c: {  	p0 =	sne.s32 s1, $0x18C0  }
.Ltmp0:
0x1d: {  	_ = 	snop;
	(pc) =	sbr.rel @p0 .LBB2_2-.Ltmp0, $3  }
0x1e: {  	_ =	sdelay $0x1  }
0x1f: {  	s25 =	sshra.s32 s1, $0x2  }
0x20: {  	s1 =	sadd.s32 $0x40, s1;
	[tilespmem:s25+$0x5140] =	vst v0  }
0x21: {  	s1 =	simm.s32 $0x40;
	s25 =	simm.s32 $0x0  }
.LBB2_4:
0x22: {  	p0 =	sne.s32 s1, $0x1F00;
	[tilespmem:s25+$0x5780] =	vst v1;
	s25 =	smov.u32 s1;
	s1 =	sadd.s32 $0x40, s1  }
.Ltmp1:
0x23: {  	(pc) =	sbr.rel @p0 .LBB2_4-.Ltmp1, $2  }
0x24: {  	_ =	sdelay $0x2  }
0x25: {  	s25 =	sshra.s32 s25, $0x2  }
0x26: {  	[tilespmem:s25+$0x5780] =	vst v1  }
0x27: {  	[spmem:s8] =	stream.linear.scatter [tilespmem:s22], [sflag:$0x3], $0x7D0, $0x38;
	[tilespmem:$0xAD70] =	vst v63  }
0x28: {  	_ =	swait.ge [sflag:s20], $0x7D0  }
0x29: {  	[sflag:s20] =	ssyncset.done $0x0  }
0x2a: {  	[sflag:s20] =	ssyncadd.s32 $0xFFFFF830  }
0x2b: {  	[spmem:s10] =	stream.linear.scatter [tilespmem:s22], [sflag:$0x3], $0x7D0, $0x38;
	[tilespmem:$0xAD70] =	vst v63  }
0x2c: {  	_ =	swait.ge [sflag:s20], $0x7D0  }
0x2d: {  	[sflag:s20] =	ssyncset.done $0x0  }
0x2e: {  	[sflag:s20] =	ssyncadd.s32 $0xFFFFF830  }
0x2f: {  	[spmem:s12] =	stream.linear.scatter [tilespmem:s22], [sflag:$0x3], $0x7D0, $0x38;
	[tilespmem:$0xAD70] =	vst v63  }
0x30: {  	_ =	swait.ge [sflag:s20], $0x7D0  }
0x31: {  	[sflag:s20] =	ssyncset.done $0x0  }
0x32: {  	[sflag:s20] =	ssyncadd.s32 $0xFFFFF830  }
0x33: {  	[spmem:s13] =	stream.linear.scatter [tilespmem:s22], [sflag:$0x3], $0x7D0, $0x38;
	[tilespmem:$0xAD70] =	vst v63  }
0x34: {  	_ =	swait.ge [sflag:s20], $0x7D0  }
0x35: {  	[sflag:s20] =	ssyncset.done $0x0  }
0x36: {  	[sflag:s20] =	ssyncadd.s32 $0xFFFFF830  }
0x37: {  	[spmem:s14] =	stream.linear.scatter [tilespmem:s22], [sflag:$0x3], $0x7D0, $0x38;
	[tilespmem:$0xAD70] =	vst v63  }
0x38: {  	_ =	swait.ge [sflag:s20], $0x7D0  }
0x39: {  	[sflag:s20] =	ssyncset.done $0x0  }
0x3a: {  	[sflag:s20] =	ssyncadd.s32 $0xFFFFF830  }
0x3b: {  	[spmem:s15] =	stream.linear.scatter [tilespmem:s22], [sflag:$0x3], $0x7D0, $0x38;
	[tilespmem:$0xAD70] =	vst v63  }
0x3c: {  	_ =	swait.ge [sflag:s20], $0x7D0  }
0x3d: {  	[sflag:s20] =	ssyncset.done $0x0  }
0x3e: {  	[sflag:s20] =	ssyncadd.s32 $0xFFFFF830  }
0x3f: {  	[spmem:s16] =	stream.linear.scatter [tilespmem:s22], [sflag:$0x3], $0x7D0, $0x38;
	[tilespmem:$0xAD70] =	vst v63  }
0x40: {  	_ =	swait.ge [sflag:s20], $0x7D0  }
0x41: {  	[sflag:s20] =	ssyncset.done $0x0  }
0x42: {  	[sflag:s20] =	ssyncadd.s32 $0xFFFFF830  }
0x43: {  	[spmem:s17] =	stream.linear.scatter [tilespmem:s22], [sflag:$0x3], $0x7D0, $0x38;
	[tilespmem:$0xAD70] =	vst v63  }
0x44: {  	_ =	swait.ge [sflag:s20], $0x7D0  }
0x45: {  	[sflag:s20] =	ssyncset.done $0x0  }
0x46: {  	[sflag:s20] =	ssyncadd.s32 $0xFFFFF830  }
0x47: {  	[spmem:s18] =	stream.linear.scatter [tilespmem:s22], [sflag:$0x3], $0x7D0, $0x38;
	[tilespmem:$0xAD70] =	vst v63  }
0x48: {  	_ =	swait.ge [sflag:s20], $0x7D0  }
0x49: {  	[sflag:s20] =	ssyncset.done $0x0  }
0x4a: {  	[sflag:s20] =	ssyncadd.s32 $0xFFFFF830  }
0x4b: {  	[spmem:s19] =	stream.linear.scatter [tilespmem:s22], [sflag:$0x3], $0x7D0, $0x38;
	[tilespmem:$0xAD70] =	vst v63  }
0x4c: {  	_ =	swait.ge [sflag:s20], $0x7D0  }
0x4d: {  	[sflag:s20] =	ssyncset.done $0x0  }
0x4e: {  	[sflag:s20] =	ssyncadd.s32 $0xFFFFF830  }
0x4f: {  	[bflag:$0x0] =	sbarrier.arrive $0xFFFF  }
0x50: {  	[spmem:s2] =	stream.indirect.scatter.add.f32 [tilespmem:s24], [sflag:$0x1], $0x10, s4, s23, $0xb8;
	[tilespmem:$0xAD70] =	vst v63  }
0x51: {  	_ = 	snop  }
0x52: {  	[spmem:s3] =	stream.indirect.scatter.add.f32 [tilespmem:s24], [sflag:$0x2], $0x10, s21, s23, $0xb8;
	[tilespmem:$0xAD70] =	vst v63  }
0x53: {  	s1 =	simm.s32 $0x68  }
0x54: {  	[spmem:s2] =	stream.indirect.scatter.add.f32 [tilespmem:s24], [sflag:$0x1], $0x10, s1, s23, $0xb8;
	[tilespmem:$0xAD70] =	vst v63  }
0x55: {  	s28 =	simm.s32 $0x2908  }
0x56: {  	[spmem:s3] =	stream.indirect.scatter.add.f32 [tilespmem:s24], [sflag:$0x2], $0x10, s28, s23, $0xb8;
	[tilespmem:$0xAD70] =	vst v63  }
0x57: {  	s25 =	simm.s32 $0xD0  }
0x58: {  	[spmem:s2] =	stream.indirect.scatter.add.f32 [tilespmem:s24], [sflag:$0x1], $0x10, s25, s23, $0xb8;
	[tilespmem:$0xAD70] =	vst v63  }
0x59: {  	_ = 	snop  }
0x5a: {  	[spmem:s3] =	stream.indirect.scatter.add.f32 [tilespmem:s24], [sflag:$0x2], $0x10, s29, s23, $0xb8;
	[tilespmem:$0xAD70] =	vst v63  }
0x5b: {  	s26 =	simm.s32 $0x138  }
0x5c: {  	[spmem:s2] =	stream.indirect.scatter.add.f32 [tilespmem:s24], [sflag:$0x1], $0x10, s26, s23, $0xb8;
	[tilespmem:$0xAD70] =	vst v63  }
0x5d: {  	s28 =	simm.s32 $0x29D8  }
0x5e: {  	[spmem:s3] =	stream.indirect.scatter.add.f32 [tilespmem:s24], [sflag:$0x2], $0x10, s28, s23, $0xb8;
	[tilespmem:$0xAD70] =	vst v63  }
0x5f: {  	_ =	swait.ge [sflag:s30], $0x640  }
0x60: {  	[sflag:s30] =	ssyncset.done $0x0  }
0x61: {  	[sflag:s30] =	ssyncadd.s32 $0xFFFFF9C0  }
0x62: {  	_ =	swait.ge [sflag:s31], $0x640  }
0x63: {  	s1 =	simm.s32 $0x680;
	s25 =	simm.s32 $0x820;
	[sflag:s31] =	ssyncset.done $0x0  }
.LBB2_6:
0x64: {  	s26 =	sshra.s32 s1, $0x2  }
0x65: {  	[sflag:s31] =	ssyncadd.s32 $0xFFFFF9C0;
	s1 =	smov.u32 s25;
	s28 =	sadd.s32 $0x1A0, s25  }
0x66: {  	[spmem:s2] =	stream.indirect.scatter.add.f32 [tilespmem:s24], [sflag:$0x1], $0x10, s26, s23, $0xb8;
	[tilespmem:$0xAD70] =	vst v63  }
0x67: {  	p0 =	sne.s32 s25, $0xA0E0;
	s25 =	sadd.s32 $0x28A0, s26  }
0x68: {  	[spmem:s3] =	stream.indirect.scatter.add.f32 [tilespmem:s24], [sflag:$0x2], $0x10, s25, s23, $0xb8;
	[tilespmem:$0xAD70] =	vst v63  }
.Ltmp2:
0x69: {  	_ =	swait.ge [sflag:s30], $0x640;
	(pc) =	sbr.rel @p0 .LBB2_6-.Ltmp2, $4  }
0x6a: {  	[sflag:s30] =	ssyncset.done $0x0  }
0x6b: {  	[sflag:s30] =	ssyncadd.s32 $0xFFFFF9C0  }
0x6c: {  	_ =	swait.ge [sflag:s31], $0x640  }
0x6d: {  	s25 =	smov.u32 s28;
	[sflag:s31] =	ssyncset.done $0x0  }
0x6e: {  	s1 =	sshra.s32 s1, $0x2;
	[sflag:s31] =	ssyncadd.s32 $0xFFFFF9C0  }
0x6f: {  	[spmem:s2] =	stream.indirect.scatter.add.f32 [tilespmem:s24], [sflag:$0x1], $0x10, s1, s23, $0xb8;
	[tilespmem:$0xAD70] =	vst v63  }
0x70: {  	s1 =	sadd.s32 $0x28A0, s1  }
0x71: {  	[spmem:s3] =	stream.indirect.scatter.add.f32 [tilespmem:s24], [sflag:$0x2], $0x10, s1, s23, $0xb8;
	[tilespmem:$0xAD70] =	vst v63  }
0x72: {  	_ =	swait.ge [sflag:s30], $0x640  }
0x73: {  	[sflag:s30] =	ssyncset.done $0x0  }
0x74: {  	[sflag:s30] =	ssyncadd.s32 $0xFFFFF9C0  }
0x75: {  	_ =	swait.ge [sflag:s31], $0x640  }
0x76: {  	[sflag:s31] =	ssyncset.done $0x0  }
0x77: {  	[sflag:s31] =	ssyncadd.s32 $0xFFFFF9C0  }
0x78: {  	_ =	swait.ge [sflag:s30], $0x640  }
0x79: {  	[sflag:s30] =	ssyncset.done $0x0  }
0x7a: {  	[sflag:s30] =	ssyncadd.s32 $0xFFFFF9C0  }
0x7b: {  	_ =	swait.ge [sflag:s31], $0x640  }
0x7c: {  	[sflag:s31] =	ssyncset.done $0x0  }
0x7d: {  	[sflag:s31] =	ssyncadd.s32 $0xFFFFF9C0  }
0x7e: {  	_ =	swait.ge [sflag:s30], $0x640  }
0x7f: {  	[sflag:s30] =	ssyncset.done $0x0  }
0x80: {  	[sflag:s30] =	ssyncadd.s32 $0xFFFFF9C0  }
0x81: {  	_ =	swait.ge [sflag:s31], $0x640  }
0x82: {  	[sflag:s31] =	ssyncset.done $0x0  }
0x83: {  	[sflag:s31] =	ssyncadd.s32 $0xFFFFF9C0  }
0x84: {  	_ =	swait.ge [sflag:s30], $0x640  }
0x85: {  	[sflag:s30] =	ssyncset.done $0x0  }
0x86: {  	[sflag:s30] =	ssyncadd.s32 $0xFFFFF9C0  }
0x87: {  	_ =	swait.ge [sflag:s31], $0x640  }
0x88: {  	s26 =	stileid.u32;
	[sflag:s31] =	ssyncset.done $0x0  }
0x89: {  	s1 =	sshll.u32 s26, $0x6;
	[sflag:s31] =	ssyncadd.s32 $0xFFFFF9C0  }
0x8a: {  	s25 =	sshrl.u32 s8, $0x3;
	s1 =	sor.u32 $0x1C03, s1;
	[bflag:$0x0] =	sbarrier.arrive $0xFFFF  }
0x8b: {  	[hbm:s7], [sflag:s1] =	dma.local [spmem:s25], $0x4E2  }
0x8c: {  	s0 =	sadd.s32 $0x1, s0;
	_ =	swait.ge [sflag:s20], $0x4E2  }
0x8d: {  	p0 =	sne.s32 s0, s11;
	[sflag:s20] =	ssyncset.done $0x0  }
.Ltmp3:
0x8e: {  	s28 =	sshrl.u32 s10, $0x3;
	[sflag:s20] =	ssyncadd.s32 $0xFFFFFB1E;
	(pc) =	sbr.rel @p0 .LBB2_1-.Ltmp3, $4  }
0x8f: {  	[hbm:s9], [sflag:s1] =	dma.local [spmem:s28], $0x4E2  }
0x90: {  	_ =	swait.ge [sflag:s20], $0x4E2  }
0x91: {  	[sflag:s20] =	ssyncset.done $0x0  }
0x92: {  	[sflag:s20] =	ssyncadd.s32 $0xFFFFFB1E  }
0x93: {  	_ =	sfence.sel $0x180000  }
0x94: {  	[bflag:$0x0] =	sbarrier.arrive $0xFFFF  }
0x95: {  	_ =	strace $0x90000047  }
0x96: {  	s0 =	stileid.u32;
	[bflag:$0x2] =	sbarrier.arrive $0xFFFF  }
0x97: {  	p0 =	sne.s32 s0, $0x0;
	s0 =	rddreg [dreg:$0x4]  }
0x98: {  	s0 =	sadd.s32 @!p0 $0x100000, s0  }
0x99: {  	[sflag:s0] =	ssyncadd.tile.s32 @!p0 $0x1;
	_ =	shalt  }
.Lfunc_end2:
_tile_overlayer_lowered:
.L_overlay_start_2:
0x9a: {  	(tag) =	ssettag $0x2  }
0x9b: {  	s0 =	rddreg [dreg:$0x0];
	s2 =	stileid.u32  }
0x9c: {  	s1 =	rddreg [dreg:$0x1];
	p0 =	sne.s32 s2, $0x0  }
0x9d: {  	s3 =	rddreg [dreg:$0x2];
	[bflag:$0x3] =	sbarrier.arrive $0xFFFF;
	s2 =	simm.s32 @!p0 $0x1C03  }
0x9e: {  	[timem:s3], [sflag:s2] =	dma.local @!p0 [hbm:s0], s1  }
0x9f: {  	s0 =	simm.s32 @!p0 $0x3  }
0xa0: {  	_ =	swait.ge @!p0 [sflag:s0], s1  }
0xa1: {  	s1 =	ssub.s32 @!p0 $0x0, s1;
	[sflag:s0] =	ssyncset.done @!p0 $0x0  }
0xa2: {  	[sflag:s0] =	ssyncadd.s32 @!p0 s1  }
0xa3: {  	[bflag:$0x3] =	sbarrier.arrive $0xFFFF  }
0xa4: {  	_ =	shalt  }

</sc_bundles>
